<compile_context>
chip_gen: v7x
topology: tpu7x:2x2x1
jax: 0.10.2.dev20260603
libtpu: 0.0.44.dev20260713+nightly
codegen_flags: <defaults>
</compile_context>

<pallas_src>
import functools

import jax
import jax.numpy as jnp
from jax import lax
from jax.experimental import pallas as pl
from jax.experimental.pallas import tpu as pltpu
from jax.experimental.pallas import tpu_sc as plsc

_DOF_BODY_IDS = [1, 2, 3, 4, 5, 6, 7, 8, 9, 10, 11, 12]
_DOF_SIZES = [3, 3, 3, 1, 3, 1, 3, 1, 3, 3, 1, 3]
_KEY_BODY_IDS = [5, 8, 13, 14]

_NC = 2
_NS = 16
_NW = _NC * _NS
_CHUNK = 128

_C_ROOT = 0
_C_KEY = 3
_C_LR = 15
_C_GR = 63
_PACK_W = 72




def _sc_gather_fn(n_queries):
    n_per_w = n_queries // _NW
    n_chunks = n_per_w // _CHUNK
    mesh = plsc.VectorSubcoreMesh(core_axis_name="c", subcore_axis_name="s",
                                  num_cores=_NC, num_subcores=_NS)

    @functools.partial(
        pl.kernel,
        mesh=mesh,
        compiler_params=pltpu.CompilerParams(use_tc_tiling_on_sc=False),
        out_type=[
            jax.ShapeDtypeStruct((n_queries, _PACK_W), jnp.float32),
            jax.ShapeDtypeStruct((n_queries, _PACK_W), jnp.float32),
        ],
        scratch_types=[
            pltpu.VMEM((_CHUNK,), jnp.int32),
            pltpu.VMEM((_CHUNK,), jnp.int32),
            pltpu.VMEM((_CHUNK, _PACK_W), jnp.float32),
            pltpu.VMEM((_CHUNK, _PACK_W), jnp.float32),
            pltpu.SemaphoreType.DMA,
        ],
    )
    def sc_gather(packed_hbm, i0_hbm, i1_hbm, p0_o, p1_o,
                  idx0, idx1, rows0, rows1, sem):
        wid = lax.axis_index("c") * _NS + lax.axis_index("s")
        base = wid * n_per_w
        for j in range(n_chunks):
            row = pl.ds(base + j * _CHUNK, _CHUNK)
            pltpu.sync_copy(i0_hbm.at[row], idx0)
            pltpu.sync_copy(i1_hbm.at[row], idx1)
            c0 = pltpu.async_copy(packed_hbm.at[idx0], rows0, sem)
            c1 = pltpu.async_copy(packed_hbm.at[idx1], rows1, sem)
            c0.wait()
            c1.wait()
            pltpu.sync_copy(rows0, p0_o.at[row])
            pltpu.sync_copy(rows1, p1_o.at[row])

    return sc_gather




def _acos(x):
    return jnp.arctan2(jnp.sqrt(jnp.maximum(1.0 - x * x, 0.0)), x)


def _slerp_t(q0, q1, t):
    cos_half = jnp.sum(q0 * q1, axis=0, keepdims=True)
    q1 = jnp.where(cos_half < 0, -q1, q1)
    cos_half = jnp.abs(cos_half)
    cos_c = jnp.clip(cos_half, -1.0, 1.0 - 1e-07)
    half_theta = _acos(cos_c)
    sin_half = jnp.sqrt(jnp.maximum(1.0 - cos_c * cos_c, 0.0))
    safe = jnp.abs(sin_half) >= 0.001
    denom = jnp.where(safe, sin_half, 1.0)
    ratio_a = jnp.sin((1.0 - t) * half_theta) / denom
    ratio_b = jnp.sin(t * half_theta) / denom
    new_q = ratio_a * q0 + ratio_b * q1
    new_q = jnp.where(safe, new_q, 0.5 * q0 + 0.5 * q1)
    new_q = jnp.where(cos_half >= 1.0, q0, new_q)
    return new_q


def _quat_to_angle_axis_t(q):
    min_theta = 1e-05
    qw = q[0:1, :]
    sin_theta = jnp.sqrt(jnp.maximum(1.0 - qw * qw, 0.0))
    angle = 2.0 * _acos(jnp.clip(qw, -1.0, 1.0))
    angle = jnp.arctan2(jnp.sin(angle), jnp.cos(angle))
    axis = q[1:4, :] / jnp.maximum(sin_theta, min_theta)
    mask = sin_theta > min_theta
    default_axis = jnp.concatenate(
        [jnp.zeros_like(axis[0:2, :]), jnp.ones_like(axis[0:1, :])], axis=0)
    angle = jnp.where(mask, angle, jnp.zeros_like(angle))
    axis = jnp.where(mask, axis, default_axis)
    return angle, axis


def _tc_math_body(bl_ref, p0_ref, p1_ref, rp_ref, rr_ref, dp_ref, kp_ref):
    b = bl_ref[...].T
    p0 = p0_ref[...].T
    p1 = p1_ref[...].T
    omb = 1.0 - b
    rp_ref[...] = (omb * p0[_C_ROOT:_C_ROOT + 3, :]
                   + b * p1[_C_ROOT:_C_ROOT + 3, :]).T
    kp_ref[...] = (omb * p0[_C_KEY:_C_KEY + 12, :]
                   + b * p1[_C_KEY:_C_KEY + 12, :]).T
    rr_ref[...] = _slerp_t(p0[_C_GR:_C_GR + 4, :],
                           p1[_C_GR:_C_GR + 4, :], b).T
    parts = []
    for j, size in enumerate(_DOF_SIZES):
        c = _C_LR + 4 * j
        q = _slerp_t(p0[c:c + 4, :], p1[c:c + 4, :], b)
        angle, axis = _quat_to_angle_axis_t(q)
        if size == 3:
            parts.append(angle * axis)
        else:
            th = angle * axis[1:2, :]
            th = jnp.arctan2(jnp.sin(th), jnp.cos(th))
            parts.append(th)
    dp_ref[...] = jnp.concatenate(parts, axis=0).T


def _tc_math(blend, p0, p1):
    n = blend.shape[0]
    blk = 512
    grid = (n // blk,)

    def rspec(c):
        return pl.BlockSpec((blk, c), lambda i: (i, 0))

    return pl.pallas_call(
        _tc_math_body,
        grid=grid,
        in_specs=[rspec(1), rspec(_PACK_W), rspec(_PACK_W)],
        out_specs=[rspec(3), rspec(4), rspec(28), rspec(12)],
        out_shape=[
            jax.ShapeDtypeStruct((n, 3), jnp.float32),
            jax.ShapeDtypeStruct((n, 4), jnp.float32),
            jax.ShapeDtypeStruct((n, 28), jnp.float32),
            jax.ShapeDtypeStruct((n, 12), jnp.float32),
        ],
    )(blend, p0, p1)




def kernel(global_translation, global_rotation, local_rotation,
           global_root_velocity, global_root_angular_velocity, dof_vels,
           motion_lengths, motion_num_frames, motion_dt, length_starts,
           motion_ids, motion_times):
    n = motion_ids.shape[0]
    motion_len = motion_lengths[motion_ids]
    num_frames = motion_num_frames[motion_ids]
    dtq = motion_dt[motion_ids]
    phase = jnp.clip(motion_times / motion_len, 0.0, 1.0)
    f0 = (phase * (num_frames.astype(jnp.float32) - 1.0)).astype(jnp.int32)
    f1 = jnp.minimum(f0 + 1, num_frames - 1)
    blend = jnp.clip(
        (motion_times - f0.astype(jnp.float32) * dtq) / dtq, 0.0, 1.0)
    ls = length_starts[motion_ids]
    i0f = (f0 + ls).astype(jnp.int32)
    i1f = (f1 + ls).astype(jnp.int32)

    t = global_translation.shape[0]
    packed = jnp.concatenate(
        [global_translation[:, 0, :]]
        + [global_translation[:, b, :] for b in _KEY_BODY_IDS]
        + [local_rotation[:, 1:13, :].reshape(t, 48),
           global_rotation[:, 0, :],
           jnp.zeros((t, _PACK_W - 67), jnp.float32)],
        axis=1)
    p0, p1 = _sc_gather_fn(n)(packed, i0f, i1f)
    root_vel = global_root_velocity[i0f]
    root_ang_vel = global_root_angular_velocity[i0f]
    dof_vel = dof_vels[i0f]
    root_pos, root_rot, dof_pos, key_pos = _tc_math(blend[:, None], p0, p1)
    return (root_pos, root_rot, dof_pos, root_vel, root_ang_vel, dof_vel,
            key_pos)

# --- scband reference (transcript-rebuilt; emitter-appended) ---
"""Pipeline reference for scband-motion-lib-16415365005804 (READ-ONLY COPY).

The authoritative reference and input builder live on the scoring server;
editing this copy changes nothing except your own understanding.
"""

import jax, jax.numpy as jnp
import numpy as np

NUM_BODIES = 15
NUM_DOF = 28
DOF_BODY_IDS = [1, 2, 3, 4, 5, 6, 7, 8, 9, 10, 11, 12]
DOF_OFFSETS = [0, 3, 6, 9, 10, 13, 14, 17, 18, 21, 24, 25, 28]
KEY_BODY_IDS = jnp.array([5, 8, 13, 14], dtype=jnp.int32)
NUM_MOTIONS = 128
FRAMES_PER_MOTION = 1024
FPS = 30.0
N_QUERIES = 16384


def normalize_angle(x):
    return jnp.arctan2(jnp.sin(x), jnp.cos(x))


def quat_to_angle_axis(q):
    min_theta = 1e-05
    qw = q[..., 0]
    sin_theta = jnp.sqrt(jnp.maximum(1.0 - qw * qw, 0.0))
    angle = 2.0 * jnp.arccos(jnp.clip(qw, -1.0, 1.0))
    angle = normalize_angle(angle)
    sin_theta_expand = sin_theta[..., None]
    axis = q[..., 1:4] / jnp.maximum(sin_theta_expand, min_theta)
    mask = sin_theta > min_theta
    default_axis = jnp.zeros_like(axis).at[..., -1].set(1.0)
    angle = jnp.where(mask, angle, jnp.zeros_like(angle))
    axis = jnp.where(mask[..., None], axis, default_axis)
    return angle, axis


def angle_axis_to_exp_map(angle, axis):
    return angle[..., None] * axis


def quat_to_exp_map(q):
    angle, axis = quat_to_angle_axis(q)
    return angle_axis_to_exp_map(angle, axis)


def slerp(q0, q1, t):
    cos_half_theta = jnp.sum(q0 * q1, axis=-1)
    neg_mask = cos_half_theta < 0
    q1 = jnp.where(neg_mask[..., None], -q1, q1)
    cos_half_theta = jnp.abs(cos_half_theta)[..., None]
    cos_c = jnp.clip(cos_half_theta, -1.0, 1.0 - 1e-07)
    half_theta = jnp.arccos(cos_c)
    sin_half_theta = jnp.sqrt(jnp.maximum(1.0 - cos_c * cos_c, 0.0))
    safe = jnp.abs(sin_half_theta) >= 0.001
    denom = jnp.where(safe, sin_half_theta, 1.0)
    ratioA = jnp.sin((1.0 - t) * half_theta) / denom
    ratioB = jnp.sin(t * half_theta) / denom
    new_q = ratioA * q0 + ratioB * q1
    new_q = jnp.where(safe, new_q, 0.5 * q0 + 0.5 * q1)
    new_q = jnp.where(cos_half_theta >= 1.0, q0, new_q)
    return new_q


def calc_frame_blend(time, length, num_frames, dt):
    phase = jnp.clip(time / length, 0.0, 1.0)
    frame_idx0 = (phase * (num_frames.astype(jnp.float32) - 1.0)).astype(jnp.int32)
    frame_idx1 = jnp.minimum(frame_idx0 + 1, num_frames - 1)
    blend = jnp.clip((time - frame_idx0.astype(jnp.float32) * dt) / dt, 0.0, 1.0)
    return frame_idx0, frame_idx1, blend


def local_rotation_to_dof(local_rot):
    parts = []
    for j in range(len(DOF_BODY_IDS)):
        body_id = DOF_BODY_IDS[j]
        joint_size = DOF_OFFSETS[j + 1] - DOF_OFFSETS[j]
        joint_q = local_rot[:, body_id]
        if joint_size == 3:
            parts.append(quat_to_exp_map(joint_q))
        else:
            joint_theta, joint_axis = quat_to_angle_axis(joint_q)
            joint_theta = joint_theta * joint_axis[..., 1]
            joint_theta = normalize_angle(joint_theta)
            parts.append(joint_theta[:, None])
    return jnp.concatenate(parts, axis=-1)


def setup_inputs(seed: int = 0):
    key = jax.random.key(seed)
    ks = jax.random.split(key, 8)
    T = NUM_MOTIONS * FRAMES_PER_MOTION
    global_translation = jax.random.normal(ks[0], (T, NUM_BODIES, 3), dtype=jnp.float32)
    gr = jax.random.normal(ks[1], (T, NUM_BODIES, 4), dtype=jnp.float32)
    global_rotation = gr / jnp.linalg.norm(gr, axis=-1, keepdims=True)
    lr = jax.random.normal(ks[2], (T, NUM_BODIES, 4), dtype=jnp.float32)
    local_rotation = lr / jnp.linalg.norm(lr, axis=-1, keepdims=True)
    global_root_velocity = jax.random.normal(ks[3], (T, 3), dtype=jnp.float32)
    global_root_angular_velocity = jax.random.normal(ks[4], (T, 3), dtype=jnp.float32)
    dof_vels = jax.random.normal(ks[5], (T, NUM_DOF), dtype=jnp.float32)
    motion_num_frames = jnp.full((NUM_MOTIONS,), FRAMES_PER_MOTION, dtype=jnp.int32)
    motion_dt = jnp.full((NUM_MOTIONS,), 1.0 / FPS, dtype=jnp.float32)
    motion_lengths = (motion_num_frames.astype(jnp.float32) - 1.0) * motion_dt
    length_starts = jnp.concatenate([jnp.zeros((1,), dtype=jnp.int32), jnp.cumsum(motion_num_frames)[:-1].astype(jnp.int32)])
    motion_ids = jax.random.randint(ks[6], (N_QUERIES,), 0, NUM_MOTIONS, dtype=jnp.int32)
    motion_times = jax.random.uniform(ks[7], (N_QUERIES,), dtype=jnp.float32) * motion_lengths[motion_ids]
    return {"global_translation": global_translation, "global_rotation": global_rotation, "local_rotation": local_rotation, "global_root_velocity": global_root_velocity, "global_root_angular_velocity": global_root_angular_velocity, "dof_vels": dof_vels, "motion_lengths": motion_lengths, "motion_num_frames": motion_num_frames, "motion_dt": motion_dt, "length_starts": length_starts, "motion_ids": motion_ids, "motion_times": motion_times}


def reference(global_translation, global_rotation, local_rotation, global_root_velocity, global_root_angular_velocity, dof_vels, motion_lengths, motion_num_frames, motion_dt, length_starts, motion_ids, motion_times):
    motion_len = motion_lengths[motion_ids]
    num_frames = motion_num_frames[motion_ids]
    dt = motion_dt[motion_ids]
    frame_idx0, frame_idx1, blend = calc_frame_blend(motion_times, motion_len, num_frames, dt)
    f0l = frame_idx0 + length_starts[motion_ids]
    f1l = frame_idx1 + length_starts[motion_ids]
    root_pos0 = global_translation[f0l, 0]
    root_pos1 = global_translation[f1l, 0]
    root_rot0 = global_rotation[f0l, 0]
    root_rot1 = global_rotation[f1l, 0]
    local_rot0 = local_rotation[f0l]
    local_rot1 = local_rotation[f1l]
    root_vel = global_root_velocity[f0l]
    root_ang_vel = global_root_angular_velocity[f0l]
    key_pos0 = global_translation[f0l[:, None], KEY_BODY_IDS[None, :]].reshape(-1, KEY_BODY_IDS.shape[0] * 3)
    key_pos1 = global_translation[f1l[:, None], KEY_BODY_IDS[None, :]].reshape(-1, KEY_BODY_IDS.shape[0] * 3)
    dof_vel = dof_vels[f0l]
    blend = blend[:, None]
    root_pos = (1.0 - blend) * root_pos0 + blend * root_pos1
    root_rot = slerp(root_rot0, root_rot1, blend)
    key_pos = (1.0 - blend) * key_pos0 + blend * key_pos1
    local_rot = slerp(local_rot0, local_rot1, blend[..., None])
    dof_pos = local_rotation_to_dof(local_rot)
    return (root_pos, root_rot, dof_pos, root_vel, root_ang_vel, dof_vel, key_pos)

if __name__ == "__main__":
    import jax
    _d = setup_inputs()
    print(jax.jit(kernel)(*tuple(_d.values())))

</pallas_src>

<mosaic_0001>
#map = affine_map<(d0, d1) -> (0, 0)>
#map1 = affine_map<(d0, d1) -> (0)>
module attributes {stable_mosaic.version = 14 : i64} {
  func.func @sc_gather(%arg0: i32, %arg1: i32, %arg2: memref<131072x72xf32, #tpu.memory_space<hbm>>, %arg3: memref<16384xi32, #tpu.memory_space<hbm>>, %arg4: memref<16384xi32, #tpu.memory_space<hbm>>, %arg5: memref<16384x72xf32, #tpu.memory_space<hbm>>, %arg6: memref<16384x72xf32, #tpu.memory_space<hbm>>, %arg7: memref<128xi32, #tpu.memory_space<vmem>>, %arg8: memref<128xi32, #tpu.memory_space<vmem>>, %arg9: memref<128x72xf32, #tpu.memory_space<vmem>>, %arg10: memref<128x72xf32, #tpu.memory_space<vmem>>, %arg11: memref<!tpu.dma_semaphore, #tpu.memory_space<semaphore_mem>>) attributes {dimension_semantics = [#tpu.dimension_semantics<core_parallel>, #tpu.dimension_semantics<subcore_parallel>], iteration_bounds = array<i64: 2, 16>, scalar_prefetch = 0 : i64, scratch_operands = 5 : i64, tpu.core_type = #tpu.core_type<sc_vector_subcore>, window_params = [{transform_indices = #map}, {transform_indices = #map1}, {transform_indices = #map1}, {transform_indices = #map}, {transform_indices = #map}]} {
    %mul3A = arith.constant 16 : i32
    %mul3A_0 = arith.muli %arg0, %mul3A : i32
    %add3A = arith.addi %mul3A_0, %arg1 : i32
    %mul3A_1 = arith.constant 512 : i32
    %mul3A_2 = arith.muli %add3A, %mul3A_1 : i32
    %add3A_3 = arith.constant 0 : i32
    %add3A_4 = arith.addi %mul3A_2, %add3A_3 : i32
    "tpu.region"() ({
      %run_scoped3A = tpu.sem_alloc : memref<!tpu.dma_semaphore, #tpu.memory_space<semaphore_mem>>
      %dma_start3A_57 = tpu.memref_slice %arg3[%add3A_4] : memref<16384xi32, #tpu.memory_space<hbm>> -> memref<128xi32, #tpu.memory_space<hbm>>
      %dma_start3A_58 = tpu.memref_slice %arg3[%add3A_4] : memref<16384xi32, #tpu.memory_space<hbm>> -> memref<128xi32, #tpu.memory_space<hbm>>
      tpu.enqueue_dma source(%dma_start3A_58 : memref<128xi32, #tpu.memory_space<hbm>>) target(%arg7 : memref<128xi32, #tpu.memory_space<vmem>>) target_semaphore(%run_scoped3A : memref<!tpu.dma_semaphore, #tpu.memory_space<semaphore_mem>>)
      %dma_wait3A_59 = tpu.memref_slice %arg3[%add3A_4] : memref<16384xi32, #tpu.memory_space<hbm>> -> memref<128xi32, #tpu.memory_space<hbm>>
      %dma_wait3A_60 = tpu.memref_slice %arg3[%add3A_4] : memref<16384xi32, #tpu.memory_space<hbm>> -> memref<128xi32, #tpu.memory_space<hbm>>
      tpu.wait_dma2 semaphore(%run_scoped3A : memref<!tpu.dma_semaphore, #tpu.memory_space<semaphore_mem>>) src(%dma_wait3A_60 : memref<128xi32, #tpu.memory_space<hbm>>) dst(%arg7 : memref<128xi32, #tpu.memory_space<vmem>>)
      tpu.yield
    }) : () -> ()
    "tpu.region"() ({
      %run_scoped3A = tpu.sem_alloc : memref<!tpu.dma_semaphore, #tpu.memory_space<semaphore_mem>>
      %dma_start3A_57 = tpu.memref_slice %arg4[%add3A_4] : memref<16384xi32, #tpu.memory_space<hbm>> -> memref<128xi32, #tpu.memory_space<hbm>>
      %dma_start3A_58 = tpu.memref_slice %arg4[%add3A_4] : memref<16384xi32, #tpu.memory_space<hbm>> -> memref<128xi32, #tpu.memory_space<hbm>>
      tpu.enqueue_dma source(%dma_start3A_58 : memref<128xi32, #tpu.memory_space<hbm>>) target(%arg8 : memref<128xi32, #tpu.memory_space<vmem>>) target_semaphore(%run_scoped3A : memref<!tpu.dma_semaphore, #tpu.memory_space<semaphore_mem>>)
      %dma_wait3A_59 = tpu.memref_slice %arg4[%add3A_4] : memref<16384xi32, #tpu.memory_space<hbm>> -> memref<128xi32, #tpu.memory_space<hbm>>
      %dma_wait3A_60 = tpu.memref_slice %arg4[%add3A_4] : memref<16384xi32, #tpu.memory_space<hbm>> -> memref<128xi32, #tpu.memory_space<hbm>>
      tpu.wait_dma2 semaphore(%run_scoped3A : memref<!tpu.dma_semaphore, #tpu.memory_space<semaphore_mem>>) src(%dma_wait3A_60 : memref<128xi32, #tpu.memory_space<hbm>>) dst(%arg8 : memref<128xi32, #tpu.memory_space<vmem>>)
      tpu.yield
    }) : () -> ()
    %dma_start3A = arith.constant 0 : i32
    %dma_start3A_5 = arith.constant 0 : i32
    %dma_start3A_6 = tpu.memref_slice %arg2[%dma_start3A, %dma_start3A_5] : memref<131072x72xf32, #tpu.memory_space<hbm>> -> memref<131072x72xf32, #tpu.memory_space<hbm>>
    tpu.enqueue_indirect_dma source(%dma_start3A_6 : memref<131072x72xf32, #tpu.memory_space<hbm>>) target(%arg9 : memref<128x72xf32, #tpu.memory_space<vmem>>) offsets(%arg7 : memref<128xi32, #tpu.memory_space<vmem>>) semaphore(%arg11 : memref<!tpu.dma_semaphore, #tpu.memory_space<semaphore_mem>>)
    %dma_start3A_7 = arith.constant 0 : i32
    %dma_start3A_8 = arith.constant 0 : i32
    %dma_start3A_9 = tpu.memref_slice %arg2[%dma_start3A_7, %dma_start3A_8] : memref<131072x72xf32, #tpu.memory_space<hbm>> -> memref<131072x72xf32, #tpu.memory_space<hbm>>
    tpu.enqueue_indirect_dma source(%dma_start3A_9 : memref<131072x72xf32, #tpu.memory_space<hbm>>) target(%arg10 : memref<128x72xf32, #tpu.memory_space<vmem>>) offsets(%arg8 : memref<128xi32, #tpu.memory_space<vmem>>) semaphore(%arg11 : memref<!tpu.dma_semaphore, #tpu.memory_space<semaphore_mem>>)
    %dma_wait3A = arith.constant 0 : i32
    %dma_wait3A_10 = arith.constant 0 : i32
    %dma_wait3A_11 = tpu.memref_slice %arg2[%dma_wait3A, %dma_wait3A_10] : memref<131072x72xf32, #tpu.memory_space<hbm>> -> memref<131072x72xf32, #tpu.memory_space<hbm>>
    tpu.wait_indirect_dma semaphore(%arg11 : memref<!tpu.dma_semaphore, #tpu.memory_space<semaphore_mem>>) src(%dma_wait3A_11 : memref<131072x72xf32, #tpu.memory_space<hbm>>) dst(%arg9 : memref<128x72xf32, #tpu.memory_space<vmem>>)
    %dma_wait3A_12 = arith.constant 0 : i32
    %dma_wait3A_13 = arith.constant 0 : i32
    %dma_wait3A_14 = tpu.memref_slice %arg2[%dma_wait3A_12, %dma_wait3A_13] : memref<131072x72xf32, #tpu.memory_space<hbm>> -> memref<131072x72xf32, #tpu.memory_space<hbm>>
    tpu.wait_indirect_dma semaphore(%arg11 : memref<!tpu.dma_semaphore, #tpu.memory_space<semaphore_mem>>) src(%dma_wait3A_14 : memref<131072x72xf32, #tpu.memory_space<hbm>>) dst(%arg10 : memref<128x72xf32, #tpu.memory_space<vmem>>)
    "tpu.region"() ({
      %run_scoped3A = tpu.sem_alloc : memref<!tpu.dma_semaphore, #tpu.memory_space<semaphore_mem>>
      %dma_start3A_57 = arith.constant 0 : i32
      %dma_start3A_58 = tpu.memref_slice %arg5[%add3A_4, %dma_start3A_57] : memref<16384x72xf32, #tpu.memory_space<hbm>> -> memref<128x72xf32, #tpu.memory_space<hbm>>
      %dma_start3A_59 = arith.constant 0 : i32
      %dma_start3A_60 = tpu.memref_slice %arg5[%add3A_4, %dma_start3A_59] : memref<16384x72xf32, #tpu.memory_space<hbm>> -> memref<128x72xf32, #tpu.memory_space<hbm>>
      tpu.enqueue_dma source(%arg9 : memref<128x72xf32, #tpu.memory_space<vmem>>) target(%dma_start3A_60 : memref<128x72xf32, #tpu.memory_space<hbm>>) target_semaphore(%run_scoped3A : memref<!tpu.dma_semaphore, #tpu.memory_space<semaphore_mem>>)
      %dma_wait3A_61 = arith.constant 0 : i32
      %dma_wait3A_62 = tpu.memref_slice %arg5[%add3A_4, %dma_wait3A_61] : memref<16384x72xf32, #tpu.memory_space<hbm>> -> memref<128x72xf32, #tpu.memory_space<hbm>>
      %dma_wait3A_63 = arith.constant 0 : i32
      %dma_wait3A_64 = tpu.memref_slice %arg5[%add3A_4, %dma_wait3A_63] : memref<16384x72xf32, #tpu.memory_space<hbm>> -> memref<128x72xf32, #tpu.memory_space<hbm>>
      tpu.wait_dma2 semaphore(%run_scoped3A : memref<!tpu.dma_semaphore, #tpu.memory_space<semaphore_mem>>) src(%arg9 : memref<128x72xf32, #tpu.memory_space<vmem>>) dst(%dma_wait3A_64 : memref<128x72xf32, #tpu.memory_space<hbm>>)
      tpu.yield
    }) : () -> ()
    "tpu.region"() ({
      %run_scoped3A = tpu.sem_alloc : memref<!tpu.dma_semaphore, #tpu.memory_space<semaphore_mem>>
      %dma_start3A_57 = arith.constant 0 : i32
      %dma_start3A_58 = tpu.memref_slice %arg6[%add3A_4, %dma_start3A_57] : memref<16384x72xf32, #tpu.memory_space<hbm>> -> memref<128x72xf32, #tpu.memory_space<hbm>>
      %dma_start3A_59 = arith.constant 0 : i32
      %dma_start3A_60 = tpu.memref_slice %arg6[%add3A_4, %dma_start3A_59] : memref<16384x72xf32, #tpu.memory_space<hbm>> -> memref<128x72xf32, #tpu.memory_space<hbm>>
      tpu.enqueue_dma source(%arg10 : memref<128x72xf32, #tpu.memory_space<vmem>>) target(%dma_start3A_60 : memref<128x72xf32, #tpu.memory_space<hbm>>) target_semaphore(%run_scoped3A : memref<!tpu.dma_semaphore, #tpu.memory_space<semaphore_mem>>)
      %dma_wait3A_61 = arith.constant 0 : i32
      %dma_wait3A_62 = tpu.memref_slice %arg6[%add3A_4, %dma_wait3A_61] : memref<16384x72xf32, #tpu.memory_space<hbm>> -> memref<128x72xf32, #tpu.memory_space<hbm>>
      %dma_wait3A_63 = arith.constant 0 : i32
      %dma_wait3A_64 = tpu.memref_slice %arg6[%add3A_4, %dma_wait3A_63] : memref<16384x72xf32, #tpu.memory_space<hbm>> -> memref<128x72xf32, #tpu.memory_space<hbm>>
      tpu.wait_dma2 semaphore(%run_scoped3A : memref<!tpu.dma_semaphore, #tpu.memory_space<semaphore_mem>>) src(%arg10 : memref<128x72xf32, #tpu.memory_space<vmem>>) dst(%dma_wait3A_64 : memref<128x72xf32, #tpu.memory_space<hbm>>)
      tpu.yield
    }) : () -> ()
    %add3A_15 = arith.constant 128 : i32
    %add3A_16 = arith.addi %mul3A_2, %add3A_15 : i32
    "tpu.region"() ({
      %run_scoped3A = tpu.sem_alloc : memref<!tpu.dma_semaphore, #tpu.memory_space<semaphore_mem>>
      %dma_start3A_57 = tpu.memref_slice %arg3[%add3A_16] : memref<16384xi32, #tpu.memory_space<hbm>> -> memref<128xi32, #tpu.memory_space<hbm>>
      %dma_start3A_58 = tpu.memref_slice %arg3[%add3A_16] : memref<16384xi32, #tpu.memory_space<hbm>> -> memref<128xi32, #tpu.memory_space<hbm>>
      tpu.enqueue_dma source(%dma_start3A_58 : memref<128xi32, #tpu.memory_space<hbm>>) target(%arg7 : memref<128xi32, #tpu.memory_space<vmem>>) target_semaphore(%run_scoped3A : memref<!tpu.dma_semaphore, #tpu.memory_space<semaphore_mem>>)
      %dma_wait3A_59 = tpu.memref_slice %arg3[%add3A_16] : memref<16384xi32, #tpu.memory_space<hbm>> -> memref<128xi32, #tpu.memory_space<hbm>>
      %dma_wait3A_60 = tpu.memref_slice %arg3[%add3A_16] : memref<16384xi32, #tpu.memory_space<hbm>> -> memref<128xi32, #tpu.memory_space<hbm>>
      tpu.wait_dma2 semaphore(%run_scoped3A : memref<!tpu.dma_semaphore, #tpu.memory_space<semaphore_mem>>) src(%dma_wait3A_60 : memref<128xi32, #tpu.memory_space<hbm>>) dst(%arg7 : memref<128xi32, #tpu.memory_space<vmem>>)
      tpu.yield
    }) : () -> ()
    "tpu.region"() ({
      %run_scoped3A = tpu.sem_alloc : memref<!tpu.dma_semaphore, #tpu.memory_space<semaphore_mem>>
      %dma_start3A_57 = tpu.memref_slice %arg4[%add3A_16] : memref<16384xi32, #tpu.memory_space<hbm>> -> memref<128xi32, #tpu.memory_space<hbm>>
      %dma_start3A_58 = tpu.memref_slice %arg4[%add3A_16] : memref<16384xi32, #tpu.memory_space<hbm>> -> memref<128xi32, #tpu.memory_space<hbm>>
      tpu.enqueue_dma source(%dma_start3A_58 : memref<128xi32, #tpu.memory_space<hbm>>) target(%arg8 : memref<128xi32, #tpu.memory_space<vmem>>) target_semaphore(%run_scoped3A : memref<!tpu.dma_semaphore, #tpu.memory_space<semaphore_mem>>)
      %dma_wait3A_59 = tpu.memref_slice %arg4[%add3A_16] : memref<16384xi32, #tpu.memory_space<hbm>> -> memref<128xi32, #tpu.memory_space<hbm>>
      %dma_wait3A_60 = tpu.memref_slice %arg4[%add3A_16] : memref<16384xi32, #tpu.memory_space<hbm>> -> memref<128xi32, #tpu.memory_space<hbm>>
      tpu.wait_dma2 semaphore(%run_scoped3A : memref<!tpu.dma_semaphore, #tpu.memory_space<semaphore_mem>>) src(%dma_wait3A_60 : memref<128xi32, #tpu.memory_space<hbm>>) dst(%arg8 : memref<128xi32, #tpu.memory_space<vmem>>)
      tpu.yield
    }) : () -> ()
    %dma_start3A_17 = arith.constant 0 : i32
    %dma_start3A_18 = arith.constant 0 : i32
    %dma_start3A_19 = tpu.memref_slice %arg2[%dma_start3A_17, %dma_start3A_18] : memref<131072x72xf32, #tpu.memory_space<hbm>> -> memref<131072x72xf32, #tpu.memory_space<hbm>>
    tpu.enqueue_indirect_dma source(%dma_start3A_19 : memref<131072x72xf32, #tpu.memory_space<hbm>>) target(%arg9 : memref<128x72xf32, #tpu.memory_space<vmem>>) offsets(%arg7 : memref<128xi32, #tpu.memory_space<vmem>>) semaphore(%arg11 : memref<!tpu.dma_semaphore, #tpu.memory_space<semaphore_mem>>)
    %dma_start3A_20 = arith.constant 0 : i32
    %dma_start3A_21 = arith.constant 0 : i32
    %dma_start3A_22 = tpu.memref_slice %arg2[%dma_start3A_20, %dma_start3A_21] : memref<131072x72xf32, #tpu.memory_space<hbm>> -> memref<131072x72xf32, #tpu.memory_space<hbm>>
    tpu.enqueue_indirect_dma source(%dma_start3A_22 : memref<131072x72xf32, #tpu.memory_space<hbm>>) target(%arg10 : memref<128x72xf32, #tpu.memory_space<vmem>>) offsets(%arg8 : memref<128xi32, #tpu.memory_space<vmem>>) semaphore(%arg11 : memref<!tpu.dma_semaphore, #tpu.memory_space<semaphore_mem>>)
    %dma_wait3A_23 = arith.constant 0 : i32
    %dma_wait3A_24 = arith.constant 0 : i32
    %dma_wait3A_25 = tpu.memref_slice %arg2[%dma_wait3A_23, %dma_wait3A_24] : memref<131072x72xf32, #tpu.memory_space<hbm>> -> memref<131072x72xf32, #tpu.memory_space<hbm>>
    tpu.wait_indirect_dma semaphore(%arg11 : memref<!tpu.dma_semaphore, #tpu.memory_space<semaphore_mem>>) src(%dma_wait3A_25 : memref<131072x72xf32, #tpu.memory_space<hbm>>) dst(%arg9 : memref<128x72xf32, #tpu.memory_space<vmem>>)
    %dma_wait3A_26 = arith.constant 0 : i32
    %dma_wait3A_27 = arith.constant 0 : i32
    %dma_wait3A_28 = tpu.memref_slice %arg2[%dma_wait3A_26, %dma_wait3A_27] : memref<131072x72xf32, #tpu.memory_space<hbm>> -> memref<131072x72xf32, #tpu.memory_space<hbm>>
    tpu.wait_indirect_dma semaphore(%arg11 : memref<!tpu.dma_semaphore, #tpu.memory_space<semaphore_mem>>) src(%dma_wait3A_28 : memref<131072x72xf32, #tpu.memory_space<hbm>>) dst(%arg10 : memref<128x72xf32, #tpu.memory_space<vmem>>)
    "tpu.region"() ({
      %run_scoped3A = tpu.sem_alloc : memref<!tpu.dma_semaphore, #tpu.memory_space<semaphore_mem>>
      %dma_start3A_57 = arith.constant 0 : i32
      %dma_start3A_58 = tpu.memref_slice %arg5[%add3A_16, %dma_start3A_57] : memref<16384x72xf32, #tpu.memory_space<hbm>> -> memref<128x72xf32, #tpu.memory_space<hbm>>
      %dma_start3A_59 = arith.constant 0 : i32
      %dma_start3A_60 = tpu.memref_slice %arg5[%add3A_16, %dma_start3A_59] : memref<16384x72xf32, #tpu.memory_space<hbm>> -> memref<128x72xf32, #tpu.memory_space<hbm>>
      tpu.enqueue_dma source(%arg9 : memref<128x72xf32, #tpu.memory_space<vmem>>) target(%dma_start3A_60 : memref<128x72xf32, #tpu.memory_space<hbm>>) target_semaphore(%run_scoped3A : memref<!tpu.dma_semaphore, #tpu.memory_space<semaphore_mem>>)
      %dma_wait3A_61 = arith.constant 0 : i32
      %dma_wait3A_62 = tpu.memref_slice %arg5[%add3A_16, %dma_wait3A_61] : memref<16384x72xf32, #tpu.memory_space<hbm>> -> memref<128x72xf32, #tpu.memory_space<hbm>>
      %dma_wait3A_63 = arith.constant 0 : i32
      %dma_wait3A_64 = tpu.memref_slice %arg5[%add3A_16, %dma_wait3A_63] : memref<16384x72xf32, #tpu.memory_space<hbm>> -> memref<128x72xf32, #tpu.memory_space<hbm>>
      tpu.wait_dma2 semaphore(%run_scoped3A : memref<!tpu.dma_semaphore, #tpu.memory_space<semaphore_mem>>) src(%arg9 : memref<128x72xf32, #tpu.memory_space<vmem>>) dst(%dma_wait3A_64 : memref<128x72xf32, #tpu.memory_space<hbm>>)
      tpu.yield
    }) : () -> ()
    "tpu.region"() ({
      %run_scoped3A = tpu.sem_alloc : memref<!tpu.dma_semaphore, #tpu.memory_space<semaphore_mem>>
      %dma_start3A_57 = arith.constant 0 : i32
      %dma_start3A_58 = tpu.memref_slice %arg6[%add3A_16, %dma_start3A_57] : memref<16384x72xf32, #tpu.memory_space<hbm>> -> memref<128x72xf32, #tpu.memory_space<hbm>>
      %dma_start3A_59 = arith.constant 0 : i32
      %dma_start3A_60 = tpu.memref_slice %arg6[%add3A_16, %dma_start3A_59] : memref<16384x72xf32, #tpu.memory_space<hbm>> -> memref<128x72xf32, #tpu.memory_space<hbm>>
      tpu.enqueue_dma source(%arg10 : memref<128x72xf32, #tpu.memory_space<vmem>>) target(%dma_start3A_60 : memref<128x72xf32, #tpu.memory_space<hbm>>) target_semaphore(%run_scoped3A : memref<!tpu.dma_semaphore, #tpu.memory_space<semaphore_mem>>)
      %dma_wait3A_61 = arith.constant 0 : i32
      %dma_wait3A_62 = tpu.memref_slice %arg6[%add3A_16, %dma_wait3A_61] : memref<16384x72xf32, #tpu.memory_space<hbm>> -> memref<128x72xf32, #tpu.memory_space<hbm>>
      %dma_wait3A_63 = arith.constant 0 : i32
      %dma_wait3A_64 = tpu.memref_slice %arg6[%add3A_16, %dma_wait3A_63] : memref<16384x72xf32, #tpu.memory_space<hbm>> -> memref<128x72xf32, #tpu.memory_space<hbm>>
      tpu.wait_dma2 semaphore(%run_scoped3A : memref<!tpu.dma_semaphore, #tpu.memory_space<semaphore_mem>>) src(%arg10 : memref<128x72xf32, #tpu.memory_space<vmem>>) dst(%dma_wait3A_64 : memref<128x72xf32, #tpu.memory_space<hbm>>)
      tpu.yield
    }) : () -> ()
    %add3A_29 = arith.constant 256 : i32
    %add3A_30 = arith.addi %mul3A_2, %add3A_29 : i32
    "tpu.region"() ({
      %run_scoped3A = tpu.sem_alloc : memref<!tpu.dma_semaphore, #tpu.memory_space<semaphore_mem>>
      %dma_start3A_57 = tpu.memref_slice %arg3[%add3A_30] : memref<16384xi32, #tpu.memory_space<hbm>> -> memref<128xi32, #tpu.memory_space<hbm>>
      %dma_start3A_58 = tpu.memref_slice %arg3[%add3A_30] : memref<16384xi32, #tpu.memory_space<hbm>> -> memref<128xi32, #tpu.memory_space<hbm>>
      tpu.enqueue_dma source(%dma_start3A_58 : memref<128xi32, #tpu.memory_space<hbm>>) target(%arg7 : memref<128xi32, #tpu.memory_space<vmem>>) target_semaphore(%run_scoped3A : memref<!tpu.dma_semaphore, #tpu.memory_space<semaphore_mem>>)
      %dma_wait3A_59 = tpu.memref_slice %arg3[%add3A_30] : memref<16384xi32, #tpu.memory_space<hbm>> -> memref<128xi32, #tpu.memory_space<hbm>>
      %dma_wait3A_60 = tpu.memref_slice %arg3[%add3A_30] : memref<16384xi32, #tpu.memory_space<hbm>> -> memref<128xi32, #tpu.memory_space<hbm>>
      tpu.wait_dma2 semaphore(%run_scoped3A : memref<!tpu.dma_semaphore, #tpu.memory_space<semaphore_mem>>) src(%dma_wait3A_60 : memref<128xi32, #tpu.memory_space<hbm>>) dst(%arg7 : memref<128xi32, #tpu.memory_space<vmem>>)
      tpu.yield
    }) : () -> ()
    "tpu.region"() ({
      %run_scoped3A = tpu.sem_alloc : memref<!tpu.dma_semaphore, #tpu.memory_space<semaphore_mem>>
      %dma_start3A_57 = tpu.memref_slice %arg4[%add3A_30] : memref<16384xi32, #tpu.memory_space<hbm>> -> memref<128xi32, #tpu.memory_space<hbm>>
      %dma_start3A_58 = tpu.memref_slice %arg4[%add3A_30] : memref<16384xi32, #tpu.memory_space<hbm>> -> memref<128xi32, #tpu.memory_space<hbm>>
      tpu.enqueue_dma source(%dma_start3A_58 : memref<128xi32, #tpu.memory_space<hbm>>) target(%arg8 : memref<128xi32, #tpu.memory_space<vmem>>) target_semaphore(%run_scoped3A : memref<!tpu.dma_semaphore, #tpu.memory_space<semaphore_mem>>)
      %dma_wait3A_59 = tpu.memref_slice %arg4[%add3A_30] : memref<16384xi32, #tpu.memory_space<hbm>> -> memref<128xi32, #tpu.memory_space<hbm>>
      %dma_wait3A_60 = tpu.memref_slice %arg4[%add3A_30] : memref<16384xi32, #tpu.memory_space<hbm>> -> memref<128xi32, #tpu.memory_space<hbm>>
      tpu.wait_dma2 semaphore(%run_scoped3A : memref<!tpu.dma_semaphore, #tpu.memory_space<semaphore_mem>>) src(%dma_wait3A_60 : memref<128xi32, #tpu.memory_space<hbm>>) dst(%arg8 : memref<128xi32, #tpu.memory_space<vmem>>)
      tpu.yield
    }) : () -> ()
    %dma_start3A_31 = arith.constant 0 : i32
    %dma_start3A_32 = arith.constant 0 : i32
    %dma_start3A_33 = tpu.memref_slice %arg2[%dma_start3A_31, %dma_start3A_32] : memref<131072x72xf32, #tpu.memory_space<hbm>> -> memref<131072x72xf32, #tpu.memory_space<hbm>>
    tpu.enqueue_indirect_dma source(%dma_start3A_33 : memref<131072x72xf32, #tpu.memory_space<hbm>>) target(%arg9 : memref<128x72xf32, #tpu.memory_space<vmem>>) offsets(%arg7 : memref<128xi32, #tpu.memory_space<vmem>>) semaphore(%arg11 : memref<!tpu.dma_semaphore, #tpu.memory_space<semaphore_mem>>)
    %dma_start3A_34 = arith.constant 0 : i32
    %dma_start3A_35 = arith.constant 0 : i32
    %dma_start3A_36 = tpu.memref_slice %arg2[%dma_start3A_34, %dma_start3A_35] : memref<131072x72xf32, #tpu.memory_space<hbm>> -> memref<131072x72xf32, #tpu.memory_space<hbm>>
    tpu.enqueue_indirect_dma source(%dma_start3A_36 : memref<131072x72xf32, #tpu.memory_space<hbm>>) target(%arg10 : memref<128x72xf32, #tpu.memory_space<vmem>>) offsets(%arg8 : memref<128xi32, #tpu.memory_space<vmem>>) semaphore(%arg11 : memref<!tpu.dma_semaphore, #tpu.memory_space<semaphore_mem>>)
    %dma_wait3A_37 = arith.constant 0 : i32
    %dma_wait3A_38 = arith.constant 0 : i32
    %dma_wait3A_39 = tpu.memref_slice %arg2[%dma_wait3A_37, %dma_wait3A_38] : memref<131072x72xf32, #tpu.memory_space<hbm>> -> memref<131072x72xf32, #tpu.memory_space<hbm>>
    tpu.wait_indirect_dma semaphore(%arg11 : memref<!tpu.dma_semaphore, #tpu.memory_space<semaphore_mem>>) src(%dma_wait3A_39 : memref<131072x72xf32, #tpu.memory_space<hbm>>) dst(%arg9 : memref<128x72xf32, #tpu.memory_space<vmem>>)
    %dma_wait3A_40 = arith.constant 0 : i32
    %dma_wait3A_41 = arith.constant 0 : i32
    %dma_wait3A_42 = tpu.memref_slice %arg2[%dma_wait3A_40, %dma_wait3A_41] : memref<131072x72xf32, #tpu.memory_space<hbm>> -> memref<131072x72xf32, #tpu.memory_space<hbm>>
    tpu.wait_indirect_dma semaphore(%arg11 : memref<!tpu.dma_semaphore, #tpu.memory_space<semaphore_mem>>) src(%dma_wait3A_42 : memref<131072x72xf32, #tpu.memory_space<hbm>>) dst(%arg10 : memref<128x72xf32, #tpu.memory_space<vmem>>)
    "tpu.region"() ({
      %run_scoped3A = tpu.sem_alloc : memref<!tpu.dma_semaphore, #tpu.memory_space<semaphore_mem>>
      %dma_start3A_57 = arith.constant 0 : i32
      %dma_start3A_58 = tpu.memref_slice %arg5[%add3A_30, %dma_start3A_57] : memref<16384x72xf32, #tpu.memory_space<hbm>> -> memref<128x72xf32, #tpu.memory_space<hbm>>
      %dma_start3A_59 = arith.constant 0 : i32
      %dma_start3A_60 = tpu.memref_slice %arg5[%add3A_30, %dma_start3A_59] : memref<16384x72xf32, #tpu.memory_space<hbm>> -> memref<128x72xf32, #tpu.memory_space<hbm>>
      tpu.enqueue_dma source(%arg9 : memref<128x72xf32, #tpu.memory_space<vmem>>) target(%dma_start3A_60 : memref<128x72xf32, #tpu.memory_space<hbm>>) target_semaphore(%run_scoped3A : memref<!tpu.dma_semaphore, #tpu.memory_space<semaphore_mem>>)
      %dma_wait3A_61 = arith.constant 0 : i32
      %dma_wait3A_62 = tpu.memref_slice %arg5[%add3A_30, %dma_wait3A_61] : memref<16384x72xf32, #tpu.memory_space<hbm>> -> memref<128x72xf32, #tpu.memory_space<hbm>>
      %dma_wait3A_63 = arith.constant 0 : i32
      %dma_wait3A_64 = tpu.memref_slice %arg5[%add3A_30, %dma_wait3A_63] : memref<16384x72xf32, #tpu.memory_space<hbm>> -> memref<128x72xf32, #tpu.memory_space<hbm>>
      tpu.wait_dma2 semaphore(%run_scoped3A : memref<!tpu.dma_semaphore, #tpu.memory_space<semaphore_mem>>) src(%arg9 : memref<128x72xf32, #tpu.memory_space<vmem>>) dst(%dma_wait3A_64 : memref<128x72xf32, #tpu.memory_space<hbm>>)
      tpu.yield
    }) : () -> ()
    "tpu.region"() ({
      %run_scoped3A = tpu.sem_alloc : memref<!tpu.dma_semaphore, #tpu.memory_space<semaphore_mem>>
      %dma_start3A_57 = arith.constant 0 : i32
      %dma_start3A_58 = tpu.memref_slice %arg6[%add3A_30, %dma_start3A_57] : memref<16384x72xf32, #tpu.memory_space<hbm>> -> memref<128x72xf32, #tpu.memory_space<hbm>>
      %dma_start3A_59 = arith.constant 0 : i32
      %dma_start3A_60 = tpu.memref_slice %arg6[%add3A_30, %dma_start3A_59] : memref<16384x72xf32, #tpu.memory_space<hbm>> -> memref<128x72xf32, #tpu.memory_space<hbm>>
      tpu.enqueue_dma source(%arg10 : memref<128x72xf32, #tpu.memory_space<vmem>>) target(%dma_start3A_60 : memref<128x72xf32, #tpu.memory_space<hbm>>) target_semaphore(%run_scoped3A : memref<!tpu.dma_semaphore, #tpu.memory_space<semaphore_mem>>)
      %dma_wait3A_61 = arith.constant 0 : i32
      %dma_wait3A_62 = tpu.memref_slice %arg6[%add3A_30, %dma_wait3A_61] : memref<16384x72xf32, #tpu.memory_space<hbm>> -> memref<128x72xf32, #tpu.memory_space<hbm>>
      %dma_wait3A_63 = arith.constant 0 : i32
      %dma_wait3A_64 = tpu.memref_slice %arg6[%add3A_30, %dma_wait3A_63] : memref<16384x72xf32, #tpu.memory_space<hbm>> -> memref<128x72xf32, #tpu.memory_space<hbm>>
      tpu.wait_dma2 semaphore(%run_scoped3A : memref<!tpu.dma_semaphore, #tpu.memory_space<semaphore_mem>>) src(%arg10 : memref<128x72xf32, #tpu.memory_space<vmem>>) dst(%dma_wait3A_64 : memref<128x72xf32, #tpu.memory_space<hbm>>)
      tpu.yield
    }) : () -> ()
    %add3A_43 = arith.constant 384 : i32
    %add3A_44 = arith.addi %mul3A_2, %add3A_43 : i32
    "tpu.region"() ({
      %run_scoped3A = tpu.sem_alloc : memref<!tpu.dma_semaphore, #tpu.memory_space<semaphore_mem>>
      %dma_start3A_57 = tpu.memref_slice %arg3[%add3A_44] : memref<16384xi32, #tpu.memory_space<hbm>> -> memref<128xi32, #tpu.memory_space<hbm>>
      %dma_start3A_58 = tpu.memref_slice %arg3[%add3A_44] : memref<16384xi32, #tpu.memory_space<hbm>> -> memref<128xi32, #tpu.memory_space<hbm>>
      tpu.enqueue_dma source(%dma_start3A_58 : memref<128xi32, #tpu.memory_space<hbm>>) target(%arg7 : memref<128xi32, #tpu.memory_space<vmem>>) target_semaphore(%run_scoped3A : memref<!tpu.dma_semaphore, #tpu.memory_space<semaphore_mem>>)
      %dma_wait3A_59 = tpu.memref_slice %arg3[%add3A_44] : memref<16384xi32, #tpu.memory_space<hbm>> -> memref<128xi32, #tpu.memory_space<hbm>>
      %dma_wait3A_60 = tpu.memref_slice %arg3[%add3A_44] : memref<16384xi32, #tpu.memory_space<hbm>> -> memref<128xi32, #tpu.memory_space<hbm>>
      tpu.wait_dma2 semaphore(%run_scoped3A : memref<!tpu.dma_semaphore, #tpu.memory_space<semaphore_mem>>) src(%dma_wait3A_60 : memref<128xi32, #tpu.memory_space<hbm>>) dst(%arg7 : memref<128xi32, #tpu.memory_space<vmem>>)
      tpu.yield
    }) : () -> ()
    "tpu.region"() ({
      %run_scoped3A = tpu.sem_alloc : memref<!tpu.dma_semaphore, #tpu.memory_space<semaphore_mem>>
      %dma_start3A_57 = tpu.memref_slice %arg4[%add3A_44] : memref<16384xi32, #tpu.memory_space<hbm>> -> memref<128xi32, #tpu.memory_space<hbm>>
      %dma_start3A_58 = tpu.memref_slice %arg4[%add3A_44] : memref<16384xi32, #tpu.memory_space<hbm>> -> memref<128xi32, #tpu.memory_space<hbm>>
      tpu.enqueue_dma source(%dma_start3A_58 : memref<128xi32, #tpu.memory_space<hbm>>) target(%arg8 : memref<128xi32, #tpu.memory_space<vmem>>) target_semaphore(%run_scoped3A : memref<!tpu.dma_semaphore, #tpu.memory_space<semaphore_mem>>)
      %dma_wait3A_59 = tpu.memref_slice %arg4[%add3A_44] : memref<16384xi32, #tpu.memory_space<hbm>> -> memref<128xi32, #tpu.memory_space<hbm>>
      %dma_wait3A_60 = tpu.memref_slice %arg4[%add3A_44] : memref<16384xi32, #tpu.memory_space<hbm>> -> memref<128xi32, #tpu.memory_space<hbm>>
      tpu.wait_dma2 semaphore(%run_scoped3A : memref<!tpu.dma_semaphore, #tpu.memory_space<semaphore_mem>>) src(%dma_wait3A_60 : memref<128xi32, #tpu.memory_space<hbm>>) dst(%arg8 : memref<128xi32, #tpu.memory_space<vmem>>)
      tpu.yield
    }) : () -> ()
    %dma_start3A_45 = arith.constant 0 : i32
    %dma_start3A_46 = arith.constant 0 : i32
    %dma_start3A_47 = tpu.memref_slice %arg2[%dma_start3A_45, %dma_start3A_46] : memref<131072x72xf32, #tpu.memory_space<hbm>> -> memref<131072x72xf32, #tpu.memory_space<hbm>>
    tpu.enqueue_indirect_dma source(%dma_start3A_47 : memref<131072x72xf32, #tpu.memory_space<hbm>>) target(%arg9 : memref<128x72xf32, #tpu.memory_space<vmem>>) offsets(%arg7 : memref<128xi32, #tpu.memory_space<vmem>>) semaphore(%arg11 : memref<!tpu.dma_semaphore, #tpu.memory_space<semaphore_mem>>)
    %dma_start3A_48 = arith.constant 0 : i32
    %dma_start3A_49 = arith.constant 0 : i32
    %dma_start3A_50 = tpu.memref_slice %arg2[%dma_start3A_48, %dma_start3A_49] : memref<131072x72xf32, #tpu.memory_space<hbm>> -> memref<131072x72xf32, #tpu.memory_space<hbm>>
    tpu.enqueue_indirect_dma source(%dma_start3A_50 : memref<131072x72xf32, #tpu.memory_space<hbm>>) target(%arg10 : memref<128x72xf32, #tpu.memory_space<vmem>>) offsets(%arg8 : memref<128xi32, #tpu.memory_space<vmem>>) semaphore(%arg11 : memref<!tpu.dma_semaphore, #tpu.memory_space<semaphore_mem>>)
    %dma_wait3A_51 = arith.constant 0 : i32
    %dma_wait3A_52 = arith.constant 0 : i32
    %dma_wait3A_53 = tpu.memref_slice %arg2[%dma_wait3A_51, %dma_wait3A_52] : memref<131072x72xf32, #tpu.memory_space<hbm>> -> memref<131072x72xf32, #tpu.memory_space<hbm>>
    tpu.wait_indirect_dma semaphore(%arg11 : memref<!tpu.dma_semaphore, #tpu.memory_space<semaphore_mem>>) src(%dma_wait3A_53 : memref<131072x72xf32, #tpu.memory_space<hbm>>) dst(%arg9 : memref<128x72xf32, #tpu.memory_space<vmem>>)
    %dma_wait3A_54 = arith.constant 0 : i32
    %dma_wait3A_55 = arith.constant 0 : i32
    %dma_wait3A_56 = tpu.memref_slice %arg2[%dma_wait3A_54, %dma_wait3A_55] : memref<131072x72xf32, #tpu.memory_space<hbm>> -> memref<131072x72xf32, #tpu.memory_space<hbm>>
    tpu.wait_indirect_dma semaphore(%arg11 : memref<!tpu.dma_semaphore, #tpu.memory_space<semaphore_mem>>) src(%dma_wait3A_56 : memref<131072x72xf32, #tpu.memory_space<hbm>>) dst(%arg10 : memref<128x72xf32, #tpu.memory_space<vmem>>)
    "tpu.region"() ({
      %run_scoped3A = tpu.sem_alloc : memref<!tpu.dma_semaphore, #tpu.memory_space<semaphore_mem>>
      %dma_start3A_57 = arith.constant 0 : i32
      %dma_start3A_58 = tpu.memref_slice %arg5[%add3A_44, %dma_start3A_57] : memref<16384x72xf32, #tpu.memory_space<hbm>> -> memref<128x72xf32, #tpu.memory_space<hbm>>
      %dma_start3A_59 = arith.constant 0 : i32
      %dma_start3A_60 = tpu.memref_slice %arg5[%add3A_44, %dma_start3A_59] : memref<16384x72xf32, #tpu.memory_space<hbm>> -> memref<128x72xf32, #tpu.memory_space<hbm>>
      tpu.enqueue_dma source(%arg9 : memref<128x72xf32, #tpu.memory_space<vmem>>) target(%dma_start3A_60 : memref<128x72xf32, #tpu.memory_space<hbm>>) target_semaphore(%run_scoped3A : memref<!tpu.dma_semaphore, #tpu.memory_space<semaphore_mem>>)
      %dma_wait3A_61 = arith.constant 0 : i32
      %dma_wait3A_62 = tpu.memref_slice %arg5[%add3A_44, %dma_wait3A_61] : memref<16384x72xf32, #tpu.memory_space<hbm>> -> memref<128x72xf32, #tpu.memory_space<hbm>>
      %dma_wait3A_63 = arith.constant 0 : i32
      %dma_wait3A_64 = tpu.memref_slice %arg5[%add3A_44, %dma_wait3A_63] : memref<16384x72xf32, #tpu.memory_space<hbm>> -> memref<128x72xf32, #tpu.memory_space<hbm>>
      tpu.wait_dma2 semaphore(%run_scoped3A : memref<!tpu.dma_semaphore, #tpu.memory_space<semaphore_mem>>) src(%arg9 : memref<128x72xf32, #tpu.memory_space<vmem>>) dst(%dma_wait3A_64 : memref<128x72xf32, #tpu.memory_space<hbm>>)
      tpu.yield
    }) : () -> ()
    "tpu.region"() ({
      %run_scoped3A = tpu.sem_alloc : memref<!tpu.dma_semaphore, #tpu.memory_space<semaphore_mem>>
      %dma_start3A_57 = arith.constant 0 : i32
      %dma_start3A_58 = tpu.memref_slice %arg6[%add3A_44, %dma_start3A_57] : memref<16384x72xf32, #tpu.memory_space<hbm>> -> memref<128x72xf32, #tpu.memory_space<hbm>>
      %dma_start3A_59 = arith.constant 0 : i32
      %dma_start3A_60 = tpu.memref_slice %arg6[%add3A_44, %dma_start3A_59] : memref<16384x72xf32, #tpu.memory_space<hbm>> -> memref<128x72xf32, #tpu.memory_space<hbm>>
      tpu.enqueue_dma source(%arg10 : memref<128x72xf32, #tpu.memory_space<vmem>>) target(%dma_start3A_60 : memref<128x72xf32, #tpu.memory_space<hbm>>) target_semaphore(%run_scoped3A : memref<!tpu.dma_semaphore, #tpu.memory_space<semaphore_mem>>)
      %dma_wait3A_61 = arith.constant 0 : i32
      %dma_wait3A_62 = tpu.memref_slice %arg6[%add3A_44, %dma_wait3A_61] : memref<16384x72xf32, #tpu.memory_space<hbm>> -> memref<128x72xf32, #tpu.memory_space<hbm>>
      %dma_wait3A_63 = arith.constant 0 : i32
      %dma_wait3A_64 = tpu.memref_slice %arg6[%add3A_44, %dma_wait3A_63] : memref<16384x72xf32, #tpu.memory_space<hbm>> -> memref<128x72xf32, #tpu.memory_space<hbm>>
      tpu.wait_dma2 semaphore(%run_scoped3A : memref<!tpu.dma_semaphore, #tpu.memory_space<semaphore_mem>>) src(%arg10 : memref<128x72xf32, #tpu.memory_space<vmem>>) dst(%dma_wait3A_64 : memref<128x72xf32, #tpu.memory_space<hbm>>)
      tpu.yield
    }) : () -> ()
    return
  }
}

module attributes {stable_mosaic.version = 14 : i64} {
  func.func @_tc_math_body(%arg0: i32, %arg1: memref<512x1xf32, #tpu.memory_space<vmem>>, %arg2: memref<512x72xf32, #tpu.memory_space<vmem>>, %arg3: memref<512x72xf32, #tpu.memory_space<vmem>>, %arg4: memref<512x3xf32, #tpu.memory_space<vmem>>, %arg5: memref<512x4xf32, #tpu.memory_space<vmem>>, %arg6: memref<512x28xf32, #tpu.memory_space<vmem>>, %arg7: memref<512x12xf32, #tpu.memory_space<vmem>>) attributes {dimension_semantics = [#tpu.dimension_semantics<arbitrary>], iteration_bounds = array<i64: 32>, scalar_prefetch = 0 : i64, scratch_operands = 0 : i64, tpu.core_type = #tpu.core_type<tc>, window_params = [{transform_indices = @transform_0, window_bounds = array<i64: 512, 1>}, {transform_indices = @transform_1, window_bounds = array<i64: 512, 72>}, {transform_indices = @transform_2, window_bounds = array<i64: 512, 72>}, {transform_indices = @transform_3, window_bounds = array<i64: 512, 3>}, {transform_indices = @transform_4, window_bounds = array<i64: 512, 4>}, {transform_indices = @transform_5, window_bounds = array<i64: 512, 28>}, {transform_indices = @transform_6, window_bounds = array<i64: 512, 12>}]} {
    %get3A = arith.constant 0 : index
    %get3A_0 = arith.constant 0 : index
    %get3A_1 = vector.load %arg1[%get3A, %get3A_0] : memref<512x1xf32, #tpu.memory_space<vmem>>, vector<512x1xf32>
    %transpose3A = tpu.transpose %get3A_1, [1, 0] : vector<512x1xf32> -> vector<1x512xf32>
    %get3A_2 = arith.constant 0 : index
    %get3A_3 = arith.constant 0 : index
    %get3A_4 = vector.load %arg2[%get3A_2, %get3A_3] : memref<512x72xf32, #tpu.memory_space<vmem>>, vector<512x72xf32>
    %transpose3A_5 = tpu.transpose %get3A_4, [1, 0] : vector<512x72xf32> -> vector<72x512xf32>
    %get3A_6 = arith.constant 0 : index
    %get3A_7 = arith.constant 0 : index
    %get3A_8 = vector.load %arg3[%get3A_6, %get3A_7] : memref<512x72xf32, #tpu.memory_space<vmem>>, vector<512x72xf32>
    %transpose3A_9 = tpu.transpose %get3A_8, [1, 0] : vector<512x72xf32> -> vector<72x512xf32>
    %sub3A = arith.constant 1.000000e+00 : f32
    %sub3A_10 = vector.broadcast %sub3A : f32 to vector<1x512xf32>
    %sub3A_11 = arith.subf %sub3A_10, %transpose3A : vector<1x512xf32>
    %slice3A = vector.extract_strided_slice %transpose3A_5 {offsets = [0, 0], sizes = [3, 512], strides = [1, 1]} : vector<72x512xf32> to vector<3x512xf32>
    %mul3A = vector.broadcast %sub3A_11 : vector<1x512xf32> to vector<3x512xf32>
    %mul3A_12 = arith.mulf %mul3A, %slice3A : vector<3x512xf32>
    %slice3A_13 = vector.extract_strided_slice %transpose3A_9 {offsets = [0, 0], sizes = [3, 512], strides = [1, 1]} : vector<72x512xf32> to vector<3x512xf32>
    %mul3A_14 = vector.broadcast %transpose3A : vector<1x512xf32> to vector<3x512xf32>
    %mul3A_15 = arith.mulf %mul3A_14, %slice3A_13 : vector<3x512xf32>
    %add3A = arith.addf %mul3A_12, %mul3A_15 : vector<3x512xf32>
    %transpose3A_16 = tpu.transpose %add3A, [1, 0] : vector<3x512xf32> -> vector<512x3xf32>
    %swap3A = arith.constant 0 : index
    %swap3A_17 = arith.constant 0 : index
    %swap3A_18 = vector.load %arg4[%swap3A, %swap3A_17] : memref<512x3xf32, #tpu.memory_space<vmem>>, vector<512x3xf32>
    tpu.vector_store %arg4[%swap3A, %swap3A_17], %transpose3A_16 {strides = array<i32>} : memref<512x3xf32, #tpu.memory_space<vmem>>, vector<512x3xf32>,
    %slice3A_19 = vector.extract_strided_slice %transpose3A_5 {offsets = [3, 0], sizes = [12, 512], strides = [1, 1]} : vector<72x512xf32> to vector<12x512xf32>
    %mul3A_20 = vector.broadcast %sub3A_11 : vector<1x512xf32> to vector<12x512xf32>
    %mul3A_21 = arith.mulf %mul3A_20, %slice3A_19 : vector<12x512xf32>
    %slice3A_22 = vector.extract_strided_slice %transpose3A_9 {offsets = [3, 0], sizes = [12, 512], strides = [1, 1]} : vector<72x512xf32> to vector<12x512xf32>
    %mul3A_23 = vector.broadcast %transpose3A : vector<1x512xf32> to vector<12x512xf32>
    %mul3A_24 = arith.mulf %mul3A_23, %slice3A_22 : vector<12x512xf32>
    %add3A_25 = arith.addf %mul3A_21, %mul3A_24 : vector<12x512xf32>
    %transpose3A_26 = tpu.transpose %add3A_25, [1, 0] : vector<12x512xf32> -> vector<512x12xf32>
    %swap3A_27 = arith.constant 0 : index
    %swap3A_28 = arith.constant 0 : index
    %swap3A_29 = vector.load %arg7[%swap3A_27, %swap3A_28] : memref<512x12xf32, #tpu.memory_space<vmem>>, vector<512x12xf32>
    tpu.vector_store %arg7[%swap3A_27, %swap3A_28], %transpose3A_26 {strides = array<i32>} : memref<512x12xf32, #tpu.memory_space<vmem>>, vector<512x12xf32>,
    %slice3A_30 = vector.extract_strided_slice %transpose3A_5 {offsets = [63, 0], sizes = [4, 512], strides = [1, 1]} : vector<72x512xf32> to vector<4x512xf32>
    %slice3A_31 = vector.extract_strided_slice %transpose3A_9 {offsets = [63, 0], sizes = [4, 512], strides = [1, 1]} : vector<72x512xf32> to vector<4x512xf32>
    %mul3A_32 = arith.mulf %slice3A_30, %slice3A_31 : vector<4x512xf32>
    %reduce_sum3A = arith.constant dense<0.000000e+00> : vector<512xf32>
    %reduce_sum3A_33 = vector.multi_reduction <add>, %mul3A_32, %reduce_sum3A [0] : vector<4x512xf32> to vector<512xf32>
    %broadcast_in_dim3A = vector.shape_cast %reduce_sum3A_33 : vector<512xf32> to vector<1x512xf32>
    %lt3A = arith.constant 0.000000e+00 : f32
    %lt3A_34 = vector.broadcast %lt3A : f32 to vector<1x512xf32>
    %lt3A_35 = arith.cmpf olt, %broadcast_in_dim3A, %lt3A_34 : vector<1x512xf32>
    %neg3A = arith.constant 0.000000e+00 : f32
    %neg3A_36 = vector.broadcast %neg3A : f32 to vector<4x512xf32>
    %neg3A_37 = arith.subf %neg3A_36, %slice3A_31 : vector<4x512xf32>
    %broadcast_in_dim3A_38 = vector.shape_cast %lt3A_35 : vector<1x512xi1> to vector<1x512xi1>
    %broadcast_in_dim3A_39 = vector.broadcast %broadcast_in_dim3A_38 : vector<1x512xi1> to vector<4x512xi1>
    %select_n3A = arith.select %broadcast_in_dim3A_39, %neg3A_37, %slice3A_31 : vector<4x512xi1>, vector<4x512xf32>
    %abs3A = math.absf %broadcast_in_dim3A : vector<1x512xf32>
    %jit3A = arith.constant -1.000000e+00 : f32
    %jit3A_40 = arith.constant 0.99999988 : f32
    %max3A = vector.broadcast %jit3A : f32 to vector<1x512xf32>
    %max3A_41 = arith.maximumf %max3A, %abs3A : vector<1x512xf32>
    %min3A = vector.broadcast %jit3A_40 : f32 to vector<1x512xf32>
    %min3A_42 = arith.minimumf %min3A, %max3A_41 : vector<1x512xf32>
    %mul3A_43 = arith.mulf %min3A_42, %min3A_42 : vector<1x512xf32>
    %sub3A_44 = arith.constant 1.000000e+00 : f32
    %sub3A_45 = vector.broadcast %sub3A_44 : f32 to vector<1x512xf32>
    %sub3A_46 = arith.subf %sub3A_45, %mul3A_43 : vector<1x512xf32>
    %max3A_47 = arith.constant 0.000000e+00 : f32
    %max3A_48 = vector.broadcast %max3A_47 : f32 to vector<1x512xf32>
    %max3A_49 = arith.maximumf %sub3A_46, %max3A_48 : vector<1x512xf32>
    %sqrt3A = math.sqrt %max3A_49 : vector<1x512xf32>
    %atan23A = math.atan2 %sqrt3A, %min3A_42 : vector<1x512xf32>
    %mul3A_50 = arith.mulf %min3A_42, %min3A_42 : vector<1x512xf32>
    %sub3A_51 = arith.constant 1.000000e+00 : f32
    %sub3A_52 = vector.broadcast %sub3A_51 : f32 to vector<1x512xf32>
    %sub3A_53 = arith.subf %sub3A_52, %mul3A_50 : vector<1x512xf32>
    %max3A_54 = arith.constant 0.000000e+00 : f32
    %max3A_55 = vector.broadcast %max3A_54 : f32 to vector<1x512xf32>
    %max3A_56 = arith.maximumf %sub3A_53, %max3A_55 : vector<1x512xf32>
    %sqrt3A_57 = math.sqrt %max3A_56 : vector<1x512xf32>
    %abs3A_58 = math.absf %sqrt3A_57 : vector<1x512xf32>
    %ge3A = arith.constant 1.000000e-03 : f32
    %ge3A_59 = vector.broadcast %ge3A : f32 to vector<1x512xf32>
    %ge3A_60 = arith.cmpf oge, %abs3A_58, %ge3A_59 : vector<1x512xf32>
    %jit3A_61 = arith.constant 1.000000e+00 : f32
    %broadcast_in_dim3A_62 = vector.broadcast %jit3A_61 : f32 to vector<1x512xf32>
    %select_n3A_63 = arith.select %ge3A_60, %sqrt3A_57, %broadcast_in_dim3A_62 : vector<1x512xi1>, vector<1x512xf32>
    %sub3A_64 = arith.constant 1.000000e+00 : f32
    %sub3A_65 = vector.broadcast %sub3A_64 : f32 to vector<1x512xf32>
    %sub3A_66 = arith.subf %sub3A_65, %transpose3A : vector<1x512xf32>
    %mul3A_67 = arith.mulf %sub3A_66, %atan23A : vector<1x512xf32>
    %sin3A = math.sin %mul3A_67 : vector<1x512xf32>
    %div3A = arith.divf %sin3A, %select_n3A_63 : vector<1x512xf32>
    %mul3A_68 = arith.mulf %transpose3A, %atan23A : vector<1x512xf32>
    %sin3A_69 = math.sin %mul3A_68 : vector<1x512xf32>
    %div3A_70 = arith.divf %sin3A_69, %select_n3A_63 : vector<1x512xf32>
    %mul3A_71 = vector.broadcast %div3A : vector<1x512xf32> to vector<4x512xf32>
    %mul3A_72 = arith.mulf %mul3A_71, %slice3A_30 : vector<4x512xf32>
    %mul3A_73 = vector.broadcast %div3A_70 : vector<1x512xf32> to vector<4x512xf32>
    %mul3A_74 = arith.mulf %mul3A_73, %select_n3A : vector<4x512xf32>
    %add3A_75 = arith.addf %mul3A_72, %mul3A_74 : vector<4x512xf32>
    %mul3A_76 = arith.constant 5.000000e-01 : f32
    %mul3A_77 = vector.broadcast %mul3A_76 : f32 to vector<4x512xf32>
    %mul3A_78 = arith.mulf %mul3A_77, %slice3A_30 : vector<4x512xf32>
    %mul3A_79 = arith.constant 5.000000e-01 : f32
    %mul3A_80 = vector.broadcast %mul3A_79 : f32 to vector<4x512xf32>
    %mul3A_81 = arith.mulf %mul3A_80, %select_n3A : vector<4x512xf32>
    %add3A_82 = arith.addf %mul3A_78, %mul3A_81 : vector<4x512xf32>
    %broadcast_in_dim3A_83 = vector.shape_cast %ge3A_60 : vector<1x512xi1> to vector<1x512xi1>
    %broadcast_in_dim3A_84 = vector.broadcast %broadcast_in_dim3A_83 : vector<1x512xi1> to vector<4x512xi1>
    %select_n3A_85 = arith.select %broadcast_in_dim3A_84, %add3A_75, %add3A_82 : vector<4x512xi1>, vector<4x512xf32>
    %ge3A_86 = arith.constant 1.000000e+00 : f32
    %ge3A_87 = vector.broadcast %ge3A_86 : f32 to vector<1x512xf32>
    %ge3A_88 = arith.cmpf oge, %abs3A, %ge3A_87 : vector<1x512xf32>
    %broadcast_in_dim3A_89 = vector.shape_cast %ge3A_88 : vector<1x512xi1> to vector<1x512xi1>
    %broadcast_in_dim3A_90 = vector.broadcast %broadcast_in_dim3A_89 : vector<1x512xi1> to vector<4x512xi1>
    %select_n3A_91 = arith.select %broadcast_in_dim3A_90, %slice3A_30, %select_n3A_85 : vector<4x512xi1>, vector<4x512xf32>
    %transpose3A_92 = tpu.transpose %select_n3A_91, [1, 0] : vector<4x512xf32> -> vector<512x4xf32>
    %swap3A_93 = arith.constant 0 : index
    %swap3A_94 = arith.constant 0 : index
    %swap3A_95 = vector.load %arg5[%swap3A_93, %swap3A_94] : memref<512x4xf32, #tpu.memory_space<vmem>>, vector<512x4xf32>
    tpu.vector_store %arg5[%swap3A_93, %swap3A_94], %transpose3A_92 {strides = array<i32>} : memref<512x4xf32, #tpu.memory_space<vmem>>, vector<512x4xf32>,
    %slice3A_96 = vector.extract_strided_slice %transpose3A_5 {offsets = [15, 0], sizes = [4, 512], strides = [1, 1]} : vector<72x512xf32> to vector<4x512xf32>
    %slice3A_97 = vector.extract_strided_slice %transpose3A_9 {offsets = [15, 0], sizes = [4, 512], strides = [1, 1]} : vector<72x512xf32> to vector<4x512xf32>
    %mul3A_98 = arith.mulf %slice3A_96, %slice3A_97 : vector<4x512xf32>
    %reduce_sum3A_99 = arith.constant dense<0.000000e+00> : vector<512xf32>
    %reduce_sum3A_100 = vector.multi_reduction <add>, %mul3A_98, %reduce_sum3A_99 [0] : vector<4x512xf32> to vector<512xf32>
    %broadcast_in_dim3A_101 = vector.shape_cast %reduce_sum3A_100 : vector<512xf32> to vector<1x512xf32>
    %lt3A_102 = arith.constant 0.000000e+00 : f32
    %lt3A_103 = vector.broadcast %lt3A_102 : f32 to vector<1x512xf32>
    %lt3A_104 = arith.cmpf olt, %broadcast_in_dim3A_101, %lt3A_103 : vector<1x512xf32>
    %neg3A_105 = arith.constant 0.000000e+00 : f32
    %neg3A_106 = vector.broadcast %neg3A_105 : f32 to vector<4x512xf32>
    %neg3A_107 = arith.subf %neg3A_106, %slice3A_97 : vector<4x512xf32>
    %broadcast_in_dim3A_108 = vector.shape_cast %lt3A_104 : vector<1x512xi1> to vector<1x512xi1>
    %broadcast_in_dim3A_109 = vector.broadcast %broadcast_in_dim3A_108 : vector<1x512xi1> to vector<4x512xi1>
    %select_n3A_110 = arith.select %broadcast_in_dim3A_109, %neg3A_107, %slice3A_97 : vector<4x512xi1>, vector<4x512xf32>
    %abs3A_111 = math.absf %broadcast_in_dim3A_101 : vector<1x512xf32>
    %jit3A_112 = arith.constant -1.000000e+00 : f32
    %jit3A_113 = arith.constant 0.99999988 : f32
    %max3A_114 = vector.broadcast %jit3A_112 : f32 to vector<1x512xf32>
    %max3A_115 = arith.maximumf %max3A_114, %abs3A_111 : vector<1x512xf32>
    %min3A_116 = vector.broadcast %jit3A_113 : f32 to vector<1x512xf32>
    %min3A_117 = arith.minimumf %min3A_116, %max3A_115 : vector<1x512xf32>
    %mul3A_118 = arith.mulf %min3A_117, %min3A_117 : vector<1x512xf32>
    %sub3A_119 = arith.constant 1.000000e+00 : f32
    %sub3A_120 = vector.broadcast %sub3A_119 : f32 to vector<1x512xf32>
    %sub3A_121 = arith.subf %sub3A_120, %mul3A_118 : vector<1x512xf32>
    %max3A_122 = arith.constant 0.000000e+00 : f32
    %max3A_123 = vector.broadcast %max3A_122 : f32 to vector<1x512xf32>
    %max3A_124 = arith.maximumf %sub3A_121, %max3A_123 : vector<1x512xf32>
    %sqrt3A_125 = math.sqrt %max3A_124 : vector<1x512xf32>
    %atan23A_126 = math.atan2 %sqrt3A_125, %min3A_117 : vector<1x512xf32>
    %mul3A_127 = arith.mulf %min3A_117, %min3A_117 : vector<1x512xf32>
    %sub3A_128 = arith.constant 1.000000e+00 : f32
    %sub3A_129 = vector.broadcast %sub3A_128 : f32 to vector<1x512xf32>
    %sub3A_130 = arith.subf %sub3A_129, %mul3A_127 : vector<1x512xf32>
    %max3A_131 = arith.constant 0.000000e+00 : f32
    %max3A_132 = vector.broadcast %max3A_131 : f32 to vector<1x512xf32>
    %max3A_133 = arith.maximumf %sub3A_130, %max3A_132 : vector<1x512xf32>
    %sqrt3A_134 = math.sqrt %max3A_133 : vector<1x512xf32>
    %abs3A_135 = math.absf %sqrt3A_134 : vector<1x512xf32>
    %ge3A_136 = arith.constant 1.000000e-03 : f32
    %ge3A_137 = vector.broadcast %ge3A_136 : f32 to vector<1x512xf32>
    %ge3A_138 = arith.cmpf oge, %abs3A_135, %ge3A_137 : vector<1x512xf32>
    %jit3A_139 = arith.constant 1.000000e+00 : f32
    %broadcast_in_dim3A_140 = vector.broadcast %jit3A_139 : f32 to vector<1x512xf32>
    %select_n3A_141 = arith.select %ge3A_138, %sqrt3A_134, %broadcast_in_dim3A_140 : vector<1x512xi1>, vector<1x512xf32>
    %sub3A_142 = arith.constant 1.000000e+00 : f32
    %sub3A_143 = vector.broadcast %sub3A_142 : f32 to vector<1x512xf32>
    %sub3A_144 = arith.subf %sub3A_143, %transpose3A : vector<1x512xf32>
    %mul3A_145 = arith.mulf %sub3A_144, %atan23A_126 : vector<1x512xf32>
    %sin3A_146 = math.sin %mul3A_145 : vector<1x512xf32>
    %div3A_147 = arith.divf %sin3A_146, %select_n3A_141 : vector<1x512xf32>
    %mul3A_148 = arith.mulf %transpose3A, %atan23A_126 : vector<1x512xf32>
    %sin3A_149 = math.sin %mul3A_148 : vector<1x512xf32>
    %div3A_150 = arith.divf %sin3A_149, %select_n3A_141 : vector<1x512xf32>
    %mul3A_151 = vector.broadcast %div3A_147 : vector<1x512xf32> to vector<4x512xf32>
    %mul3A_152 = arith.mulf %mul3A_151, %slice3A_96 : vector<4x512xf32>
    %mul3A_153 = vector.broadcast %div3A_150 : vector<1x512xf32> to vector<4x512xf32>
    %mul3A_154 = arith.mulf %mul3A_153, %select_n3A_110 : vector<4x512xf32>
    %add3A_155 = arith.addf %mul3A_152, %mul3A_154 : vector<4x512xf32>
    %mul3A_156 = arith.constant 5.000000e-01 : f32
    %mul3A_157 = vector.broadcast %mul3A_156 : f32 to vector<4x512xf32>
    %mul3A_158 = arith.mulf %mul3A_157, %slice3A_96 : vector<4x512xf32>
    %mul3A_159 = arith.constant 5.000000e-01 : f32
    %mul3A_160 = vector.broadcast %mul3A_159 : f32 to vector<4x512xf32>
    %mul3A_161 = arith.mulf %mul3A_160, %select_n3A_110 : vector<4x512xf32>
    %add3A_162 = arith.addf %mul3A_158, %mul3A_161 : vector<4x512xf32>
    %broadcast_in_dim3A_163 = vector.shape_cast %ge3A_138 : vector<1x512xi1> to vector<1x512xi1>
    %broadcast_in_dim3A_164 = vector.broadcast %broadcast_in_dim3A_163 : vector<1x512xi1> to vector<4x512xi1>
    %select_n3A_165 = arith.select %broadcast_in_dim3A_164, %add3A_155, %add3A_162 : vector<4x512xi1>, vector<4x512xf32>
    %ge3A_166 = arith.constant 1.000000e+00 : f32
    %ge3A_167 = vector.broadcast %ge3A_166 : f32 to vector<1x512xf32>
    %ge3A_168 = arith.cmpf oge, %abs3A_111, %ge3A_167 : vector<1x512xf32>
    %broadcast_in_dim3A_169 = vector.shape_cast %ge3A_168 : vector<1x512xi1> to vector<1x512xi1>
    %broadcast_in_dim3A_170 = vector.broadcast %broadcast_in_dim3A_169 : vector<1x512xi1> to vector<4x512xi1>
    %select_n3A_171 = arith.select %broadcast_in_dim3A_170, %slice3A_96, %select_n3A_165 : vector<4x512xi1>, vector<4x512xf32>
    %slice3A_172 = vector.extract_strided_slice %select_n3A_171 {offsets = [0, 0], sizes = [1, 512], strides = [1, 1]} : vector<4x512xf32> to vector<1x512xf32>
    %mul3A_173 = arith.mulf %slice3A_172, %slice3A_172 : vector<1x512xf32>
    %sub3A_174 = arith.constant 1.000000e+00 : f32
    %sub3A_175 = vector.broadcast %sub3A_174 : f32 to vector<1x512xf32>
    %sub3A_176 = arith.subf %sub3A_175, %mul3A_173 : vector<1x512xf32>
    %max3A_177 = arith.constant 0.000000e+00 : f32
    %max3A_178 = vector.broadcast %max3A_177 : f32 to vector<1x512xf32>
    %max3A_179 = arith.maximumf %sub3A_176, %max3A_178 : vector<1x512xf32>
    %sqrt3A_180 = math.sqrt %max3A_179 : vector<1x512xf32>
    %jit3A_181 = arith.constant -1.000000e+00 : f32
    %jit3A_182 = arith.constant 1.000000e+00 : f32
    %max3A_183 = vector.broadcast %jit3A_181 : f32 to vector<1x512xf32>
    %max3A_184 = arith.maximumf %max3A_183, %slice3A_172 : vector<1x512xf32>
    %min3A_185 = vector.broadcast %jit3A_182 : f32 to vector<1x512xf32>
    %min3A_186 = arith.minimumf %min3A_185, %max3A_184 : vector<1x512xf32>
    %mul3A_187 = arith.mulf %min3A_186, %min3A_186 : vector<1x512xf32>
    %sub3A_188 = arith.constant 1.000000e+00 : f32
    %sub3A_189 = vector.broadcast %sub3A_188 : f32 to vector<1x512xf32>
    %sub3A_190 = arith.subf %sub3A_189, %mul3A_187 : vector<1x512xf32>
    %max3A_191 = arith.constant 0.000000e+00 : f32
    %max3A_192 = vector.broadcast %max3A_191 : f32 to vector<1x512xf32>
    %max3A_193 = arith.maximumf %sub3A_190, %max3A_192 : vector<1x512xf32>
    %sqrt3A_194 = math.sqrt %max3A_193 : vector<1x512xf32>
    %atan23A_195 = math.atan2 %sqrt3A_194, %min3A_186 : vector<1x512xf32>
    %mul3A_196 = arith.constant 2.000000e+00 : f32
    %mul3A_197 = vector.broadcast %mul3A_196 : f32 to vector<1x512xf32>
    %mul3A_198 = arith.mulf %mul3A_197, %atan23A_195 : vector<1x512xf32>
    %sin3A_199 = math.sin %mul3A_198 : vector<1x512xf32>
    %cos3A = math.cos %mul3A_198 : vector<1x512xf32>
    %atan23A_200 = math.atan2 %sin3A_199, %cos3A : vector<1x512xf32>
    %slice3A_201 = vector.extract_strided_slice %select_n3A_171 {offsets = [1, 0], sizes = [3, 512], strides = [1, 1]} : vector<4x512xf32> to vector<3x512xf32>
    %max3A_202 = arith.constant 9.99999974E-6 : f32
    %max3A_203 = vector.broadcast %max3A_202 : f32 to vector<1x512xf32>
    %max3A_204 = arith.maximumf %sqrt3A_180, %max3A_203 : vector<1x512xf32>
    %div3A_205 = vector.broadcast %max3A_204 : vector<1x512xf32> to vector<3x512xf32>
    %div3A_206 = arith.divf %slice3A_201, %div3A_205 : vector<3x512xf32>
    %gt3A = arith.constant 9.99999974E-6 : f32
    %gt3A_207 = vector.broadcast %gt3A : f32 to vector<1x512xf32>
    %gt3A_208 = arith.cmpf ogt, %sqrt3A_180, %gt3A_207 : vector<1x512xf32>
    %broadcast_in_dim3A_209 = arith.constant 0.000000e+00 : f32
    %broadcast_in_dim3A_210 = vector.broadcast %broadcast_in_dim3A_209 : f32 to vector<2x512xf32>
    %broadcast_in_dim3A_211 = arith.constant 1.000000e+00 : f32
    %broadcast_in_dim3A_212 = vector.broadcast %broadcast_in_dim3A_211 : f32 to vector<1x512xf32>
    %concatenate3A = tpu.concatenate %broadcast_in_dim3A_210, %broadcast_in_dim3A_212 in 0 : vector<2x512xf32>, vector<1x512xf32> -> vector<3x512xf32>
    %broadcast_in_dim3A_213 = arith.constant 0.000000e+00 : f32
    %broadcast_in_dim3A_214 = vector.broadcast %broadcast_in_dim3A_213 : f32 to vector<1x512xf32>
    %select_n3A_215 = arith.select %gt3A_208, %atan23A_200, %broadcast_in_dim3A_214 : vector<1x512xi1>, vector<1x512xf32>
    %broadcast_in_dim3A_216 = vector.shape_cast %gt3A_208 : vector<1x512xi1> to vector<1x512xi1>
    %broadcast_in_dim3A_217 = vector.broadcast %broadcast_in_dim3A_216 : vector<1x512xi1> to vector<3x512xi1>
    %select_n3A_218 = arith.select %broadcast_in_dim3A_217, %div3A_206, %concatenate3A : vector<3x512xi1>, vector<3x512xf32>
    %mul3A_219 = vector.broadcast %select_n3A_215 : vector<1x512xf32> to vector<3x512xf32>
    %mul3A_220 = arith.mulf %mul3A_219, %select_n3A_218 : vector<3x512xf32>
    %slice3A_221 = vector.extract_strided_slice %transpose3A_5 {offsets = [19, 0], sizes = [4, 512], strides = [1, 1]} : vector<72x512xf32> to vector<4x512xf32>
    %slice3A_222 = vector.extract_strided_slice %transpose3A_9 {offsets = [19, 0], sizes = [4, 512], strides = [1, 1]} : vector<72x512xf32> to vector<4x512xf32>
    %mul3A_223 = arith.mulf %slice3A_221, %slice3A_222 : vector<4x512xf32>
    %reduce_sum3A_224 = arith.constant dense<0.000000e+00> : vector<512xf32>
    %reduce_sum3A_225 = vector.multi_reduction <add>, %mul3A_223, %reduce_sum3A_224 [0] : vector<4x512xf32> to vector<512xf32>
    %broadcast_in_dim3A_226 = vector.shape_cast %reduce_sum3A_225 : vector<512xf32> to vector<1x512xf32>
    %lt3A_227 = arith.constant 0.000000e+00 : f32
    %lt3A_228 = vector.broadcast %lt3A_227 : f32 to vector<1x512xf32>
    %lt3A_229 = arith.cmpf olt, %broadcast_in_dim3A_226, %lt3A_228 : vector<1x512xf32>
    %neg3A_230 = arith.constant 0.000000e+00 : f32
    %neg3A_231 = vector.broadcast %neg3A_230 : f32 to vector<4x512xf32>
    %neg3A_232 = arith.subf %neg3A_231, %slice3A_222 : vector<4x512xf32>
    %broadcast_in_dim3A_233 = vector.shape_cast %lt3A_229 : vector<1x512xi1> to vector<1x512xi1>
    %broadcast_in_dim3A_234 = vector.broadcast %broadcast_in_dim3A_233 : vector<1x512xi1> to vector<4x512xi1>
    %select_n3A_235 = arith.select %broadcast_in_dim3A_234, %neg3A_232, %slice3A_222 : vector<4x512xi1>, vector<4x512xf32>
    %abs3A_236 = math.absf %broadcast_in_dim3A_226 : vector<1x512xf32>
    %jit3A_237 = arith.constant -1.000000e+00 : f32
    %jit3A_238 = arith.constant 0.99999988 : f32
    %max3A_239 = vector.broadcast %jit3A_237 : f32 to vector<1x512xf32>
    %max3A_240 = arith.maximumf %max3A_239, %abs3A_236 : vector<1x512xf32>
    %min3A_241 = vector.broadcast %jit3A_238 : f32 to vector<1x512xf32>
    %min3A_242 = arith.minimumf %min3A_241, %max3A_240 : vector<1x512xf32>
    %mul3A_243 = arith.mulf %min3A_242, %min3A_242 : vector<1x512xf32>
    %sub3A_244 = arith.constant 1.000000e+00 : f32
    %sub3A_245 = vector.broadcast %sub3A_244 : f32 to vector<1x512xf32>
    %sub3A_246 = arith.subf %sub3A_245, %mul3A_243 : vector<1x512xf32>
    %max3A_247 = arith.constant 0.000000e+00 : f32
    %max3A_248 = vector.broadcast %max3A_247 : f32 to vector<1x512xf32>
    %max3A_249 = arith.maximumf %sub3A_246, %max3A_248 : vector<1x512xf32>
    %sqrt3A_250 = math.sqrt %max3A_249 : vector<1x512xf32>
    %atan23A_251 = math.atan2 %sqrt3A_250, %min3A_242 : vector<1x512xf32>
    %mul3A_252 = arith.mulf %min3A_242, %min3A_242 : vector<1x512xf32>
    %sub3A_253 = arith.constant 1.000000e+00 : f32
    %sub3A_254 = vector.broadcast %sub3A_253 : f32 to vector<1x512xf32>
    %sub3A_255 = arith.subf %sub3A_254, %mul3A_252 : vector<1x512xf32>
    %max3A_256 = arith.constant 0.000000e+00 : f32
    %max3A_257 = vector.broadcast %max3A_256 : f32 to vector<1x512xf32>
    %max3A_258 = arith.maximumf %sub3A_255, %max3A_257 : vector<1x512xf32>
    %sqrt3A_259 = math.sqrt %max3A_258 : vector<1x512xf32>
    %abs3A_260 = math.absf %sqrt3A_259 : vector<1x512xf32>
    %ge3A_261 = arith.constant 1.000000e-03 : f32
    %ge3A_262 = vector.broadcast %ge3A_261 : f32 to vector<1x512xf32>
    %ge3A_263 = arith.cmpf oge, %abs3A_260, %ge3A_262 : vector<1x512xf32>
    %jit3A_264 = arith.constant 1.000000e+00 : f32
    %broadcast_in_dim3A_265 = vector.broadcast %jit3A_264 : f32 to vector<1x512xf32>
    %select_n3A_266 = arith.select %ge3A_263, %sqrt3A_259, %broadcast_in_dim3A_265 : vector<1x512xi1>, vector<1x512xf32>
    %sub3A_267 = arith.constant 1.000000e+00 : f32
    %sub3A_268 = vector.broadcast %sub3A_267 : f32 to vector<1x512xf32>
    %sub3A_269 = arith.subf %sub3A_268, %transpose3A : vector<1x512xf32>
    %mul3A_270 = arith.mulf %sub3A_269, %atan23A_251 : vector<1x512xf32>
    %sin3A_271 = math.sin %mul3A_270 : vector<1x512xf32>
    %div3A_272 = arith.divf %sin3A_271, %select_n3A_266 : vector<1x512xf32>
    %mul3A_273 = arith.mulf %transpose3A, %atan23A_251 : vector<1x512xf32>
    %sin3A_274 = math.sin %mul3A_273 : vector<1x512xf32>
    %div3A_275 = arith.divf %sin3A_274, %select_n3A_266 : vector<1x512xf32>
    %mul3A_276 = vector.broadcast %div3A_272 : vector<1x512xf32> to vector<4x512xf32>
    %mul3A_277 = arith.mulf %mul3A_276, %slice3A_221 : vector<4x512xf32>
    %mul3A_278 = vector.broadcast %div3A_275 : vector<1x512xf32> to vector<4x512xf32>
    %mul3A_279 = arith.mulf %mul3A_278, %select_n3A_235 : vector<4x512xf32>
    %add3A_280 = arith.addf %mul3A_277, %mul3A_279 : vector<4x512xf32>
    %mul3A_281 = arith.constant 5.000000e-01 : f32
    %mul3A_282 = vector.broadcast %mul3A_281 : f32 to vector<4x512xf32>
    %mul3A_283 = arith.mulf %mul3A_282, %slice3A_221 : vector<4x512xf32>
    %mul3A_284 = arith.constant 5.000000e-01 : f32
    %mul3A_285 = vector.broadcast %mul3A_284 : f32 to vector<4x512xf32>
    %mul3A_286 = arith.mulf %mul3A_285, %select_n3A_235 : vector<4x512xf32>
    %add3A_287 = arith.addf %mul3A_283, %mul3A_286 : vector<4x512xf32>
    %broadcast_in_dim3A_288 = vector.shape_cast %ge3A_263 : vector<1x512xi1> to vector<1x512xi1>
    %broadcast_in_dim3A_289 = vector.broadcast %broadcast_in_dim3A_288 : vector<1x512xi1> to vector<4x512xi1>
    %select_n3A_290 = arith.select %broadcast_in_dim3A_289, %add3A_280, %add3A_287 : vector<4x512xi1>, vector<4x512xf32>
    %ge3A_291 = arith.constant 1.000000e+00 : f32
    %ge3A_292 = vector.broadcast %ge3A_291 : f32 to vector<1x512xf32>
    %ge3A_293 = arith.cmpf oge, %abs3A_236, %ge3A_292 : vector<1x512xf32>
    %broadcast_in_dim3A_294 = vector.shape_cast %ge3A_293 : vector<1x512xi1> to vector<1x512xi1>
    %broadcast_in_dim3A_295 = vector.broadcast %broadcast_in_dim3A_294 : vector<1x512xi1> to vector<4x512xi1>
    %select_n3A_296 = arith.select %broadcast_in_dim3A_295, %slice3A_221, %select_n3A_290 : vector<4x512xi1>, vector<4x512xf32>
    %slice3A_297 = vector.extract_strided_slice %select_n3A_296 {offsets = [0, 0], sizes = [1, 512], strides = [1, 1]} : vector<4x512xf32> to vector<1x512xf32>
    %mul3A_298 = arith.mulf %slice3A_297, %slice3A_297 : vector<1x512xf32>
    %sub3A_299 = arith.constant 1.000000e+00 : f32
    %sub3A_300 = vector.broadcast %sub3A_299 : f32 to vector<1x512xf32>
    %sub3A_301 = arith.subf %sub3A_300, %mul3A_298 : vector<1x512xf32>
    %max3A_302 = arith.constant 0.000000e+00 : f32
    %max3A_303 = vector.broadcast %max3A_302 : f32 to vector<1x512xf32>
    %max3A_304 = arith.maximumf %sub3A_301, %max3A_303 : vector<1x512xf32>
    %sqrt3A_305 = math.sqrt %max3A_304 : vector<1x512xf32>
    %jit3A_306 = arith.constant -1.000000e+00 : f32
    %jit3A_307 = arith.constant 1.000000e+00 : f32
    %max3A_308 = vector.broadcast %jit3A_306 : f32 to vector<1x512xf32>
    %max3A_309 = arith.maximumf %max3A_308, %slice3A_297 : vector<1x512xf32>
    %min3A_310 = vector.broadcast %jit3A_307 : f32 to vector<1x512xf32>
    %min3A_311 = arith.minimumf %min3A_310, %max3A_309 : vector<1x512xf32>
    %mul3A_312 = arith.mulf %min3A_311, %min3A_311 : vector<1x512xf32>
    %sub3A_313 = arith.constant 1.000000e+00 : f32
    %sub3A_314 = vector.broadcast %sub3A_313 : f32 to vector<1x512xf32>
    %sub3A_315 = arith.subf %sub3A_314, %mul3A_312 : vector<1x512xf32>
    %max3A_316 = arith.constant 0.000000e+00 : f32
    %max3A_317 = vector.broadcast %max3A_316 : f32 to vector<1x512xf32>
    %max3A_318 = arith.maximumf %sub3A_315, %max3A_317 : vector<1x512xf32>
    %sqrt3A_319 = math.sqrt %max3A_318 : vector<1x512xf32>
    %atan23A_320 = math.atan2 %sqrt3A_319, %min3A_311 : vector<1x512xf32>
    %mul3A_321 = arith.constant 2.000000e+00 : f32
    %mul3A_322 = vector.broadcast %mul3A_321 : f32 to vector<1x512xf32>
    %mul3A_323 = arith.mulf %mul3A_322, %atan23A_320 : vector<1x512xf32>
    %sin3A_324 = math.sin %mul3A_323 : vector<1x512xf32>
    %cos3A_325 = math.cos %mul3A_323 : vector<1x512xf32>
    %atan23A_326 = math.atan2 %sin3A_324, %cos3A_325 : vector<1x512xf32>
    %slice3A_327 = vector.extract_strided_slice %select_n3A_296 {offsets = [1, 0], sizes = [3, 512], strides = [1, 1]} : vector<4x512xf32> to vector<3x512xf32>
    %max3A_328 = arith.constant 9.99999974E-6 : f32
    %max3A_329 = vector.broadcast %max3A_328 : f32 to vector<1x512xf32>
    %max3A_330 = arith.maximumf %sqrt3A_305, %max3A_329 : vector<1x512xf32>
    %div3A_331 = vector.broadcast %max3A_330 : vector<1x512xf32> to vector<3x512xf32>
    %div3A_332 = arith.divf %slice3A_327, %div3A_331 : vector<3x512xf32>
    %gt3A_333 = arith.constant 9.99999974E-6 : f32
    %gt3A_334 = vector.broadcast %gt3A_333 : f32 to vector<1x512xf32>
    %gt3A_335 = arith.cmpf ogt, %sqrt3A_305, %gt3A_334 : vector<1x512xf32>
    %broadcast_in_dim3A_336 = arith.constant 0.000000e+00 : f32
    %broadcast_in_dim3A_337 = vector.broadcast %broadcast_in_dim3A_336 : f32 to vector<2x512xf32>
    %broadcast_in_dim3A_338 = arith.constant 1.000000e+00 : f32
    %broadcast_in_dim3A_339 = vector.broadcast %broadcast_in_dim3A_338 : f32 to vector<1x512xf32>
    %concatenate3A_340 = tpu.concatenate %broadcast_in_dim3A_337, %broadcast_in_dim3A_339 in 0 : vector<2x512xf32>, vector<1x512xf32> -> vector<3x512xf32>
    %broadcast_in_dim3A_341 = arith.constant 0.000000e+00 : f32
    %broadcast_in_dim3A_342 = vector.broadcast %broadcast_in_dim3A_341 : f32 to vector<1x512xf32>
    %select_n3A_343 = arith.select %gt3A_335, %atan23A_326, %broadcast_in_dim3A_342 : vector<1x512xi1>, vector<1x512xf32>
    %broadcast_in_dim3A_344 = vector.shape_cast %gt3A_335 : vector<1x512xi1> to vector<1x512xi1>
    %broadcast_in_dim3A_345 = vector.broadcast %broadcast_in_dim3A_344 : vector<1x512xi1> to vector<3x512xi1>
    %select_n3A_346 = arith.select %broadcast_in_dim3A_345, %div3A_332, %concatenate3A_340 : vector<3x512xi1>, vector<3x512xf32>
    %mul3A_347 = vector.broadcast %select_n3A_343 : vector<1x512xf32> to vector<3x512xf32>
    %mul3A_348 = arith.mulf %mul3A_347, %select_n3A_346 : vector<3x512xf32>
    %slice3A_349 = vector.extract_strided_slice %transpose3A_5 {offsets = [23, 0], sizes = [4, 512], strides = [1, 1]} : vector<72x512xf32> to vector<4x512xf32>
    %slice3A_350 = vector.extract_strided_slice %transpose3A_9 {offsets = [23, 0], sizes = [4, 512], strides = [1, 1]} : vector<72x512xf32> to vector<4x512xf32>
    %mul3A_351 = arith.mulf %slice3A_349, %slice3A_350 : vector<4x512xf32>
    %reduce_sum3A_352 = arith.constant dense<0.000000e+00> : vector<512xf32>
    %reduce_sum3A_353 = vector.multi_reduction <add>, %mul3A_351, %reduce_sum3A_352 [0] : vector<4x512xf32> to vector<512xf32>
    %broadcast_in_dim3A_354 = vector.shape_cast %reduce_sum3A_353 : vector<512xf32> to vector<1x512xf32>
    %lt3A_355 = arith.constant 0.000000e+00 : f32
    %lt3A_356 = vector.broadcast %lt3A_355 : f32 to vector<1x512xf32>
    %lt3A_357 = arith.cmpf olt, %broadcast_in_dim3A_354, %lt3A_356 : vector<1x512xf32>
    %neg3A_358 = arith.constant 0.000000e+00 : f32
    %neg3A_359 = vector.broadcast %neg3A_358 : f32 to vector<4x512xf32>
    %neg3A_360 = arith.subf %neg3A_359, %slice3A_350 : vector<4x512xf32>
    %broadcast_in_dim3A_361 = vector.shape_cast %lt3A_357 : vector<1x512xi1> to vector<1x512xi1>
    %broadcast_in_dim3A_362 = vector.broadcast %broadcast_in_dim3A_361 : vector<1x512xi1> to vector<4x512xi1>
    %select_n3A_363 = arith.select %broadcast_in_dim3A_362, %neg3A_360, %slice3A_350 : vector<4x512xi1>, vector<4x512xf32>
    %abs3A_364 = math.absf %broadcast_in_dim3A_354 : vector<1x512xf32>
    %jit3A_365 = arith.constant -1.000000e+00 : f32
    %jit3A_366 = arith.constant 0.99999988 : f32
    %max3A_367 = vector.broadcast %jit3A_365 : f32 to vector<1x512xf32>
    %max3A_368 = arith.maximumf %max3A_367, %abs3A_364 : vector<1x512xf32>
    %min3A_369 = vector.broadcast %jit3A_366 : f32 to vector<1x512xf32>
    %min3A_370 = arith.minimumf %min3A_369, %max3A_368 : vector<1x512xf32>
    %mul3A_371 = arith.mulf %min3A_370, %min3A_370 : vector<1x512xf32>
    %sub3A_372 = arith.constant 1.000000e+00 : f32
    %sub3A_373 = vector.broadcast %sub3A_372 : f32 to vector<1x512xf32>
    %sub3A_374 = arith.subf %sub3A_373, %mul3A_371 : vector<1x512xf32>
    %max3A_375 = arith.constant 0.000000e+00 : f32
    %max3A_376 = vector.broadcast %max3A_375 : f32 to vector<1x512xf32>
    %max3A_377 = arith.maximumf %sub3A_374, %max3A_376 : vector<1x512xf32>
    %sqrt3A_378 = math.sqrt %max3A_377 : vector<1x512xf32>
    %atan23A_379 = math.atan2 %sqrt3A_378, %min3A_370 : vector<1x512xf32>
    %mul3A_380 = arith.mulf %min3A_370, %min3A_370 : vector<1x512xf32>
    %sub3A_381 = arith.constant 1.000000e+00 : f32
    %sub3A_382 = vector.broadcast %sub3A_381 : f32 to vector<1x512xf32>
    %sub3A_383 = arith.subf %sub3A_382, %mul3A_380 : vector<1x512xf32>
    %max3A_384 = arith.constant 0.000000e+00 : f32
    %max3A_385 = vector.broadcast %max3A_384 : f32 to vector<1x512xf32>
    %max3A_386 = arith.maximumf %sub3A_383, %max3A_385 : vector<1x512xf32>
    %sqrt3A_387 = math.sqrt %max3A_386 : vector<1x512xf32>
    %abs3A_388 = math.absf %sqrt3A_387 : vector<1x512xf32>
    %ge3A_389 = arith.constant 1.000000e-03 : f32
    %ge3A_390 = vector.broadcast %ge3A_389 : f32 to vector<1x512xf32>
    %ge3A_391 = arith.cmpf oge, %abs3A_388, %ge3A_390 : vector<1x512xf32>
    %jit3A_392 = arith.constant 1.000000e+00 : f32
    %broadcast_in_dim3A_393 = vector.broadcast %jit3A_392 : f32 to vector<1x512xf32>
    %select_n3A_394 = arith.select %ge3A_391, %sqrt3A_387, %broadcast_in_dim3A_393 : vector<1x512xi1>, vector<1x512xf32>
    %sub3A_395 = arith.constant 1.000000e+00 : f32
    %sub3A_396 = vector.broadcast %sub3A_395 : f32 to vector<1x512xf32>
    %sub3A_397 = arith.subf %sub3A_396, %transpose3A : vector<1x512xf32>
    %mul3A_398 = arith.mulf %sub3A_397, %atan23A_379 : vector<1x512xf32>
    %sin3A_399 = math.sin %mul3A_398 : vector<1x512xf32>
    %div3A_400 = arith.divf %sin3A_399, %select_n3A_394 : vector<1x512xf32>
    %mul3A_401 = arith.mulf %transpose3A, %atan23A_379 : vector<1x512xf32>
    %sin3A_402 = math.sin %mul3A_401 : vector<1x512xf32>
    %div3A_403 = arith.divf %sin3A_402, %select_n3A_394 : vector<1x512xf32>
    %mul3A_404 = vector.broadcast %div3A_400 : vector<1x512xf32> to vector<4x512xf32>
    %mul3A_405 = arith.mulf %mul3A_404, %slice3A_349 : vector<4x512xf32>
    %mul3A_406 = vector.broadcast %div3A_403 : vector<1x512xf32> to vector<4x512xf32>
    %mul3A_407 = arith.mulf %mul3A_406, %select_n3A_363 : vector<4x512xf32>
    %add3A_408 = arith.addf %mul3A_405, %mul3A_407 : vector<4x512xf32>
    %mul3A_409 = arith.constant 5.000000e-01 : f32
    %mul3A_410 = vector.broadcast %mul3A_409 : f32 to vector<4x512xf32>
    %mul3A_411 = arith.mulf %mul3A_410, %slice3A_349 : vector<4x512xf32>
    %mul3A_412 = arith.constant 5.000000e-01 : f32
    %mul3A_413 = vector.broadcast %mul3A_412 : f32 to vector<4x512xf32>
    %mul3A_414 = arith.mulf %mul3A_413, %select_n3A_363 : vector<4x512xf32>
    %add3A_415 = arith.addf %mul3A_411, %mul3A_414 : vector<4x512xf32>
    %broadcast_in_dim3A_416 = vector.shape_cast %ge3A_391 : vector<1x512xi1> to vector<1x512xi1>
    %broadcast_in_dim3A_417 = vector.broadcast %broadcast_in_dim3A_416 : vector<1x512xi1> to vector<4x512xi1>
    %select_n3A_418 = arith.select %broadcast_in_dim3A_417, %add3A_408, %add3A_415 : vector<4x512xi1>, vector<4x512xf32>
    %ge3A_419 = arith.constant 1.000000e+00 : f32
    %ge3A_420 = vector.broadcast %ge3A_419 : f32 to vector<1x512xf32>
    %ge3A_421 = arith.cmpf oge, %abs3A_364, %ge3A_420 : vector<1x512xf32>
    %broadcast_in_dim3A_422 = vector.shape_cast %ge3A_421 : vector<1x512xi1> to vector<1x512xi1>
    %broadcast_in_dim3A_423 = vector.broadcast %broadcast_in_dim3A_422 : vector<1x512xi1> to vector<4x512xi1>
    %select_n3A_424 = arith.select %broadcast_in_dim3A_423, %slice3A_349, %select_n3A_418 : vector<4x512xi1>, vector<4x512xf32>
    %slice3A_425 = vector.extract_strided_slice %select_n3A_424 {offsets = [0, 0], sizes = [1, 512], strides = [1, 1]} : vector<4x512xf32> to vector<1x512xf32>
    %mul3A_426 = arith.mulf %slice3A_425, %slice3A_425 : vector<1x512xf32>
    %sub3A_427 = arith.constant 1.000000e+00 : f32
    %sub3A_428 = vector.broadcast %sub3A_427 : f32 to vector<1x512xf32>
    %sub3A_429 = arith.subf %sub3A_428, %mul3A_426 : vector<1x512xf32>
    %max3A_430 = arith.constant 0.000000e+00 : f32
    %max3A_431 = vector.broadcast %max3A_430 : f32 to vector<1x512xf32>
    %max3A_432 = arith.maximumf %sub3A_429, %max3A_431 : vector<1x512xf32>
    %sqrt3A_433 = math.sqrt %max3A_432 : vector<1x512xf32>
    %jit3A_434 = arith.constant -1.000000e+00 : f32
    %jit3A_435 = arith.constant 1.000000e+00 : f32
    %max3A_436 = vector.broadcast %jit3A_434 : f32 to vector<1x512xf32>
    %max3A_437 = arith.maximumf %max3A_436, %slice3A_425 : vector<1x512xf32>
    %min3A_438 = vector.broadcast %jit3A_435 : f32 to vector<1x512xf32>
    %min3A_439 = arith.minimumf %min3A_438, %max3A_437 : vector<1x512xf32>
    %mul3A_440 = arith.mulf %min3A_439, %min3A_439 : vector<1x512xf32>
    %sub3A_441 = arith.constant 1.000000e+00 : f32
    %sub3A_442 = vector.broadcast %sub3A_441 : f32 to vector<1x512xf32>
    %sub3A_443 = arith.subf %sub3A_442, %mul3A_440 : vector<1x512xf32>
    %max3A_444 = arith.constant 0.000000e+00 : f32
    %max3A_445 = vector.broadcast %max3A_444 : f32 to vector<1x512xf32>
    %max3A_446 = arith.maximumf %sub3A_443, %max3A_445 : vector<1x512xf32>
    %sqrt3A_447 = math.sqrt %max3A_446 : vector<1x512xf32>
    %atan23A_448 = math.atan2 %sqrt3A_447, %min3A_439 : vector<1x512xf32>
    %mul3A_449 = arith.constant 2.000000e+00 : f32
    %mul3A_450 = vector.broadcast %mul3A_449 : f32 to vector<1x512xf32>
    %mul3A_451 = arith.mulf %mul3A_450, %atan23A_448 : vector<1x512xf32>
    %sin3A_452 = math.sin %mul3A_451 : vector<1x512xf32>
    %cos3A_453 = math.cos %mul3A_451 : vector<1x512xf32>
    %atan23A_454 = math.atan2 %sin3A_452, %cos3A_453 : vector<1x512xf32>
    %slice3A_455 = vector.extract_strided_slice %select_n3A_424 {offsets = [1, 0], sizes = [3, 512], strides = [1, 1]} : vector<4x512xf32> to vector<3x512xf32>
    %max3A_456 = arith.constant 9.99999974E-6 : f32
    %max3A_457 = vector.broadcast %max3A_456 : f32 to vector<1x512xf32>
    %max3A_458 = arith.maximumf %sqrt3A_433, %max3A_457 : vector<1x512xf32>
    %div3A_459 = vector.broadcast %max3A_458 : vector<1x512xf32> to vector<3x512xf32>
    %div3A_460 = arith.divf %slice3A_455, %div3A_459 : vector<3x512xf32>
    %gt3A_461 = arith.constant 9.99999974E-6 : f32
    %gt3A_462 = vector.broadcast %gt3A_461 : f32 to vector<1x512xf32>
    %gt3A_463 = arith.cmpf ogt, %sqrt3A_433, %gt3A_462 : vector<1x512xf32>
    %broadcast_in_dim3A_464 = arith.constant 0.000000e+00 : f32
    %broadcast_in_dim3A_465 = vector.broadcast %broadcast_in_dim3A_464 : f32 to vector<2x512xf32>
    %broadcast_in_dim3A_466 = arith.constant 1.000000e+00 : f32
    %broadcast_in_dim3A_467 = vector.broadcast %broadcast_in_dim3A_466 : f32 to vector<1x512xf32>
    %concatenate3A_468 = tpu.concatenate %broadcast_in_dim3A_465, %broadcast_in_dim3A_467 in 0 : vector<2x512xf32>, vector<1x512xf32> -> vector<3x512xf32>
    %broadcast_in_dim3A_469 = arith.constant 0.000000e+00 : f32
    %broadcast_in_dim3A_470 = vector.broadcast %broadcast_in_dim3A_469 : f32 to vector<1x512xf32>
    %select_n3A_471 = arith.select %gt3A_463, %atan23A_454, %broadcast_in_dim3A_470 : vector<1x512xi1>, vector<1x512xf32>
    %broadcast_in_dim3A_472 = vector.shape_cast %gt3A_463 : vector<1x512xi1> to vector<1x512xi1>
    %broadcast_in_dim3A_473 = vector.broadcast %broadcast_in_dim3A_472 : vector<1x512xi1> to vector<3x512xi1>
    %select_n3A_474 = arith.select %broadcast_in_dim3A_473, %div3A_460, %concatenate3A_468 : vector<3x512xi1>, vector<3x512xf32>
    %mul3A_475 = vector.broadcast %select_n3A_471 : vector<1x512xf32> to vector<3x512xf32>
    %mul3A_476 = arith.mulf %mul3A_475, %select_n3A_474 : vector<3x512xf32>
    %slice3A_477 = vector.extract_strided_slice %transpose3A_5 {offsets = [27, 0], sizes = [4, 512], strides = [1, 1]} : vector<72x512xf32> to vector<4x512xf32>
    %slice3A_478 = vector.extract_strided_slice %transpose3A_9 {offsets = [27, 0], sizes = [4, 512], strides = [1, 1]} : vector<72x512xf32> to vector<4x512xf32>
    %mul3A_479 = arith.mulf %slice3A_477, %slice3A_478 : vector<4x512xf32>
    %reduce_sum3A_480 = arith.constant dense<0.000000e+00> : vector<512xf32>
    %reduce_sum3A_481 = vector.multi_reduction <add>, %mul3A_479, %reduce_sum3A_480 [0] : vector<4x512xf32> to vector<512xf32>
    %broadcast_in_dim3A_482 = vector.shape_cast %reduce_sum3A_481 : vector<512xf32> to vector<1x512xf32>
    %lt3A_483 = arith.constant 0.000000e+00 : f32
    %lt3A_484 = vector.broadcast %lt3A_483 : f32 to vector<1x512xf32>
    %lt3A_485 = arith.cmpf olt, %broadcast_in_dim3A_482, %lt3A_484 : vector<1x512xf32>
    %neg3A_486 = arith.constant 0.000000e+00 : f32
    %neg3A_487 = vector.broadcast %neg3A_486 : f32 to vector<4x512xf32>
    %neg3A_488 = arith.subf %neg3A_487, %slice3A_478 : vector<4x512xf32>
    %broadcast_in_dim3A_489 = vector.shape_cast %lt3A_485 : vector<1x512xi1> to vector<1x512xi1>
    %broadcast_in_dim3A_490 = vector.broadcast %broadcast_in_dim3A_489 : vector<1x512xi1> to vector<4x512xi1>
    %select_n3A_491 = arith.select %broadcast_in_dim3A_490, %neg3A_488, %slice3A_478 : vector<4x512xi1>, vector<4x512xf32>
    %abs3A_492 = math.absf %broadcast_in_dim3A_482 : vector<1x512xf32>
    %jit3A_493 = arith.constant -1.000000e+00 : f32
    %jit3A_494 = arith.constant 0.99999988 : f32
    %max3A_495 = vector.broadcast %jit3A_493 : f32 to vector<1x512xf32>
    %max3A_496 = arith.maximumf %max3A_495, %abs3A_492 : vector<1x512xf32>
    %min3A_497 = vector.broadcast %jit3A_494 : f32 to vector<1x512xf32>
    %min3A_498 = arith.minimumf %min3A_497, %max3A_496 : vector<1x512xf32>
    %mul3A_499 = arith.mulf %min3A_498, %min3A_498 : vector<1x512xf32>
    %sub3A_500 = arith.constant 1.000000e+00 : f32
    %sub3A_501 = vector.broadcast %sub3A_500 : f32 to vector<1x512xf32>
    %sub3A_502 = arith.subf %sub3A_501, %mul3A_499 : vector<1x512xf32>
    %max3A_503 = arith.constant 0.000000e+00 : f32
    %max3A_504 = vector.broadcast %max3A_503 : f32 to vector<1x512xf32>
    %max3A_505 = arith.maximumf %sub3A_502, %max3A_504 : vector<1x512xf32>
    %sqrt3A_506 = math.sqrt %max3A_505 : vector<1x512xf32>
    %atan23A_507 = math.atan2 %sqrt3A_506, %min3A_498 : vector<1x512xf32>
    %mul3A_508 = arith.mulf %min3A_498, %min3A_498 : vector<1x512xf32>
    %sub3A_509 = arith.constant 1.000000e+00 : f32
    %sub3A_510 = vector.broadcast %sub3A_509 : f32 to vector<1x512xf32>
    %sub3A_511 = arith.subf %sub3A_510, %mul3A_508 : vector<1x512xf32>
    %max3A_512 = arith.constant 0.000000e+00 : f32
    %max3A_513 = vector.broadcast %max3A_512 : f32 to vector<1x512xf32>
    %max3A_514 = arith.maximumf %sub3A_511, %max3A_513 : vector<1x512xf32>
    %sqrt3A_515 = math.sqrt %max3A_514 : vector<1x512xf32>
    %abs3A_516 = math.absf %sqrt3A_515 : vector<1x512xf32>
    %ge3A_517 = arith.constant 1.000000e-03 : f32
    %ge3A_518 = vector.broadcast %ge3A_517 : f32 to vector<1x512xf32>
    %ge3A_519 = arith.cmpf oge, %abs3A_516, %ge3A_518 : vector<1x512xf32>
    %jit3A_520 = arith.constant 1.000000e+00 : f32
    %broadcast_in_dim3A_521 = vector.broadcast %jit3A_520 : f32 to vector<1x512xf32>
    %select_n3A_522 = arith.select %ge3A_519, %sqrt3A_515, %broadcast_in_dim3A_521 : vector<1x512xi1>, vector<1x512xf32>
    %sub3A_523 = arith.constant 1.000000e+00 : f32
    %sub3A_524 = vector.broadcast %sub3A_523 : f32 to vector<1x512xf32>
    %sub3A_525 = arith.subf %sub3A_524, %transpose3A : vector<1x512xf32>
    %mul3A_526 = arith.mulf %sub3A_525, %atan23A_507 : vector<1x512xf32>
    %sin3A_527 = math.sin %mul3A_526 : vector<1x512xf32>
    %div3A_528 = arith.divf %sin3A_527, %select_n3A_522 : vector<1x512xf32>
    %mul3A_529 = arith.mulf %transpose3A, %atan23A_507 : vector<1x512xf32>
    %sin3A_530 = math.sin %mul3A_529 : vector<1x512xf32>
    %div3A_531 = arith.divf %sin3A_530, %select_n3A_522 : vector<1x512xf32>
    %mul3A_532 = vector.broadcast %div3A_528 : vector<1x512xf32> to vector<4x512xf32>
    %mul3A_533 = arith.mulf %mul3A_532, %slice3A_477 : vector<4x512xf32>
    %mul3A_534 = vector.broadcast %div3A_531 : vector<1x512xf32> to vector<4x512xf32>
    %mul3A_535 = arith.mulf %mul3A_534, %select_n3A_491 : vector<4x512xf32>
    %add3A_536 = arith.addf %mul3A_533, %mul3A_535 : vector<4x512xf32>
    %mul3A_537 = arith.constant 5.000000e-01 : f32
    %mul3A_538 = vector.broadcast %mul3A_537 : f32 to vector<4x512xf32>
    %mul3A_539 = arith.mulf %mul3A_538, %slice3A_477 : vector<4x512xf32>
    %mul3A_540 = arith.constant 5.000000e-01 : f32
    %mul3A_541 = vector.broadcast %mul3A_540 : f32 to vector<4x512xf32>
    %mul3A_542 = arith.mulf %mul3A_541, %select_n3A_491 : vector<4x512xf32>
    %add3A_543 = arith.addf %mul3A_539, %mul3A_542 : vector<4x512xf32>
    %broadcast_in_dim3A_544 = vector.shape_cast %ge3A_519 : vector<1x512xi1> to vector<1x512xi1>
    %broadcast_in_dim3A_545 = vector.broadcast %broadcast_in_dim3A_544 : vector<1x512xi1> to vector<4x512xi1>
    %select_n3A_546 = arith.select %broadcast_in_dim3A_545, %add3A_536, %add3A_543 : vector<4x512xi1>, vector<4x512xf32>
    %ge3A_547 = arith.constant 1.000000e+00 : f32
    %ge3A_548 = vector.broadcast %ge3A_547 : f32 to vector<1x512xf32>
    %ge3A_549 = arith.cmpf oge, %abs3A_492, %ge3A_548 : vector<1x512xf32>
    %broadcast_in_dim3A_550 = vector.shape_cast %ge3A_549 : vector<1x512xi1> to vector<1x512xi1>
    %broadcast_in_dim3A_551 = vector.broadcast %broadcast_in_dim3A_550 : vector<1x512xi1> to vector<4x512xi1>
    %select_n3A_552 = arith.select %broadcast_in_dim3A_551, %slice3A_477, %select_n3A_546 : vector<4x512xi1>, vector<4x512xf32>
    %slice3A_553 = vector.extract_strided_slice %select_n3A_552 {offsets = [0, 0], sizes = [1, 512], strides = [1, 1]} : vector<4x512xf32> to vector<1x512xf32>
    %mul3A_554 = arith.mulf %slice3A_553, %slice3A_553 : vector<1x512xf32>
    %sub3A_555 = arith.constant 1.000000e+00 : f32
    %sub3A_556 = vector.broadcast %sub3A_555 : f32 to vector<1x512xf32>
    %sub3A_557 = arith.subf %sub3A_556, %mul3A_554 : vector<1x512xf32>
    %max3A_558 = arith.constant 0.000000e+00 : f32
    %max3A_559 = vector.broadcast %max3A_558 : f32 to vector<1x512xf32>
    %max3A_560 = arith.maximumf %sub3A_557, %max3A_559 : vector<1x512xf32>
    %sqrt3A_561 = math.sqrt %max3A_560 : vector<1x512xf32>
    %jit3A_562 = arith.constant -1.000000e+00 : f32
    %jit3A_563 = arith.constant 1.000000e+00 : f32
    %max3A_564 = vector.broadcast %jit3A_562 : f32 to vector<1x512xf32>
    %max3A_565 = arith.maximumf %max3A_564, %slice3A_553 : vector<1x512xf32>
    %min3A_566 = vector.broadcast %jit3A_563 : f32 to vector<1x512xf32>
    %min3A_567 = arith.minimumf %min3A_566, %max3A_565 : vector<1x512xf32>
    %mul3A_568 = arith.mulf %min3A_567, %min3A_567 : vector<1x512xf32>
    %sub3A_569 = arith.constant 1.000000e+00 : f32
    %sub3A_570 = vector.broadcast %sub3A_569 : f32 to vector<1x512xf32>
    %sub3A_571 = arith.subf %sub3A_570, %mul3A_568 : vector<1x512xf32>
    %max3A_572 = arith.constant 0.000000e+00 : f32
    %max3A_573 = vector.broadcast %max3A_572 : f32 to vector<1x512xf32>
    %max3A_574 = arith.maximumf %sub3A_571, %max3A_573 : vector<1x512xf32>
    %sqrt3A_575 = math.sqrt %max3A_574 : vector<1x512xf32>
    %atan23A_576 = math.atan2 %sqrt3A_575, %min3A_567 : vector<1x512xf32>
    %mul3A_577 = arith.constant 2.000000e+00 : f32
    %mul3A_578 = vector.broadcast %mul3A_577 : f32 to vector<1x512xf32>
    %mul3A_579 = arith.mulf %mul3A_578, %atan23A_576 : vector<1x512xf32>
    %sin3A_580 = math.sin %mul3A_579 : vector<1x512xf32>
    %cos3A_581 = math.cos %mul3A_579 : vector<1x512xf32>
    %atan23A_582 = math.atan2 %sin3A_580, %cos3A_581 : vector<1x512xf32>
    %slice3A_583 = vector.extract_strided_slice %select_n3A_552 {offsets = [1, 0], sizes = [3, 512], strides = [1, 1]} : vector<4x512xf32> to vector<3x512xf32>
    %max3A_584 = arith.constant 9.99999974E-6 : f32
    %max3A_585 = vector.broadcast %max3A_584 : f32 to vector<1x512xf32>
    %max3A_586 = arith.maximumf %sqrt3A_561, %max3A_585 : vector<1x512xf32>
    %div3A_587 = vector.broadcast %max3A_586 : vector<1x512xf32> to vector<3x512xf32>
    %div3A_588 = arith.divf %slice3A_583, %div3A_587 : vector<3x512xf32>
    %gt3A_589 = arith.constant 9.99999974E-6 : f32
    %gt3A_590 = vector.broadcast %gt3A_589 : f32 to vector<1x512xf32>
    %gt3A_591 = arith.cmpf ogt, %sqrt3A_561, %gt3A_590 : vector<1x512xf32>
    %broadcast_in_dim3A_592 = arith.constant 0.000000e+00 : f32
    %broadcast_in_dim3A_593 = vector.broadcast %broadcast_in_dim3A_592 : f32 to vector<2x512xf32>
    %broadcast_in_dim3A_594 = arith.constant 1.000000e+00 : f32
    %broadcast_in_dim3A_595 = vector.broadcast %broadcast_in_dim3A_594 : f32 to vector<1x512xf32>
    %concatenate3A_596 = tpu.concatenate %broadcast_in_dim3A_593, %broadcast_in_dim3A_595 in 0 : vector<2x512xf32>, vector<1x512xf32> -> vector<3x512xf32>
    %broadcast_in_dim3A_597 = arith.constant 0.000000e+00 : f32
    %broadcast_in_dim3A_598 = vector.broadcast %broadcast_in_dim3A_597 : f32 to vector<1x512xf32>
    %select_n3A_599 = arith.select %gt3A_591, %atan23A_582, %broadcast_in_dim3A_598 : vector<1x512xi1>, vector<1x512xf32>
    %broadcast_in_dim3A_600 = vector.shape_cast %gt3A_591 : vector<1x512xi1> to vector<1x512xi1>
    %broadcast_in_dim3A_601 = vector.broadcast %broadcast_in_dim3A_600 : vector<1x512xi1> to vector<3x512xi1>
    %select_n3A_602 = arith.select %broadcast_in_dim3A_601, %div3A_588, %concatenate3A_596 : vector<3x512xi1>, vector<3x512xf32>
    %slice3A_603 = vector.extract_strided_slice %select_n3A_602 {offsets = [1, 0], sizes = [1, 512], strides = [1, 1]} : vector<3x512xf32> to vector<1x512xf32>
    %mul3A_604 = arith.mulf %select_n3A_599, %slice3A_603 : vector<1x512xf32>
    %sin3A_605 = math.sin %mul3A_604 : vector<1x512xf32>
    %cos3A_606 = math.cos %mul3A_604 : vector<1x512xf32>
    %atan23A_607 = math.atan2 %sin3A_605, %cos3A_606 : vector<1x512xf32>
    %slice3A_608 = vector.extract_strided_slice %transpose3A_5 {offsets = [31, 0], sizes = [4, 512], strides = [1, 1]} : vector<72x512xf32> to vector<4x512xf32>
    %slice3A_609 = vector.extract_strided_slice %transpose3A_9 {offsets = [31, 0], sizes = [4, 512], strides = [1, 1]} : vector<72x512xf32> to vector<4x512xf32>
    %mul3A_610 = arith.mulf %slice3A_608, %slice3A_609 : vector<4x512xf32>
    %reduce_sum3A_611 = arith.constant dense<0.000000e+00> : vector<512xf32>
    %reduce_sum3A_612 = vector.multi_reduction <add>, %mul3A_610, %reduce_sum3A_611 [0] : vector<4x512xf32> to vector<512xf32>
    %broadcast_in_dim3A_613 = vector.shape_cast %reduce_sum3A_612 : vector<512xf32> to vector<1x512xf32>
    %lt3A_614 = arith.constant 0.000000e+00 : f32
    %lt3A_615 = vector.broadcast %lt3A_614 : f32 to vector<1x512xf32>
    %lt3A_616 = arith.cmpf olt, %broadcast_in_dim3A_613, %lt3A_615 : vector<1x512xf32>
    %neg3A_617 = arith.constant 0.000000e+00 : f32
    %neg3A_618 = vector.broadcast %neg3A_617 : f32 to vector<4x512xf32>
    %neg3A_619 = arith.subf %neg3A_618, %slice3A_609 : vector<4x512xf32>
    %broadcast_in_dim3A_620 = vector.shape_cast %lt3A_616 : vector<1x512xi1> to vector<1x512xi1>
    %broadcast_in_dim3A_621 = vector.broadcast %broadcast_in_dim3A_620 : vector<1x512xi1> to vector<4x512xi1>
    %select_n3A_622 = arith.select %broadcast_in_dim3A_621, %neg3A_619, %slice3A_609 : vector<4x512xi1>, vector<4x512xf32>
    %abs3A_623 = math.absf %broadcast_in_dim3A_613 : vector<1x512xf32>
    %jit3A_624 = arith.constant -1.000000e+00 : f32
    %jit3A_625 = arith.constant 0.99999988 : f32
    %max3A_626 = vector.broadcast %jit3A_624 : f32 to vector<1x512xf32>
    %max3A_627 = arith.maximumf %max3A_626, %abs3A_623 : vector<1x512xf32>
    %min3A_628 = vector.broadcast %jit3A_625 : f32 to vector<1x512xf32>
    %min3A_629 = arith.minimumf %min3A_628, %max3A_627 : vector<1x512xf32>
    %mul3A_630 = arith.mulf %min3A_629, %min3A_629 : vector<1x512xf32>
    %sub3A_631 = arith.constant 1.000000e+00 : f32
    %sub3A_632 = vector.broadcast %sub3A_631 : f32 to vector<1x512xf32>
    %sub3A_633 = arith.subf %sub3A_632, %mul3A_630 : vector<1x512xf32>
    %max3A_634 = arith.constant 0.000000e+00 : f32
    %max3A_635 = vector.broadcast %max3A_634 : f32 to vector<1x512xf32>
    %max3A_636 = arith.maximumf %sub3A_633, %max3A_635 : vector<1x512xf32>
    %sqrt3A_637 = math.sqrt %max3A_636 : vector<1x512xf32>
    %atan23A_638 = math.atan2 %sqrt3A_637, %min3A_629 : vector<1x512xf32>
    %mul3A_639 = arith.mulf %min3A_629, %min3A_629 : vector<1x512xf32>
    %sub3A_640 = arith.constant 1.000000e+00 : f32
    %sub3A_641 = vector.broadcast %sub3A_640 : f32 to vector<1x512xf32>
    %sub3A_642 = arith.subf %sub3A_641, %mul3A_639 : vector<1x512xf32>
    %max3A_643 = arith.constant 0.000000e+00 : f32
    %max3A_644 = vector.broadcast %max3A_643 : f32 to vector<1x512xf32>
    %max3A_645 = arith.maximumf %sub3A_642, %max3A_644 : vector<1x512xf32>
    %sqrt3A_646 = math.sqrt %max3A_645 : vector<1x512xf32>
    %abs3A_647 = math.absf %sqrt3A_646 : vector<1x512xf32>
    %ge3A_648 = arith.constant 1.000000e-03 : f32
    %ge3A_649 = vector.broadcast %ge3A_648 : f32 to vector<1x512xf32>
    %ge3A_650 = arith.cmpf oge, %abs3A_647, %ge3A_649 : vector<1x512xf32>
    %jit3A_651 = arith.constant 1.000000e+00 : f32
    %broadcast_in_dim3A_652 = vector.broadcast %jit3A_651 : f32 to vector<1x512xf32>
    %select_n3A_653 = arith.select %ge3A_650, %sqrt3A_646, %broadcast_in_dim3A_652 : vector<1x512xi1>, vector<1x512xf32>
    %sub3A_654 = arith.constant 1.000000e+00 : f32
    %sub3A_655 = vector.broadcast %sub3A_654 : f32 to vector<1x512xf32>
    %sub3A_656 = arith.subf %sub3A_655, %transpose3A : vector<1x512xf32>
    %mul3A_657 = arith.mulf %sub3A_656, %atan23A_638 : vector<1x512xf32>
    %sin3A_658 = math.sin %mul3A_657 : vector<1x512xf32>
    %div3A_659 = arith.divf %sin3A_658, %select_n3A_653 : vector<1x512xf32>
    %mul3A_660 = arith.mulf %transpose3A, %atan23A_638 : vector<1x512xf32>
    %sin3A_661 = math.sin %mul3A_660 : vector<1x512xf32>
    %div3A_662 = arith.divf %sin3A_661, %select_n3A_653 : vector<1x512xf32>
    %mul3A_663 = vector.broadcast %div3A_659 : vector<1x512xf32> to vector<4x512xf32>
    %mul3A_664 = arith.mulf %mul3A_663, %slice3A_608 : vector<4x512xf32>
    %mul3A_665 = vector.broadcast %div3A_662 : vector<1x512xf32> to vector<4x512xf32>
    %mul3A_666 = arith.mulf %mul3A_665, %select_n3A_622 : vector<4x512xf32>
    %add3A_667 = arith.addf %mul3A_664, %mul3A_666 : vector<4x512xf32>
    %mul3A_668 = arith.constant 5.000000e-01 : f32
    %mul3A_669 = vector.broadcast %mul3A_668 : f32 to vector<4x512xf32>
    %mul3A_670 = arith.mulf %mul3A_669, %slice3A_608 : vector<4x512xf32>
    %mul3A_671 = arith.constant 5.000000e-01 : f32
    %mul3A_672 = vector.broadcast %mul3A_671 : f32 to vector<4x512xf32>
    %mul3A_673 = arith.mulf %mul3A_672, %select_n3A_622 : vector<4x512xf32>
    %add3A_674 = arith.addf %mul3A_670, %mul3A_673 : vector<4x512xf32>
    %broadcast_in_dim3A_675 = vector.shape_cast %ge3A_650 : vector<1x512xi1> to vector<1x512xi1>
    %broadcast_in_dim3A_676 = vector.broadcast %broadcast_in_dim3A_675 : vector<1x512xi1> to vector<4x512xi1>
    %select_n3A_677 = arith.select %broadcast_in_dim3A_676, %add3A_667, %add3A_674 : vector<4x512xi1>, vector<4x512xf32>
    %ge3A_678 = arith.constant 1.000000e+00 : f32
    %ge3A_679 = vector.broadcast %ge3A_678 : f32 to vector<1x512xf32>
    %ge3A_680 = arith.cmpf oge, %abs3A_623, %ge3A_679 : vector<1x512xf32>
    %broadcast_in_dim3A_681 = vector.shape_cast %ge3A_680 : vector<1x512xi1> to vector<1x512xi1>
    %broadcast_in_dim3A_682 = vector.broadcast %broadcast_in_dim3A_681 : vector<1x512xi1> to vector<4x512xi1>
    %select_n3A_683 = arith.select %broadcast_in_dim3A_682, %slice3A_608, %select_n3A_677 : vector<4x512xi1>, vector<4x512xf32>
    %slice3A_684 = vector.extract_strided_slice %select_n3A_683 {offsets = [0, 0], sizes = [1, 512], strides = [1, 1]} : vector<4x512xf32> to vector<1x512xf32>
    %mul3A_685 = arith.mulf %slice3A_684, %slice3A_684 : vector<1x512xf32>
    %sub3A_686 = arith.constant 1.000000e+00 : f32
    %sub3A_687 = vector.broadcast %sub3A_686 : f32 to vector<1x512xf32>
    %sub3A_688 = arith.subf %sub3A_687, %mul3A_685 : vector<1x512xf32>
    %max3A_689 = arith.constant 0.000000e+00 : f32
    %max3A_690 = vector.broadcast %max3A_689 : f32 to vector<1x512xf32>
    %max3A_691 = arith.maximumf %sub3A_688, %max3A_690 : vector<1x512xf32>
    %sqrt3A_692 = math.sqrt %max3A_691 : vector<1x512xf32>
    %jit3A_693 = arith.constant -1.000000e+00 : f32
    %jit3A_694 = arith.constant 1.000000e+00 : f32
    %max3A_695 = vector.broadcast %jit3A_693 : f32 to vector<1x512xf32>
    %max3A_696 = arith.maximumf %max3A_695, %slice3A_684 : vector<1x512xf32>
    %min3A_697 = vector.broadcast %jit3A_694 : f32 to vector<1x512xf32>
    %min3A_698 = arith.minimumf %min3A_697, %max3A_696 : vector<1x512xf32>
    %mul3A_699 = arith.mulf %min3A_698, %min3A_698 : vector<1x512xf32>
    %sub3A_700 = arith.constant 1.000000e+00 : f32
    %sub3A_701 = vector.broadcast %sub3A_700 : f32 to vector<1x512xf32>
    %sub3A_702 = arith.subf %sub3A_701, %mul3A_699 : vector<1x512xf32>
    %max3A_703 = arith.constant 0.000000e+00 : f32
    %max3A_704 = vector.broadcast %max3A_703 : f32 to vector<1x512xf32>
    %max3A_705 = arith.maximumf %sub3A_702, %max3A_704 : vector<1x512xf32>
    %sqrt3A_706 = math.sqrt %max3A_705 : vector<1x512xf32>
    %atan23A_707 = math.atan2 %sqrt3A_706, %min3A_698 : vector<1x512xf32>
    %mul3A_708 = arith.constant 2.000000e+00 : f32
    %mul3A_709 = vector.broadcast %mul3A_708 : f32 to vector<1x512xf32>
    %mul3A_710 = arith.mulf %mul3A_709, %atan23A_707 : vector<1x512xf32>
    %sin3A_711 = math.sin %mul3A_710 : vector<1x512xf32>
    %cos3A_712 = math.cos %mul3A_710 : vector<1x512xf32>
    %atan23A_713 = math.atan2 %sin3A_711, %cos3A_712 : vector<1x512xf32>
    %slice3A_714 = vector.extract_strided_slice %select_n3A_683 {offsets = [1, 0], sizes = [3, 512], strides = [1, 1]} : vector<4x512xf32> to vector<3x512xf32>
    %max3A_715 = arith.constant 9.99999974E-6 : f32
    %max3A_716 = vector.broadcast %max3A_715 : f32 to vector<1x512xf32>
    %max3A_717 = arith.maximumf %sqrt3A_692, %max3A_716 : vector<1x512xf32>
    %div3A_718 = vector.broadcast %max3A_717 : vector<1x512xf32> to vector<3x512xf32>
    %div3A_719 = arith.divf %slice3A_714, %div3A_718 : vector<3x512xf32>
    %gt3A_720 = arith.constant 9.99999974E-6 : f32
    %gt3A_721 = vector.broadcast %gt3A_720 : f32 to vector<1x512xf32>
    %gt3A_722 = arith.cmpf ogt, %sqrt3A_692, %gt3A_721 : vector<1x512xf32>
    %broadcast_in_dim3A_723 = arith.constant 0.000000e+00 : f32
    %broadcast_in_dim3A_724 = vector.broadcast %broadcast_in_dim3A_723 : f32 to vector<2x512xf32>
    %broadcast_in_dim3A_725 = arith.constant 1.000000e+00 : f32
    %broadcast_in_dim3A_726 = vector.broadcast %broadcast_in_dim3A_725 : f32 to vector<1x512xf32>
    %concatenate3A_727 = tpu.concatenate %broadcast_in_dim3A_724, %broadcast_in_dim3A_726 in 0 : vector<2x512xf32>, vector<1x512xf32> -> vector<3x512xf32>
    %broadcast_in_dim3A_728 = arith.constant 0.000000e+00 : f32
    %broadcast_in_dim3A_729 = vector.broadcast %broadcast_in_dim3A_728 : f32 to vector<1x512xf32>
    %select_n3A_730 = arith.select %gt3A_722, %atan23A_713, %broadcast_in_dim3A_729 : vector<1x512xi1>, vector<1x512xf32>
    %broadcast_in_dim3A_731 = vector.shape_cast %gt3A_722 : vector<1x512xi1> to vector<1x512xi1>
    %broadcast_in_dim3A_732 = vector.broadcast %broadcast_in_dim3A_731 : vector<1x512xi1> to vector<3x512xi1>
    %select_n3A_733 = arith.select %broadcast_in_dim3A_732, %div3A_719, %concatenate3A_727 : vector<3x512xi1>, vector<3x512xf32>
    %mul3A_734 = vector.broadcast %select_n3A_730 : vector<1x512xf32> to vector<3x512xf32>
    %mul3A_735 = arith.mulf %mul3A_734, %select_n3A_733 : vector<3x512xf32>
    %slice3A_736 = vector.extract_strided_slice %transpose3A_5 {offsets = [35, 0], sizes = [4, 512], strides = [1, 1]} : vector<72x512xf32> to vector<4x512xf32>
    %slice3A_737 = vector.extract_strided_slice %transpose3A_9 {offsets = [35, 0], sizes = [4, 512], strides = [1, 1]} : vector<72x512xf32> to vector<4x512xf32>
    %mul3A_738 = arith.mulf %slice3A_736, %slice3A_737 : vector<4x512xf32>
    %reduce_sum3A_739 = arith.constant dense<0.000000e+00> : vector<512xf32>
    %reduce_sum3A_740 = vector.multi_reduction <add>, %mul3A_738, %reduce_sum3A_739 [0] : vector<4x512xf32> to vector<512xf32>
    %broadcast_in_dim3A_741 = vector.shape_cast %reduce_sum3A_740 : vector<512xf32> to vector<1x512xf32>
    %lt3A_742 = arith.constant 0.000000e+00 : f32
    %lt3A_743 = vector.broadcast %lt3A_742 : f32 to vector<1x512xf32>
    %lt3A_744 = arith.cmpf olt, %broadcast_in_dim3A_741, %lt3A_743 : vector<1x512xf32>
    %neg3A_745 = arith.constant 0.000000e+00 : f32
    %neg3A_746 = vector.broadcast %neg3A_745 : f32 to vector<4x512xf32>
    %neg3A_747 = arith.subf %neg3A_746, %slice3A_737 : vector<4x512xf32>
    %broadcast_in_dim3A_748 = vector.shape_cast %lt3A_744 : vector<1x512xi1> to vector<1x512xi1>
    %broadcast_in_dim3A_749 = vector.broadcast %broadcast_in_dim3A_748 : vector<1x512xi1> to vector<4x512xi1>
    %select_n3A_750 = arith.select %broadcast_in_dim3A_749, %neg3A_747, %slice3A_737 : vector<4x512xi1>, vector<4x512xf32>
    %abs3A_751 = math.absf %broadcast_in_dim3A_741 : vector<1x512xf32>
    %jit3A_752 = arith.constant -1.000000e+00 : f32
    %jit3A_753 = arith.constant 0.99999988 : f32
    %max3A_754 = vector.broadcast %jit3A_752 : f32 to vector<1x512xf32>
    %max3A_755 = arith.maximumf %max3A_754, %abs3A_751 : vector<1x512xf32>
    %min3A_756 = vector.broadcast %jit3A_753 : f32 to vector<1x512xf32>
    %min3A_757 = arith.minimumf %min3A_756, %max3A_755 : vector<1x512xf32>
    %mul3A_758 = arith.mulf %min3A_757, %min3A_757 : vector<1x512xf32>
    %sub3A_759 = arith.constant 1.000000e+00 : f32
    %sub3A_760 = vector.broadcast %sub3A_759 : f32 to vector<1x512xf32>
    %sub3A_761 = arith.subf %sub3A_760, %mul3A_758 : vector<1x512xf32>
    %max3A_762 = arith.constant 0.000000e+00 : f32
    %max3A_763 = vector.broadcast %max3A_762 : f32 to vector<1x512xf32>
    %max3A_764 = arith.maximumf %sub3A_761, %max3A_763 : vector<1x512xf32>
    %sqrt3A_765 = math.sqrt %max3A_764 : vector<1x512xf32>
    %atan23A_766 = math.atan2 %sqrt3A_765, %min3A_757 : vector<1x512xf32>
    %mul3A_767 = arith.mulf %min3A_757, %min3A_757 : vector<1x512xf32>
    %sub3A_768 = arith.constant 1.000000e+00 : f32
    %sub3A_769 = vector.broadcast %sub3A_768 : f32 to vector<1x512xf32>
    %sub3A_770 = arith.subf %sub3A_769, %mul3A_767 : vector<1x512xf32>
    %max3A_771 = arith.constant 0.000000e+00 : f32
    %max3A_772 = vector.broadcast %max3A_771 : f32 to vector<1x512xf32>
    %max3A_773 = arith.maximumf %sub3A_770, %max3A_772 : vector<1x512xf32>
    %sqrt3A_774 = math.sqrt %max3A_773 : vector<1x512xf32>
    %abs3A_775 = math.absf %sqrt3A_774 : vector<1x512xf32>
    %ge3A_776 = arith.constant 1.000000e-03 : f32
    %ge3A_777 = vector.broadcast %ge3A_776 : f32 to vector<1x512xf32>
    %ge3A_778 = arith.cmpf oge, %abs3A_775, %ge3A_777 : vector<1x512xf32>
    %jit3A_779 = arith.constant 1.000000e+00 : f32
    %broadcast_in_dim3A_780 = vector.broadcast %jit3A_779 : f32 to vector<1x512xf32>
    %select_n3A_781 = arith.select %ge3A_778, %sqrt3A_774, %broadcast_in_dim3A_780 : vector<1x512xi1>, vector<1x512xf32>
    %sub3A_782 = arith.constant 1.000000e+00 : f32
    %sub3A_783 = vector.broadcast %sub3A_782 : f32 to vector<1x512xf32>
    %sub3A_784 = arith.subf %sub3A_783, %transpose3A : vector<1x512xf32>
    %mul3A_785 = arith.mulf %sub3A_784, %atan23A_766 : vector<1x512xf32>
    %sin3A_786 = math.sin %mul3A_785 : vector<1x512xf32>
    %div3A_787 = arith.divf %sin3A_786, %select_n3A_781 : vector<1x512xf32>
    %mul3A_788 = arith.mulf %transpose3A, %atan23A_766 : vector<1x512xf32>
    %sin3A_789 = math.sin %mul3A_788 : vector<1x512xf32>
    %div3A_790 = arith.divf %sin3A_789, %select_n3A_781 : vector<1x512xf32>
    %mul3A_791 = vector.broadcast %div3A_787 : vector<1x512xf32> to vector<4x512xf32>
    %mul3A_792 = arith.mulf %mul3A_791, %slice3A_736 : vector<4x512xf32>
    %mul3A_793 = vector.broadcast %div3A_790 : vector<1x512xf32> to vector<4x512xf32>
    %mul3A_794 = arith.mulf %mul3A_793, %select_n3A_750 : vector<4x512xf32>
    %add3A_795 = arith.addf %mul3A_792, %mul3A_794 : vector<4x512xf32>
    %mul3A_796 = arith.constant 5.000000e-01 : f32
    %mul3A_797 = vector.broadcast %mul3A_796 : f32 to vector<4x512xf32>
    %mul3A_798 = arith.mulf %mul3A_797, %slice3A_736 : vector<4x512xf32>
    %mul3A_799 = arith.constant 5.000000e-01 : f32
    %mul3A_800 = vector.broadcast %mul3A_799 : f32 to vector<4x512xf32>
    %mul3A_801 = arith.mulf %mul3A_800, %select_n3A_750 : vector<4x512xf32>
    %add3A_802 = arith.addf %mul3A_798, %mul3A_801 : vector<4x512xf32>
    %broadcast_in_dim3A_803 = vector.shape_cast %ge3A_778 : vector<1x512xi1> to vector<1x512xi1>
    %broadcast_in_dim3A_804 = vector.broadcast %broadcast_in_dim3A_803 : vector<1x512xi1> to vector<4x512xi1>
    %select_n3A_805 = arith.select %broadcast_in_dim3A_804, %add3A_795, %add3A_802 : vector<4x512xi1>, vector<4x512xf32>
    %ge3A_806 = arith.constant 1.000000e+00 : f32
    %ge3A_807 = vector.broadcast %ge3A_806 : f32 to vector<1x512xf32>
    %ge3A_808 = arith.cmpf oge, %abs3A_751, %ge3A_807 : vector<1x512xf32>
    %broadcast_in_dim3A_809 = vector.shape_cast %ge3A_808 : vector<1x512xi1> to vector<1x512xi1>
    %broadcast_in_dim3A_810 = vector.broadcast %broadcast_in_dim3A_809 : vector<1x512xi1> to vector<4x512xi1>
    %select_n3A_811 = arith.select %broadcast_in_dim3A_810, %slice3A_736, %select_n3A_805 : vector<4x512xi1>, vector<4x512xf32>
    %slice3A_812 = vector.extract_strided_slice %select_n3A_811 {offsets = [0, 0], sizes = [1, 512], strides = [1, 1]} : vector<4x512xf32> to vector<1x512xf32>
    %mul3A_813 = arith.mulf %slice3A_812, %slice3A_812 : vector<1x512xf32>
    %sub3A_814 = arith.constant 1.000000e+00 : f32
    %sub3A_815 = vector.broadcast %sub3A_814 : f32 to vector<1x512xf32>
    %sub3A_816 = arith.subf %sub3A_815, %mul3A_813 : vector<1x512xf32>
    %max3A_817 = arith.constant 0.000000e+00 : f32
    %max3A_818 = vector.broadcast %max3A_817 : f32 to vector<1x512xf32>
    %max3A_819 = arith.maximumf %sub3A_816, %max3A_818 : vector<1x512xf32>
    %sqrt3A_820 = math.sqrt %max3A_819 : vector<1x512xf32>
    %jit3A_821 = arith.constant -1.000000e+00 : f32
    %jit3A_822 = arith.constant 1.000000e+00 : f32
    %max3A_823 = vector.broadcast %jit3A_821 : f32 to vector<1x512xf32>
    %max3A_824 = arith.maximumf %max3A_823, %slice3A_812 : vector<1x512xf32>
    %min3A_825 = vector.broadcast %jit3A_822 : f32 to vector<1x512xf32>
    %min3A_826 = arith.minimumf %min3A_825, %max3A_824 : vector<1x512xf32>
    %mul3A_827 = arith.mulf %min3A_826, %min3A_826 : vector<1x512xf32>
    %sub3A_828 = arith.constant 1.000000e+00 : f32
    %sub3A_829 = vector.broadcast %sub3A_828 : f32 to vector<1x512xf32>
    %sub3A_830 = arith.subf %sub3A_829, %mul3A_827 : vector<1x512xf32>
    %max3A_831 = arith.constant 0.000000e+00 : f32
    %max3A_832 = vector.broadcast %max3A_831 : f32 to vector<1x512xf32>
    %max3A_833 = arith.maximumf %sub3A_830, %max3A_832 : vector<1x512xf32>
    %sqrt3A_834 = math.sqrt %max3A_833 : vector<1x512xf32>
    %atan23A_835 = math.atan2 %sqrt3A_834, %min3A_826 : vector<1x512xf32>
    %mul3A_836 = arith.constant 2.000000e+00 : f32
    %mul3A_837 = vector.broadcast %mul3A_836 : f32 to vector<1x512xf32>
    %mul3A_838 = arith.mulf %mul3A_837, %atan23A_835 : vector<1x512xf32>
    %sin3A_839 = math.sin %mul3A_838 : vector<1x512xf32>
    %cos3A_840 = math.cos %mul3A_838 : vector<1x512xf32>
    %atan23A_841 = math.atan2 %sin3A_839, %cos3A_840 : vector<1x512xf32>
    %slice3A_842 = vector.extract_strided_slice %select_n3A_811 {offsets = [1, 0], sizes = [3, 512], strides = [1, 1]} : vector<4x512xf32> to vector<3x512xf32>
    %max3A_843 = arith.constant 9.99999974E-6 : f32
    %max3A_844 = vector.broadcast %max3A_843 : f32 to vector<1x512xf32>
    %max3A_845 = arith.maximumf %sqrt3A_820, %max3A_844 : vector<1x512xf32>
    %div3A_846 = vector.broadcast %max3A_845 : vector<1x512xf32> to vector<3x512xf32>
    %div3A_847 = arith.divf %slice3A_842, %div3A_846 : vector<3x512xf32>
    %gt3A_848 = arith.constant 9.99999974E-6 : f32
    %gt3A_849 = vector.broadcast %gt3A_848 : f32 to vector<1x512xf32>
    %gt3A_850 = arith.cmpf ogt, %sqrt3A_820, %gt3A_849 : vector<1x512xf32>
    %broadcast_in_dim3A_851 = arith.constant 0.000000e+00 : f32
    %broadcast_in_dim3A_852 = vector.broadcast %broadcast_in_dim3A_851 : f32 to vector<2x512xf32>
    %broadcast_in_dim3A_853 = arith.constant 1.000000e+00 : f32
    %broadcast_in_dim3A_854 = vector.broadcast %broadcast_in_dim3A_853 : f32 to vector<1x512xf32>
    %concatenate3A_855 = tpu.concatenate %broadcast_in_dim3A_852, %broadcast_in_dim3A_854 in 0 : vector<2x512xf32>, vector<1x512xf32> -> vector<3x512xf32>
    %broadcast_in_dim3A_856 = arith.constant 0.000000e+00 : f32
    %broadcast_in_dim3A_857 = vector.broadcast %broadcast_in_dim3A_856 : f32 to vector<1x512xf32>
    %select_n3A_858 = arith.select %gt3A_850, %atan23A_841, %broadcast_in_dim3A_857 : vector<1x512xi1>, vector<1x512xf32>
    %broadcast_in_dim3A_859 = vector.shape_cast %gt3A_850 : vector<1x512xi1> to vector<1x512xi1>
    %broadcast_in_dim3A_860 = vector.broadcast %broadcast_in_dim3A_859 : vector<1x512xi1> to vector<3x512xi1>
    %select_n3A_861 = arith.select %broadcast_in_dim3A_860, %div3A_847, %concatenate3A_855 : vector<3x512xi1>, vector<3x512xf32>
    %slice3A_862 = vector.extract_strided_slice %select_n3A_861 {offsets = [1, 0], sizes = [1, 512], strides = [1, 1]} : vector<3x512xf32> to vector<1x512xf32>
    %mul3A_863 = arith.mulf %select_n3A_858, %slice3A_862 : vector<1x512xf32>
    %sin3A_864 = math.sin %mul3A_863 : vector<1x512xf32>
    %cos3A_865 = math.cos %mul3A_863 : vector<1x512xf32>
    %atan23A_866 = math.atan2 %sin3A_864, %cos3A_865 : vector<1x512xf32>
    %slice3A_867 = vector.extract_strided_slice %transpose3A_5 {offsets = [39, 0], sizes = [4, 512], strides = [1, 1]} : vector<72x512xf32> to vector<4x512xf32>
    %slice3A_868 = vector.extract_strided_slice %transpose3A_9 {offsets = [39, 0], sizes = [4, 512], strides = [1, 1]} : vector<72x512xf32> to vector<4x512xf32>
    %mul3A_869 = arith.mulf %slice3A_867, %slice3A_868 : vector<4x512xf32>
    %reduce_sum3A_870 = arith.constant dense<0.000000e+00> : vector<512xf32>
    %reduce_sum3A_871 = vector.multi_reduction <add>, %mul3A_869, %reduce_sum3A_870 [0] : vector<4x512xf32> to vector<512xf32>
    %broadcast_in_dim3A_872 = vector.shape_cast %reduce_sum3A_871 : vector<512xf32> to vector<1x512xf32>
    %lt3A_873 = arith.constant 0.000000e+00 : f32
    %lt3A_874 = vector.broadcast %lt3A_873 : f32 to vector<1x512xf32>
    %lt3A_875 = arith.cmpf olt, %broadcast_in_dim3A_872, %lt3A_874 : vector<1x512xf32>
    %neg3A_876 = arith.constant 0.000000e+00 : f32
    %neg3A_877 = vector.broadcast %neg3A_876 : f32 to vector<4x512xf32>
    %neg3A_878 = arith.subf %neg3A_877, %slice3A_868 : vector<4x512xf32>
    %broadcast_in_dim3A_879 = vector.shape_cast %lt3A_875 : vector<1x512xi1> to vector<1x512xi1>
    %broadcast_in_dim3A_880 = vector.broadcast %broadcast_in_dim3A_879 : vector<1x512xi1> to vector<4x512xi1>
    %select_n3A_881 = arith.select %broadcast_in_dim3A_880, %neg3A_878, %slice3A_868 : vector<4x512xi1>, vector<4x512xf32>
    %abs3A_882 = math.absf %broadcast_in_dim3A_872 : vector<1x512xf32>
    %jit3A_883 = arith.constant -1.000000e+00 : f32
    %jit3A_884 = arith.constant 0.99999988 : f32
    %max3A_885 = vector.broadcast %jit3A_883 : f32 to vector<1x512xf32>
    %max3A_886 = arith.maximumf %max3A_885, %abs3A_882 : vector<1x512xf32>
    %min3A_887 = vector.broadcast %jit3A_884 : f32 to vector<1x512xf32>
    %min3A_888 = arith.minimumf %min3A_887, %max3A_886 : vector<1x512xf32>
    %mul3A_889 = arith.mulf %min3A_888, %min3A_888 : vector<1x512xf32>
    %sub3A_890 = arith.constant 1.000000e+00 : f32
    %sub3A_891 = vector.broadcast %sub3A_890 : f32 to vector<1x512xf32>
    %sub3A_892 = arith.subf %sub3A_891, %mul3A_889 : vector<1x512xf32>
    %max3A_893 = arith.constant 0.000000e+00 : f32
    %max3A_894 = vector.broadcast %max3A_893 : f32 to vector<1x512xf32>
    %max3A_895 = arith.maximumf %sub3A_892, %max3A_894 : vector<1x512xf32>
    %sqrt3A_896 = math.sqrt %max3A_895 : vector<1x512xf32>
    %atan23A_897 = math.atan2 %sqrt3A_896, %min3A_888 : vector<1x512xf32>
    %mul3A_898 = arith.mulf %min3A_888, %min3A_888 : vector<1x512xf32>
    %sub3A_899 = arith.constant 1.000000e+00 : f32
    %sub3A_900 = vector.broadcast %sub3A_899 : f32 to vector<1x512xf32>
    %sub3A_901 = arith.subf %sub3A_900, %mul3A_898 : vector<1x512xf32>
    %max3A_902 = arith.constant 0.000000e+00 : f32
    %max3A_903 = vector.broadcast %max3A_902 : f32 to vector<1x512xf32>
    %max3A_904 = arith.maximumf %sub3A_901, %max3A_903 : vector<1x512xf32>
    %sqrt3A_905 = math.sqrt %max3A_904 : vector<1x512xf32>
    %abs3A_906 = math.absf %sqrt3A_905 : vector<1x512xf32>
    %ge3A_907 = arith.constant 1.000000e-03 : f32
    %ge3A_908 = vector.broadcast %ge3A_907 : f32 to vector<1x512xf32>
    %ge3A_909 = arith.cmpf oge, %abs3A_906, %ge3A_908 : vector<1x512xf32>
    %jit3A_910 = arith.constant 1.000000e+00 : f32
    %broadcast_in_dim3A_911 = vector.broadcast %jit3A_910 : f32 to vector<1x512xf32>
    %select_n3A_912 = arith.select %ge3A_909, %sqrt3A_905, %broadcast_in_dim3A_911 : vector<1x512xi1>, vector<1x512xf32>
    %sub3A_913 = arith.constant 1.000000e+00 : f32
    %sub3A_914 = vector.broadcast %sub3A_913 : f32 to vector<1x512xf32>
    %sub3A_915 = arith.subf %sub3A_914, %transpose3A : vector<1x512xf32>
    %mul3A_916 = arith.mulf %sub3A_915, %atan23A_897 : vector<1x512xf32>
    %sin3A_917 = math.sin %mul3A_916 : vector<1x512xf32>
    %div3A_918 = arith.divf %sin3A_917, %select_n3A_912 : vector<1x512xf32>
    %mul3A_919 = arith.mulf %transpose3A, %atan23A_897 : vector<1x512xf32>
    %sin3A_920 = math.sin %mul3A_919 : vector<1x512xf32>
    %div3A_921 = arith.divf %sin3A_920, %select_n3A_912 : vector<1x512xf32>
    %mul3A_922 = vector.broadcast %div3A_918 : vector<1x512xf32> to vector<4x512xf32>
    %mul3A_923 = arith.mulf %mul3A_922, %slice3A_867 : vector<4x512xf32>
    %mul3A_924 = vector.broadcast %div3A_921 : vector<1x512xf32> to vector<4x512xf32>
    %mul3A_925 = arith.mulf %mul3A_924, %select_n3A_881 : vector<4x512xf32>
    %add3A_926 = arith.addf %mul3A_923, %mul3A_925 : vector<4x512xf32>
    %mul3A_927 = arith.constant 5.000000e-01 : f32
    %mul3A_928 = vector.broadcast %mul3A_927 : f32 to vector<4x512xf32>
    %mul3A_929 = arith.mulf %mul3A_928, %slice3A_867 : vector<4x512xf32>
    %mul3A_930 = arith.constant 5.000000e-01 : f32
    %mul3A_931 = vector.broadcast %mul3A_930 : f32 to vector<4x512xf32>
    %mul3A_932 = arith.mulf %mul3A_931, %select_n3A_881 : vector<4x512xf32>
    %add3A_933 = arith.addf %mul3A_929, %mul3A_932 : vector<4x512xf32>
    %broadcast_in_dim3A_934 = vector.shape_cast %ge3A_909 : vector<1x512xi1> to vector<1x512xi1>
    %broadcast_in_dim3A_935 = vector.broadcast %broadcast_in_dim3A_934 : vector<1x512xi1> to vector<4x512xi1>
    %select_n3A_936 = arith.select %broadcast_in_dim3A_935, %add3A_926, %add3A_933 : vector<4x512xi1>, vector<4x512xf32>
    %ge3A_937 = arith.constant 1.000000e+00 : f32
    %ge3A_938 = vector.broadcast %ge3A_937 : f32 to vector<1x512xf32>
    %ge3A_939 = arith.cmpf oge, %abs3A_882, %ge3A_938 : vector<1x512xf32>
    %broadcast_in_dim3A_940 = vector.shape_cast %ge3A_939 : vector<1x512xi1> to vector<1x512xi1>
    %broadcast_in_dim3A_941 = vector.broadcast %broadcast_in_dim3A_940 : vector<1x512xi1> to vector<4x512xi1>
    %select_n3A_942 = arith.select %broadcast_in_dim3A_941, %slice3A_867, %select_n3A_936 : vector<4x512xi1>, vector<4x512xf32>
    %slice3A_943 = vector.extract_strided_slice %select_n3A_942 {offsets = [0, 0], sizes = [1, 512], strides = [1, 1]} : vector<4x512xf32> to vector<1x512xf32>
    %mul3A_944 = arith.mulf %slice3A_943, %slice3A_943 : vector<1x512xf32>
    %sub3A_945 = arith.constant 1.000000e+00 : f32
    %sub3A_946 = vector.broadcast %sub3A_945 : f32 to vector<1x512xf32>
    %sub3A_947 = arith.subf %sub3A_946, %mul3A_944 : vector<1x512xf32>
    %max3A_948 = arith.constant 0.000000e+00 : f32
    %max3A_949 = vector.broadcast %max3A_948 : f32 to vector<1x512xf32>
    %max3A_950 = arith.maximumf %sub3A_947, %max3A_949 : vector<1x512xf32>
    %sqrt3A_951 = math.sqrt %max3A_950 : vector<1x512xf32>
    %jit3A_952 = arith.constant -1.000000e+00 : f32
    %jit3A_953 = arith.constant 1.000000e+00 : f32
    %max3A_954 = vector.broadcast %jit3A_952 : f32 to vector<1x512xf32>
    %max3A_955 = arith.maximumf %max3A_954, %slice3A_943 : vector<1x512xf32>
    %min3A_956 = vector.broadcast %jit3A_953 : f32 to vector<1x512xf32>
    %min3A_957 = arith.minimumf %min3A_956, %max3A_955 : vector<1x512xf32>
    %mul3A_958 = arith.mulf %min3A_957, %min3A_957 : vector<1x512xf32>
    %sub3A_959 = arith.constant 1.000000e+00 : f32
    %sub3A_960 = vector.broadcast %sub3A_959 : f32 to vector<1x512xf32>
    %sub3A_961 = arith.subf %sub3A_960, %mul3A_958 : vector<1x512xf32>
    %max3A_962 = arith.constant 0.000000e+00 : f32
    %max3A_963 = vector.broadcast %max3A_962 : f32 to vector<1x512xf32>
    %max3A_964 = arith.maximumf %sub3A_961, %max3A_963 : vector<1x512xf32>
    %sqrt3A_965 = math.sqrt %max3A_964 : vector<1x512xf32>
    %atan23A_966 = math.atan2 %sqrt3A_965, %min3A_957 : vector<1x512xf32>
    %mul3A_967 = arith.constant 2.000000e+00 : f32
    %mul3A_968 = vector.broadcast %mul3A_967 : f32 to vector<1x512xf32>
    %mul3A_969 = arith.mulf %mul3A_968, %atan23A_966 : vector<1x512xf32>
    %sin3A_970 = math.sin %mul3A_969 : vector<1x512xf32>
    %cos3A_971 = math.cos %mul3A_969 : vector<1x512xf32>
    %atan23A_972 = math.atan2 %sin3A_970, %cos3A_971 : vector<1x512xf32>
    %slice3A_973 = vector.extract_strided_slice %select_n3A_942 {offsets = [1, 0], sizes = [3, 512], strides = [1, 1]} : vector<4x512xf32> to vector<3x512xf32>
    %max3A_974 = arith.constant 9.99999974E-6 : f32
    %max3A_975 = vector.broadcast %max3A_974 : f32 to vector<1x512xf32>
    %max3A_976 = arith.maximumf %sqrt3A_951, %max3A_975 : vector<1x512xf32>
    %div3A_977 = vector.broadcast %max3A_976 : vector<1x512xf32> to vector<3x512xf32>
    %div3A_978 = arith.divf %slice3A_973, %div3A_977 : vector<3x512xf32>
    %gt3A_979 = arith.constant 9.99999974E-6 : f32
    %gt3A_980 = vector.broadcast %gt3A_979 : f32 to vector<1x512xf32>
    %gt3A_981 = arith.cmpf ogt, %sqrt3A_951, %gt3A_980 : vector<1x512xf32>
    %broadcast_in_dim3A_982 = arith.constant 0.000000e+00 : f32
    %broadcast_in_dim3A_983 = vector.broadcast %broadcast_in_dim3A_982 : f32 to vector<2x512xf32>
    %broadcast_in_dim3A_984 = arith.constant 1.000000e+00 : f32
    %broadcast_in_dim3A_985 = vector.broadcast %broadcast_in_dim3A_984 : f32 to vector<1x512xf32>
    %concatenate3A_986 = tpu.concatenate %broadcast_in_dim3A_983, %broadcast_in_dim3A_985 in 0 : vector<2x512xf32>, vector<1x512xf32> -> vector<3x512xf32>
    %broadcast_in_dim3A_987 = arith.constant 0.000000e+00 : f32
    %broadcast_in_dim3A_988 = vector.broadcast %broadcast_in_dim3A_987 : f32 to vector<1x512xf32>
    %select_n3A_989 = arith.select %gt3A_981, %atan23A_972, %broadcast_in_dim3A_988 : vector<1x512xi1>, vector<1x512xf32>
    %broadcast_in_dim3A_990 = vector.shape_cast %gt3A_981 : vector<1x512xi1> to vector<1x512xi1>
    %broadcast_in_dim3A_991 = vector.broadcast %broadcast_in_dim3A_990 : vector<1x512xi1> to vector<3x512xi1>
    %select_n3A_992 = arith.select %broadcast_in_dim3A_991, %div3A_978, %concatenate3A_986 : vector<3x512xi1>, vector<3x512xf32>
    %mul3A_993 = vector.broadcast %select_n3A_989 : vector<1x512xf32> to vector<3x512xf32>
    %mul3A_994 = arith.mulf %mul3A_993, %select_n3A_992 : vector<3x512xf32>
    %slice3A_995 = vector.extract_strided_slice %transpose3A_5 {offsets = [43, 0], sizes = [4, 512], strides = [1, 1]} : vector<72x512xf32> to vector<4x512xf32>
    %slice3A_996 = vector.extract_strided_slice %transpose3A_9 {offsets = [43, 0], sizes = [4, 512], strides = [1, 1]} : vector<72x512xf32> to vector<4x512xf32>
    %mul3A_997 = arith.mulf %slice3A_995, %slice3A_996 : vector<4x512xf32>
    %reduce_sum3A_998 = arith.constant dense<0.000000e+00> : vector<512xf32>
    %reduce_sum3A_999 = vector.multi_reduction <add>, %mul3A_997, %reduce_sum3A_998 [0] : vector<4x512xf32> to vector<512xf32>
    %broadcast_in_dim3A_1000 = vector.shape_cast %reduce_sum3A_999 : vector<512xf32> to vector<1x512xf32>
    %lt3A_1001 = arith.constant 0.000000e+00 : f32
    %lt3A_1002 = vector.broadcast %lt3A_1001 : f32 to vector<1x512xf32>
    %lt3A_1003 = arith.cmpf olt, %broadcast_in_dim3A_1000, %lt3A_1002 : vector<1x512xf32>
    %neg3A_1004 = arith.constant 0.000000e+00 : f32
    %neg3A_1005 = vector.broadcast %neg3A_1004 : f32 to vector<4x512xf32>
    %neg3A_1006 = arith.subf %neg3A_1005, %slice3A_996 : vector<4x512xf32>
    %broadcast_in_dim3A_1007 = vector.shape_cast %lt3A_1003 : vector<1x512xi1> to vector<1x512xi1>
    %broadcast_in_dim3A_1008 = vector.broadcast %broadcast_in_dim3A_1007 : vector<1x512xi1> to vector<4x512xi1>
    %select_n3A_1009 = arith.select %broadcast_in_dim3A_1008, %neg3A_1006, %slice3A_996 : vector<4x512xi1>, vector<4x512xf32>
    %abs3A_1010 = math.absf %broadcast_in_dim3A_1000 : vector<1x512xf32>
    %jit3A_1011 = arith.constant -1.000000e+00 : f32
    %jit3A_1012 = arith.constant 0.99999988 : f32
    %max3A_1013 = vector.broadcast %jit3A_1011 : f32 to vector<1x512xf32>
    %max3A_1014 = arith.maximumf %max3A_1013, %abs3A_1010 : vector<1x512xf32>
    %min3A_1015 = vector.broadcast %jit3A_1012 : f32 to vector<1x512xf32>
    %min3A_1016 = arith.minimumf %min3A_1015, %max3A_1014 : vector<1x512xf32>
    %mul3A_1017 = arith.mulf %min3A_1016, %min3A_1016 : vector<1x512xf32>
    %sub3A_1018 = arith.constant 1.000000e+00 : f32
    %sub3A_1019 = vector.broadcast %sub3A_1018 : f32 to vector<1x512xf32>
    %sub3A_1020 = arith.subf %sub3A_1019, %mul3A_1017 : vector<1x512xf32>
    %max3A_1021 = arith.constant 0.000000e+00 : f32
    %max3A_1022 = vector.broadcast %max3A_1021 : f32 to vector<1x512xf32>
    %max3A_1023 = arith.maximumf %sub3A_1020, %max3A_1022 : vector<1x512xf32>
    %sqrt3A_1024 = math.sqrt %max3A_1023 : vector<1x512xf32>
    %atan23A_1025 = math.atan2 %sqrt3A_1024, %min3A_1016 : vector<1x512xf32>
    %mul3A_1026 = arith.mulf %min3A_1016, %min3A_1016 : vector<1x512xf32>
    %sub3A_1027 = arith.constant 1.000000e+00 : f32
    %sub3A_1028 = vector.broadcast %sub3A_1027 : f32 to vector<1x512xf32>
    %sub3A_1029 = arith.subf %sub3A_1028, %mul3A_1026 : vector<1x512xf32>
    %max3A_1030 = arith.constant 0.000000e+00 : f32
    %max3A_1031 = vector.broadcast %max3A_1030 : f32 to vector<1x512xf32>
    %max3A_1032 = arith.maximumf %sub3A_1029, %max3A_1031 : vector<1x512xf32>
    %sqrt3A_1033 = math.sqrt %max3A_1032 : vector<1x512xf32>
    %abs3A_1034 = math.absf %sqrt3A_1033 : vector<1x512xf32>
    %ge3A_1035 = arith.constant 1.000000e-03 : f32
    %ge3A_1036 = vector.broadcast %ge3A_1035 : f32 to vector<1x512xf32>
    %ge3A_1037 = arith.cmpf oge, %abs3A_1034, %ge3A_1036 : vector<1x512xf32>
    %jit3A_1038 = arith.constant 1.000000e+00 : f32
    %broadcast_in_dim3A_1039 = vector.broadcast %jit3A_1038 : f32 to vector<1x512xf32>
    %select_n3A_1040 = arith.select %ge3A_1037, %sqrt3A_1033, %broadcast_in_dim3A_1039 : vector<1x512xi1>, vector<1x512xf32>
    %sub3A_1041 = arith.constant 1.000000e+00 : f32
    %sub3A_1042 = vector.broadcast %sub3A_1041 : f32 to vector<1x512xf32>
    %sub3A_1043 = arith.subf %sub3A_1042, %transpose3A : vector<1x512xf32>
    %mul3A_1044 = arith.mulf %sub3A_1043, %atan23A_1025 : vector<1x512xf32>
    %sin3A_1045 = math.sin %mul3A_1044 : vector<1x512xf32>
    %div3A_1046 = arith.divf %sin3A_1045, %select_n3A_1040 : vector<1x512xf32>
    %mul3A_1047 = arith.mulf %transpose3A, %atan23A_1025 : vector<1x512xf32>
    %sin3A_1048 = math.sin %mul3A_1047 : vector<1x512xf32>
    %div3A_1049 = arith.divf %sin3A_1048, %select_n3A_1040 : vector<1x512xf32>
    %mul3A_1050 = vector.broadcast %div3A_1046 : vector<1x512xf32> to vector<4x512xf32>
    %mul3A_1051 = arith.mulf %mul3A_1050, %slice3A_995 : vector<4x512xf32>
    %mul3A_1052 = vector.broadcast %div3A_1049 : vector<1x512xf32> to vector<4x512xf32>
    %mul3A_1053 = arith.mulf %mul3A_1052, %select_n3A_1009 : vector<4x512xf32>
    %add3A_1054 = arith.addf %mul3A_1051, %mul3A_1053 : vector<4x512xf32>
    %mul3A_1055 = arith.constant 5.000000e-01 : f32
    %mul3A_1056 = vector.broadcast %mul3A_1055 : f32 to vector<4x512xf32>
    %mul3A_1057 = arith.mulf %mul3A_1056, %slice3A_995 : vector<4x512xf32>
    %mul3A_1058 = arith.constant 5.000000e-01 : f32
    %mul3A_1059 = vector.broadcast %mul3A_1058 : f32 to vector<4x512xf32>
    %mul3A_1060 = arith.mulf %mul3A_1059, %select_n3A_1009 : vector<4x512xf32>
    %add3A_1061 = arith.addf %mul3A_1057, %mul3A_1060 : vector<4x512xf32>
    %broadcast_in_dim3A_1062 = vector.shape_cast %ge3A_1037 : vector<1x512xi1> to vector<1x512xi1>
    %broadcast_in_dim3A_1063 = vector.broadcast %broadcast_in_dim3A_1062 : vector<1x512xi1> to vector<4x512xi1>
    %select_n3A_1064 = arith.select %broadcast_in_dim3A_1063, %add3A_1054, %add3A_1061 : vector<4x512xi1>, vector<4x512xf32>
    %ge3A_1065 = arith.constant 1.000000e+00 : f32
    %ge3A_1066 = vector.broadcast %ge3A_1065 : f32 to vector<1x512xf32>
    %ge3A_1067 = arith.cmpf oge, %abs3A_1010, %ge3A_1066 : vector<1x512xf32>
    %broadcast_in_dim3A_1068 = vector.shape_cast %ge3A_1067 : vector<1x512xi1> to vector<1x512xi1>
    %broadcast_in_dim3A_1069 = vector.broadcast %broadcast_in_dim3A_1068 : vector<1x512xi1> to vector<4x512xi1>
    %select_n3A_1070 = arith.select %broadcast_in_dim3A_1069, %slice3A_995, %select_n3A_1064 : vector<4x512xi1>, vector<4x512xf32>
    %slice3A_1071 = vector.extract_strided_slice %select_n3A_1070 {offsets = [0, 0], sizes = [1, 512], strides = [1, 1]} : vector<4x512xf32> to vector<1x512xf32>
    %mul3A_1072 = arith.mulf %slice3A_1071, %slice3A_1071 : vector<1x512xf32>
    %sub3A_1073 = arith.constant 1.000000e+00 : f32
    %sub3A_1074 = vector.broadcast %sub3A_1073 : f32 to vector<1x512xf32>
    %sub3A_1075 = arith.subf %sub3A_1074, %mul3A_1072 : vector<1x512xf32>
    %max3A_1076 = arith.constant 0.000000e+00 : f32
    %max3A_1077 = vector.broadcast %max3A_1076 : f32 to vector<1x512xf32>
    %max3A_1078 = arith.maximumf %sub3A_1075, %max3A_1077 : vector<1x512xf32>
    %sqrt3A_1079 = math.sqrt %max3A_1078 : vector<1x512xf32>
    %jit3A_1080 = arith.constant -1.000000e+00 : f32
    %jit3A_1081 = arith.constant 1.000000e+00 : f32
    %max3A_1082 = vector.broadcast %jit3A_1080 : f32 to vector<1x512xf32>
    %max3A_1083 = arith.maximumf %max3A_1082, %slice3A_1071 : vector<1x512xf32>
    %min3A_1084 = vector.broadcast %jit3A_1081 : f32 to vector<1x512xf32>
    %min3A_1085 = arith.minimumf %min3A_1084, %max3A_1083 : vector<1x512xf32>
    %mul3A_1086 = arith.mulf %min3A_1085, %min3A_1085 : vector<1x512xf32>
    %sub3A_1087 = arith.constant 1.000000e+00 : f32
    %sub3A_1088 = vector.broadcast %sub3A_1087 : f32 to vector<1x512xf32>
    %sub3A_1089 = arith.subf %sub3A_1088, %mul3A_1086 : vector<1x512xf32>
    %max3A_1090 = arith.constant 0.000000e+00 : f32
    %max3A_1091 = vector.broadcast %max3A_1090 : f32 to vector<1x512xf32>
    %max3A_1092 = arith.maximumf %sub3A_1089, %max3A_1091 : vector<1x512xf32>
    %sqrt3A_1093 = math.sqrt %max3A_1092 : vector<1x512xf32>
    %atan23A_1094 = math.atan2 %sqrt3A_1093, %min3A_1085 : vector<1x512xf32>
    %mul3A_1095 = arith.constant 2.000000e+00 : f32
    %mul3A_1096 = vector.broadcast %mul3A_1095 : f32 to vector<1x512xf32>
    %mul3A_1097 = arith.mulf %mul3A_1096, %atan23A_1094 : vector<1x512xf32>
    %sin3A_1098 = math.sin %mul3A_1097 : vector<1x512xf32>
    %cos3A_1099 = math.cos %mul3A_1097 : vector<1x512xf32>
    %atan23A_1100 = math.atan2 %sin3A_1098, %cos3A_1099 : vector<1x512xf32>
    %slice3A_1101 = vector.extract_strided_slice %select_n3A_1070 {offsets = [1, 0], sizes = [3, 512], strides = [1, 1]} : vector<4x512xf32> to vector<3x512xf32>
    %max3A_1102 = arith.constant 9.99999974E-6 : f32
    %max3A_1103 = vector.broadcast %max3A_1102 : f32 to vector<1x512xf32>
    %max3A_1104 = arith.maximumf %sqrt3A_1079, %max3A_1103 : vector<1x512xf32>
    %div3A_1105 = vector.broadcast %max3A_1104 : vector<1x512xf32> to vector<3x512xf32>
    %div3A_1106 = arith.divf %slice3A_1101, %div3A_1105 : vector<3x512xf32>
    %gt3A_1107 = arith.constant 9.99999974E-6 : f32
    %gt3A_1108 = vector.broadcast %gt3A_1107 : f32 to vector<1x512xf32>
    %gt3A_1109 = arith.cmpf ogt, %sqrt3A_1079, %gt3A_1108 : vector<1x512xf32>
    %broadcast_in_dim3A_1110 = arith.constant 0.000000e+00 : f32
    %broadcast_in_dim3A_1111 = vector.broadcast %broadcast_in_dim3A_1110 : f32 to vector<2x512xf32>
    %broadcast_in_dim3A_1112 = arith.constant 1.000000e+00 : f32
    %broadcast_in_dim3A_1113 = vector.broadcast %broadcast_in_dim3A_1112 : f32 to vector<1x512xf32>
    %concatenate3A_1114 = tpu.concatenate %broadcast_in_dim3A_1111, %broadcast_in_dim3A_1113 in 0 : vector<2x512xf32>, vector<1x512xf32> -> vector<3x512xf32>
    %broadcast_in_dim3A_1115 = arith.constant 0.000000e+00 : f32
    %broadcast_in_dim3A_1116 = vector.broadcast %broadcast_in_dim3A_1115 : f32 to vector<1x512xf32>
    %select_n3A_1117 = arith.select %gt3A_1109, %atan23A_1100, %broadcast_in_dim3A_1116 : vector<1x512xi1>, vector<1x512xf32>
    %broadcast_in_dim3A_1118 = vector.shape_cast %gt3A_1109 : vector<1x512xi1> to vector<1x512xi1>
    %broadcast_in_dim3A_1119 = vector.broadcast %broadcast_in_dim3A_1118 : vector<1x512xi1> to vector<3x512xi1>
    %select_n3A_1120 = arith.select %broadcast_in_dim3A_1119, %div3A_1106, %concatenate3A_1114 : vector<3x512xi1>, vector<3x512xf32>
    %slice3A_1121 = vector.extract_strided_slice %select_n3A_1120 {offsets = [1, 0], sizes = [1, 512], strides = [1, 1]} : vector<3x512xf32> to vector<1x512xf32>
    %mul3A_1122 = arith.mulf %select_n3A_1117, %slice3A_1121 : vector<1x512xf32>
    %sin3A_1123 = math.sin %mul3A_1122 : vector<1x512xf32>
    %cos3A_1124 = math.cos %mul3A_1122 : vector<1x512xf32>
    %atan23A_1125 = math.atan2 %sin3A_1123, %cos3A_1124 : vector<1x512xf32>
    %slice3A_1126 = vector.extract_strided_slice %transpose3A_5 {offsets = [47, 0], sizes = [4, 512], strides = [1, 1]} : vector<72x512xf32> to vector<4x512xf32>
    %slice3A_1127 = vector.extract_strided_slice %transpose3A_9 {offsets = [47, 0], sizes = [4, 512], strides = [1, 1]} : vector<72x512xf32> to vector<4x512xf32>
    %mul3A_1128 = arith.mulf %slice3A_1126, %slice3A_1127 : vector<4x512xf32>
    %reduce_sum3A_1129 = arith.constant dense<0.000000e+00> : vector<512xf32>
    %reduce_sum3A_1130 = vector.multi_reduction <add>, %mul3A_1128, %reduce_sum3A_1129 [0] : vector<4x512xf32> to vector<512xf32>
    %broadcast_in_dim3A_1131 = vector.shape_cast %reduce_sum3A_1130 : vector<512xf32> to vector<1x512xf32>
    %lt3A_1132 = arith.constant 0.000000e+00 : f32
    %lt3A_1133 = vector.broadcast %lt3A_1132 : f32 to vector<1x512xf32>
    %lt3A_1134 = arith.cmpf olt, %broadcast_in_dim3A_1131, %lt3A_1133 : vector<1x512xf32>
    %neg3A_1135 = arith.constant 0.000000e+00 : f32
    %neg3A_1136 = vector.broadcast %neg3A_1135 : f32 to vector<4x512xf32>
    %neg3A_1137 = arith.subf %neg3A_1136, %slice3A_1127 : vector<4x512xf32>
    %broadcast_in_dim3A_1138 = vector.shape_cast %lt3A_1134 : vector<1x512xi1> to vector<1x512xi1>
    %broadcast_in_dim3A_1139 = vector.broadcast %broadcast_in_dim3A_1138 : vector<1x512xi1> to vector<4x512xi1>
    %select_n3A_1140 = arith.select %broadcast_in_dim3A_1139, %neg3A_1137, %slice3A_1127 : vector<4x512xi1>, vector<4x512xf32>
    %abs3A_1141 = math.absf %broadcast_in_dim3A_1131 : vector<1x512xf32>
    %jit3A_1142 = arith.constant -1.000000e+00 : f32
    %jit3A_1143 = arith.constant 0.99999988 : f32
    %max3A_1144 = vector.broadcast %jit3A_1142 : f32 to vector<1x512xf32>
    %max3A_1145 = arith.maximumf %max3A_1144, %abs3A_1141 : vector<1x512xf32>
    %min3A_1146 = vector.broadcast %jit3A_1143 : f32 to vector<1x512xf32>
    %min3A_1147 = arith.minimumf %min3A_1146, %max3A_1145 : vector<1x512xf32>
    %mul3A_1148 = arith.mulf %min3A_1147, %min3A_1147 : vector<1x512xf32>
    %sub3A_1149 = arith.constant 1.000000e+00 : f32
    %sub3A_1150 = vector.broadcast %sub3A_1149 : f32 to vector<1x512xf32>
    %sub3A_1151 = arith.subf %sub3A_1150, %mul3A_1148 : vector<1x512xf32>
    %max3A_1152 = arith.constant 0.000000e+00 : f32
    %max3A_1153 = vector.broadcast %max3A_1152 : f32 to vector<1x512xf32>
    %max3A_1154 = arith.maximumf %sub3A_1151, %max3A_1153 : vector<1x512xf32>
    %sqrt3A_1155 = math.sqrt %max3A_1154 : vector<1x512xf32>
    %atan23A_1156 = math.atan2 %sqrt3A_1155, %min3A_1147 : vector<1x512xf32>
    %mul3A_1157 = arith.mulf %min3A_1147, %min3A_1147 : vector<1x512xf32>
    %sub3A_1158 = arith.constant 1.000000e+00 : f32
    %sub3A_1159 = vector.broadcast %sub3A_1158 : f32 to vector<1x512xf32>
    %sub3A_1160 = arith.subf %sub3A_1159, %mul3A_1157 : vector<1x512xf32>
    %max3A_1161 = arith.constant 0.000000e+00 : f32
    %max3A_1162 = vector.broadcast %max3A_1161 : f32 to vector<1x512xf32>
    %max3A_1163 = arith.maximumf %sub3A_1160, %max3A_1162 : vector<1x512xf32>
    %sqrt3A_1164 = math.sqrt %max3A_1163 : vector<1x512xf32>
    %abs3A_1165 = math.absf %sqrt3A_1164 : vector<1x512xf32>
    %ge3A_1166 = arith.constant 1.000000e-03 : f32
    %ge3A_1167 = vector.broadcast %ge3A_1166 : f32 to vector<1x512xf32>
    %ge3A_1168 = arith.cmpf oge, %abs3A_1165, %ge3A_1167 : vector<1x512xf32>
    %jit3A_1169 = arith.constant 1.000000e+00 : f32
    %broadcast_in_dim3A_1170 = vector.broadcast %jit3A_1169 : f32 to vector<1x512xf32>
    %select_n3A_1171 = arith.select %ge3A_1168, %sqrt3A_1164, %broadcast_in_dim3A_1170 : vector<1x512xi1>, vector<1x512xf32>
    %sub3A_1172 = arith.constant 1.000000e+00 : f32
    %sub3A_1173 = vector.broadcast %sub3A_1172 : f32 to vector<1x512xf32>
    %sub3A_1174 = arith.subf %sub3A_1173, %transpose3A : vector<1x512xf32>
    %mul3A_1175 = arith.mulf %sub3A_1174, %atan23A_1156 : vector<1x512xf32>
    %sin3A_1176 = math.sin %mul3A_1175 : vector<1x512xf32>
    %div3A_1177 = arith.divf %sin3A_1176, %select_n3A_1171 : vector<1x512xf32>
    %mul3A_1178 = arith.mulf %transpose3A, %atan23A_1156 : vector<1x512xf32>
    %sin3A_1179 = math.sin %mul3A_1178 : vector<1x512xf32>
    %div3A_1180 = arith.divf %sin3A_1179, %select_n3A_1171 : vector<1x512xf32>
    %mul3A_1181 = vector.broadcast %div3A_1177 : vector<1x512xf32> to vector<4x512xf32>
    %mul3A_1182 = arith.mulf %mul3A_1181, %slice3A_1126 : vector<4x512xf32>
    %mul3A_1183 = vector.broadcast %div3A_1180 : vector<1x512xf32> to vector<4x512xf32>
    %mul3A_1184 = arith.mulf %mul3A_1183, %select_n3A_1140 : vector<4x512xf32>
    %add3A_1185 = arith.addf %mul3A_1182, %mul3A_1184 : vector<4x512xf32>
    %mul3A_1186 = arith.constant 5.000000e-01 : f32
    %mul3A_1187 = vector.broadcast %mul3A_1186 : f32 to vector<4x512xf32>
    %mul3A_1188 = arith.mulf %mul3A_1187, %slice3A_1126 : vector<4x512xf32>
    %mul3A_1189 = arith.constant 5.000000e-01 : f32
    %mul3A_1190 = vector.broadcast %mul3A_1189 : f32 to vector<4x512xf32>
    %mul3A_1191 = arith.mulf %mul3A_1190, %select_n3A_1140 : vector<4x512xf32>
    %add3A_1192 = arith.addf %mul3A_1188, %mul3A_1191 : vector<4x512xf32>
    %broadcast_in_dim3A_1193 = vector.shape_cast %ge3A_1168 : vector<1x512xi1> to vector<1x512xi1>
    %broadcast_in_dim3A_1194 = vector.broadcast %broadcast_in_dim3A_1193 : vector<1x512xi1> to vector<4x512xi1>
    %select_n3A_1195 = arith.select %broadcast_in_dim3A_1194, %add3A_1185, %add3A_1192 : vector<4x512xi1>, vector<4x512xf32>
    %ge3A_1196 = arith.constant 1.000000e+00 : f32
    %ge3A_1197 = vector.broadcast %ge3A_1196 : f32 to vector<1x512xf32>
    %ge3A_1198 = arith.cmpf oge, %abs3A_1141, %ge3A_1197 : vector<1x512xf32>
    %broadcast_in_dim3A_1199 = vector.shape_cast %ge3A_1198 : vector<1x512xi1> to vector<1x512xi1>
    %broadcast_in_dim3A_1200 = vector.broadcast %broadcast_in_dim3A_1199 : vector<1x512xi1> to vector<4x512xi1>
    %select_n3A_1201 = arith.select %broadcast_in_dim3A_1200, %slice3A_1126, %select_n3A_1195 : vector<4x512xi1>, vector<4x512xf32>
    %slice3A_1202 = vector.extract_strided_slice %select_n3A_1201 {offsets = [0, 0], sizes = [1, 512], strides = [1, 1]} : vector<4x512xf32> to vector<1x512xf32>
    %mul3A_1203 = arith.mulf %slice3A_1202, %slice3A_1202 : vector<1x512xf32>
    %sub3A_1204 = arith.constant 1.000000e+00 : f32
    %sub3A_1205 = vector.broadcast %sub3A_1204 : f32 to vector<1x512xf32>
    %sub3A_1206 = arith.subf %sub3A_1205, %mul3A_1203 : vector<1x512xf32>
    %max3A_1207 = arith.constant 0.000000e+00 : f32
    %max3A_1208 = vector.broadcast %max3A_1207 : f32 to vector<1x512xf32>
    %max3A_1209 = arith.maximumf %sub3A_1206, %max3A_1208 : vector<1x512xf32>
    %sqrt3A_1210 = math.sqrt %max3A_1209 : vector<1x512xf32>
    %jit3A_1211 = arith.constant -1.000000e+00 : f32
    %jit3A_1212 = arith.constant 1.000000e+00 : f32
    %max3A_1213 = vector.broadcast %jit3A_1211 : f32 to vector<1x512xf32>
    %max3A_1214 = arith.maximumf %max3A_1213, %slice3A_1202 : vector<1x512xf32>
    %min3A_1215 = vector.broadcast %jit3A_1212 : f32 to vector<1x512xf32>
    %min3A_1216 = arith.minimumf %min3A_1215, %max3A_1214 : vector<1x512xf32>
    %mul3A_1217 = arith.mulf %min3A_1216, %min3A_1216 : vector<1x512xf32>
    %sub3A_1218 = arith.constant 1.000000e+00 : f32
    %sub3A_1219 = vector.broadcast %sub3A_1218 : f32 to vector<1x512xf32>
    %sub3A_1220 = arith.subf %sub3A_1219, %mul3A_1217 : vector<1x512xf32>
    %max3A_1221 = arith.constant 0.000000e+00 : f32
    %max3A_1222 = vector.broadcast %max3A_1221 : f32 to vector<1x512xf32>
    %max3A_1223 = arith.maximumf %sub3A_1220, %max3A_1222 : vector<1x512xf32>
    %sqrt3A_1224 = math.sqrt %max3A_1223 : vector<1x512xf32>
    %atan23A_1225 = math.atan2 %sqrt3A_1224, %min3A_1216 : vector<1x512xf32>
    %mul3A_1226 = arith.constant 2.000000e+00 : f32
    %mul3A_1227 = vector.broadcast %mul3A_1226 : f32 to vector<1x512xf32>
    %mul3A_1228 = arith.mulf %mul3A_1227, %atan23A_1225 : vector<1x512xf32>
    %sin3A_1229 = math.sin %mul3A_1228 : vector<1x512xf32>
    %cos3A_1230 = math.cos %mul3A_1228 : vector<1x512xf32>
    %atan23A_1231 = math.atan2 %sin3A_1229, %cos3A_1230 : vector<1x512xf32>
    %slice3A_1232 = vector.extract_strided_slice %select_n3A_1201 {offsets = [1, 0], sizes = [3, 512], strides = [1, 1]} : vector<4x512xf32> to vector<3x512xf32>
    %max3A_1233 = arith.constant 9.99999974E-6 : f32
    %max3A_1234 = vector.broadcast %max3A_1233 : f32 to vector<1x512xf32>
    %max3A_1235 = arith.maximumf %sqrt3A_1210, %max3A_1234 : vector<1x512xf32>
    %div3A_1236 = vector.broadcast %max3A_1235 : vector<1x512xf32> to vector<3x512xf32>
    %div3A_1237 = arith.divf %slice3A_1232, %div3A_1236 : vector<3x512xf32>
    %gt3A_1238 = arith.constant 9.99999974E-6 : f32
    %gt3A_1239 = vector.broadcast %gt3A_1238 : f32 to vector<1x512xf32>
    %gt3A_1240 = arith.cmpf ogt, %sqrt3A_1210, %gt3A_1239 : vector<1x512xf32>
    %broadcast_in_dim3A_1241 = arith.constant 0.000000e+00 : f32
    %broadcast_in_dim3A_1242 = vector.broadcast %broadcast_in_dim3A_1241 : f32 to vector<2x512xf32>
    %broadcast_in_dim3A_1243 = arith.constant 1.000000e+00 : f32
    %broadcast_in_dim3A_1244 = vector.broadcast %broadcast_in_dim3A_1243 : f32 to vector<1x512xf32>
    %concatenate3A_1245 = tpu.concatenate %broadcast_in_dim3A_1242, %broadcast_in_dim3A_1244 in 0 : vector<2x512xf32>, vector<1x512xf32> -> vector<3x512xf32>
    %broadcast_in_dim3A_1246 = arith.constant 0.000000e+00 : f32
    %broadcast_in_dim3A_1247 = vector.broadcast %broadcast_in_dim3A_1246 : f32 to vector<1x512xf32>
    %select_n3A_1248 = arith.select %gt3A_1240, %atan23A_1231, %broadcast_in_dim3A_1247 : vector<1x512xi1>, vector<1x512xf32>
    %broadcast_in_dim3A_1249 = vector.shape_cast %gt3A_1240 : vector<1x512xi1> to vector<1x512xi1>
    %broadcast_in_dim3A_1250 = vector.broadcast %broadcast_in_dim3A_1249 : vector<1x512xi1> to vector<3x512xi1>
    %select_n3A_1251 = arith.select %broadcast_in_dim3A_1250, %div3A_1237, %concatenate3A_1245 : vector<3x512xi1>, vector<3x512xf32>
    %mul3A_1252 = vector.broadcast %select_n3A_1248 : vector<1x512xf32> to vector<3x512xf32>
    %mul3A_1253 = arith.mulf %mul3A_1252, %select_n3A_1251 : vector<3x512xf32>
    %slice3A_1254 = vector.extract_strided_slice %transpose3A_5 {offsets = [51, 0], sizes = [4, 512], strides = [1, 1]} : vector<72x512xf32> to vector<4x512xf32>
    %slice3A_1255 = vector.extract_strided_slice %transpose3A_9 {offsets = [51, 0], sizes = [4, 512], strides = [1, 1]} : vector<72x512xf32> to vector<4x512xf32>
    %mul3A_1256 = arith.mulf %slice3A_1254, %slice3A_1255 : vector<4x512xf32>
    %reduce_sum3A_1257 = arith.constant dense<0.000000e+00> : vector<512xf32>
    %reduce_sum3A_1258 = vector.multi_reduction <add>, %mul3A_1256, %reduce_sum3A_1257 [0] : vector<4x512xf32> to vector<512xf32>
    %broadcast_in_dim3A_1259 = vector.shape_cast %reduce_sum3A_1258 : vector<512xf32> to vector<1x512xf32>
    %lt3A_1260 = arith.constant 0.000000e+00 : f32
    %lt3A_1261 = vector.broadcast %lt3A_1260 : f32 to vector<1x512xf32>
    %lt3A_1262 = arith.cmpf olt, %broadcast_in_dim3A_1259, %lt3A_1261 : vector<1x512xf32>
    %neg3A_1263 = arith.constant 0.000000e+00 : f32
    %neg3A_1264 = vector.broadcast %neg3A_1263 : f32 to vector<4x512xf32>
    %neg3A_1265 = arith.subf %neg3A_1264, %slice3A_1255 : vector<4x512xf32>
    %broadcast_in_dim3A_1266 = vector.shape_cast %lt3A_1262 : vector<1x512xi1> to vector<1x512xi1>
    %broadcast_in_dim3A_1267 = vector.broadcast %broadcast_in_dim3A_1266 : vector<1x512xi1> to vector<4x512xi1>
    %select_n3A_1268 = arith.select %broadcast_in_dim3A_1267, %neg3A_1265, %slice3A_1255 : vector<4x512xi1>, vector<4x512xf32>
    %abs3A_1269 = math.absf %broadcast_in_dim3A_1259 : vector<1x512xf32>
    %jit3A_1270 = arith.constant -1.000000e+00 : f32
    %jit3A_1271 = arith.constant 0.99999988 : f32
    %max3A_1272 = vector.broadcast %jit3A_1270 : f32 to vector<1x512xf32>
    %max3A_1273 = arith.maximumf %max3A_1272, %abs3A_1269 : vector<1x512xf32>
    %min3A_1274 = vector.broadcast %jit3A_1271 : f32 to vector<1x512xf32>
    %min3A_1275 = arith.minimumf %min3A_1274, %max3A_1273 : vector<1x512xf32>
    %mul3A_1276 = arith.mulf %min3A_1275, %min3A_1275 : vector<1x512xf32>
    %sub3A_1277 = arith.constant 1.000000e+00 : f32
    %sub3A_1278 = vector.broadcast %sub3A_1277 : f32 to vector<1x512xf32>
    %sub3A_1279 = arith.subf %sub3A_1278, %mul3A_1276 : vector<1x512xf32>
    %max3A_1280 = arith.constant 0.000000e+00 : f32
    %max3A_1281 = vector.broadcast %max3A_1280 : f32 to vector<1x512xf32>
    %max3A_1282 = arith.maximumf %sub3A_1279, %max3A_1281 : vector<1x512xf32>
    %sqrt3A_1283 = math.sqrt %max3A_1282 : vector<1x512xf32>
    %atan23A_1284 = math.atan2 %sqrt3A_1283, %min3A_1275 : vector<1x512xf32>
    %mul3A_1285 = arith.mulf %min3A_1275, %min3A_1275 : vector<1x512xf32>
    %sub3A_1286 = arith.constant 1.000000e+00 : f32
    %sub3A_1287 = vector.broadcast %sub3A_1286 : f32 to vector<1x512xf32>
    %sub3A_1288 = arith.subf %sub3A_1287, %mul3A_1285 : vector<1x512xf32>
    %max3A_1289 = arith.constant 0.000000e+00 : f32
    %max3A_1290 = vector.broadcast %max3A_1289 : f32 to vector<1x512xf32>
    %max3A_1291 = arith.maximumf %sub3A_1288, %max3A_1290 : vector<1x512xf32>
    %sqrt3A_1292 = math.sqrt %max3A_1291 : vector<1x512xf32>
    %abs3A_1293 = math.absf %sqrt3A_1292 : vector<1x512xf32>
    %ge3A_1294 = arith.constant 1.000000e-03 : f32
    %ge3A_1295 = vector.broadcast %ge3A_1294 : f32 to vector<1x512xf32>
    %ge3A_1296 = arith.cmpf oge, %abs3A_1293, %ge3A_1295 : vector<1x512xf32>
    %jit3A_1297 = arith.constant 1.000000e+00 : f32
    %broadcast_in_dim3A_1298 = vector.broadcast %jit3A_1297 : f32 to vector<1x512xf32>
    %select_n3A_1299 = arith.select %ge3A_1296, %sqrt3A_1292, %broadcast_in_dim3A_1298 : vector<1x512xi1>, vector<1x512xf32>
    %sub3A_1300 = arith.constant 1.000000e+00 : f32
    %sub3A_1301 = vector.broadcast %sub3A_1300 : f32 to vector<1x512xf32>
    %sub3A_1302 = arith.subf %sub3A_1301, %transpose3A : vector<1x512xf32>
    %mul3A_1303 = arith.mulf %sub3A_1302, %atan23A_1284 : vector<1x512xf32>
    %sin3A_1304 = math.sin %mul3A_1303 : vector<1x512xf32>
    %div3A_1305 = arith.divf %sin3A_1304, %select_n3A_1299 : vector<1x512xf32>
    %mul3A_1306 = arith.mulf %transpose3A, %atan23A_1284 : vector<1x512xf32>
    %sin3A_1307 = math.sin %mul3A_1306 : vector<1x512xf32>
    %div3A_1308 = arith.divf %sin3A_1307, %select_n3A_1299 : vector<1x512xf32>
    %mul3A_1309 = vector.broadcast %div3A_1305 : vector<1x512xf32> to vector<4x512xf32>
    %mul3A_1310 = arith.mulf %mul3A_1309, %slice3A_1254 : vector<4x512xf32>
    %mul3A_1311 = vector.broadcast %div3A_1308 : vector<1x512xf32> to vector<4x512xf32>
    %mul3A_1312 = arith.mulf %mul3A_1311, %select_n3A_1268 : vector<4x512xf32>
    %add3A_1313 = arith.addf %mul3A_1310, %mul3A_1312 : vector<4x512xf32>
    %mul3A_1314 = arith.constant 5.000000e-01 : f32
    %mul3A_1315 = vector.broadcast %mul3A_1314 : f32 to vector<4x512xf32>
    %mul3A_1316 = arith.mulf %mul3A_1315, %slice3A_1254 : vector<4x512xf32>
    %mul3A_1317 = arith.constant 5.000000e-01 : f32
    %mul3A_1318 = vector.broadcast %mul3A_1317 : f32 to vector<4x512xf32>
    %mul3A_1319 = arith.mulf %mul3A_1318, %select_n3A_1268 : vector<4x512xf32>
    %add3A_1320 = arith.addf %mul3A_1316, %mul3A_1319 : vector<4x512xf32>
    %broadcast_in_dim3A_1321 = vector.shape_cast %ge3A_1296 : vector<1x512xi1> to vector<1x512xi1>
    %broadcast_in_dim3A_1322 = vector.broadcast %broadcast_in_dim3A_1321 : vector<1x512xi1> to vector<4x512xi1>
    %select_n3A_1323 = arith.select %broadcast_in_dim3A_1322, %add3A_1313, %add3A_1320 : vector<4x512xi1>, vector<4x512xf32>
    %ge3A_1324 = arith.constant 1.000000e+00 : f32
    %ge3A_1325 = vector.broadcast %ge3A_1324 : f32 to vector<1x512xf32>
    %ge3A_1326 = arith.cmpf oge, %abs3A_1269, %ge3A_1325 : vector<1x512xf32>
    %broadcast_in_dim3A_1327 = vector.shape_cast %ge3A_1326 : vector<1x512xi1> to vector<1x512xi1>
    %broadcast_in_dim3A_1328 = vector.broadcast %broadcast_in_dim3A_1327 : vector<1x512xi1> to vector<4x512xi1>
    %select_n3A_1329 = arith.select %broadcast_in_dim3A_1328, %slice3A_1254, %select_n3A_1323 : vector<4x512xi1>, vector<4x512xf32>
    %slice3A_1330 = vector.extract_strided_slice %select_n3A_1329 {offsets = [0, 0], sizes = [1, 512], strides = [1, 1]} : vector<4x512xf32> to vector<1x512xf32>
    %mul3A_1331 = arith.mulf %slice3A_1330, %slice3A_1330 : vector<1x512xf32>
    %sub3A_1332 = arith.constant 1.000000e+00 : f32
    %sub3A_1333 = vector.broadcast %sub3A_1332 : f32 to vector<1x512xf32>
    %sub3A_1334 = arith.subf %sub3A_1333, %mul3A_1331 : vector<1x512xf32>
    %max3A_1335 = arith.constant 0.000000e+00 : f32
    %max3A_1336 = vector.broadcast %max3A_1335 : f32 to vector<1x512xf32>
    %max3A_1337 = arith.maximumf %sub3A_1334, %max3A_1336 : vector<1x512xf32>
    %sqrt3A_1338 = math.sqrt %max3A_1337 : vector<1x512xf32>
    %jit3A_1339 = arith.constant -1.000000e+00 : f32
    %jit3A_1340 = arith.constant 1.000000e+00 : f32
    %max3A_1341 = vector.broadcast %jit3A_1339 : f32 to vector<1x512xf32>
    %max3A_1342 = arith.maximumf %max3A_1341, %slice3A_1330 : vector<1x512xf32>
    %min3A_1343 = vector.broadcast %jit3A_1340 : f32 to vector<1x512xf32>
    %min3A_1344 = arith.minimumf %min3A_1343, %max3A_1342 : vector<1x512xf32>
    %mul3A_1345 = arith.mulf %min3A_1344, %min3A_1344 : vector<1x512xf32>
    %sub3A_1346 = arith.constant 1.000000e+00 : f32
    %sub3A_1347 = vector.broadcast %sub3A_1346 : f32 to vector<1x512xf32>
    %sub3A_1348 = arith.subf %sub3A_1347, %mul3A_1345 : vector<1x512xf32>
    %max3A_1349 = arith.constant 0.000000e+00 : f32
    %max3A_1350 = vector.broadcast %max3A_1349 : f32 to vector<1x512xf32>
    %max3A_1351 = arith.maximumf %sub3A_1348, %max3A_1350 : vector<1x512xf32>
    %sqrt3A_1352 = math.sqrt %max3A_1351 : vector<1x512xf32>
    %atan23A_1353 = math.atan2 %sqrt3A_1352, %min3A_1344 : vector<1x512xf32>
    %mul3A_1354 = arith.constant 2.000000e+00 : f32
    %mul3A_1355 = vector.broadcast %mul3A_1354 : f32 to vector<1x512xf32>
    %mul3A_1356 = arith.mulf %mul3A_1355, %atan23A_1353 : vector<1x512xf32>
    %sin3A_1357 = math.sin %mul3A_1356 : vector<1x512xf32>
    %cos3A_1358 = math.cos %mul3A_1356 : vector<1x512xf32>
    %atan23A_1359 = math.atan2 %sin3A_1357, %cos3A_1358 : vector<1x512xf32>
    %slice3A_1360 = vector.extract_strided_slice %select_n3A_1329 {offsets = [1, 0], sizes = [3, 512], strides = [1, 1]} : vector<4x512xf32> to vector<3x512xf32>
    %max3A_1361 = arith.constant 9.99999974E-6 : f32
    %max3A_1362 = vector.broadcast %max3A_1361 : f32 to vector<1x512xf32>
    %max3A_1363 = arith.maximumf %sqrt3A_1338, %max3A_1362 : vector<1x512xf32>
    %div3A_1364 = vector.broadcast %max3A_1363 : vector<1x512xf32> to vector<3x512xf32>
    %div3A_1365 = arith.divf %slice3A_1360, %div3A_1364 : vector<3x512xf32>
    %gt3A_1366 = arith.constant 9.99999974E-6 : f32
    %gt3A_1367 = vector.broadcast %gt3A_1366 : f32 to vector<1x512xf32>
    %gt3A_1368 = arith.cmpf ogt, %sqrt3A_1338, %gt3A_1367 : vector<1x512xf32>
    %broadcast_in_dim3A_1369 = arith.constant 0.000000e+00 : f32
    %broadcast_in_dim3A_1370 = vector.broadcast %broadcast_in_dim3A_1369 : f32 to vector<2x512xf32>
    %broadcast_in_dim3A_1371 = arith.constant 1.000000e+00 : f32
    %broadcast_in_dim3A_1372 = vector.broadcast %broadcast_in_dim3A_1371 : f32 to vector<1x512xf32>
    %concatenate3A_1373 = tpu.concatenate %broadcast_in_dim3A_1370, %broadcast_in_dim3A_1372 in 0 : vector<2x512xf32>, vector<1x512xf32> -> vector<3x512xf32>
    %broadcast_in_dim3A_1374 = arith.constant 0.000000e+00 : f32
    %broadcast_in_dim3A_1375 = vector.broadcast %broadcast_in_dim3A_1374 : f32 to vector<1x512xf32>
    %select_n3A_1376 = arith.select %gt3A_1368, %atan23A_1359, %broadcast_in_dim3A_1375 : vector<1x512xi1>, vector<1x512xf32>
    %broadcast_in_dim3A_1377 = vector.shape_cast %gt3A_1368 : vector<1x512xi1> to vector<1x512xi1>
    %broadcast_in_dim3A_1378 = vector.broadcast %broadcast_in_dim3A_1377 : vector<1x512xi1> to vector<3x512xi1>
    %select_n3A_1379 = arith.select %broadcast_in_dim3A_1378, %div3A_1365, %concatenate3A_1373 : vector<3x512xi1>, vector<3x512xf32>
    %mul3A_1380 = vector.broadcast %select_n3A_1376 : vector<1x512xf32> to vector<3x512xf32>
    %mul3A_1381 = arith.mulf %mul3A_1380, %select_n3A_1379 : vector<3x512xf32>
    %slice3A_1382 = vector.extract_strided_slice %transpose3A_5 {offsets = [55, 0], sizes = [4, 512], strides = [1, 1]} : vector<72x512xf32> to vector<4x512xf32>
    %slice3A_1383 = vector.extract_strided_slice %transpose3A_9 {offsets = [55, 0], sizes = [4, 512], strides = [1, 1]} : vector<72x512xf32> to vector<4x512xf32>
    %mul3A_1384 = arith.mulf %slice3A_1382, %slice3A_1383 : vector<4x512xf32>
    %reduce_sum3A_1385 = arith.constant dense<0.000000e+00> : vector<512xf32>
    %reduce_sum3A_1386 = vector.multi_reduction <add>, %mul3A_1384, %reduce_sum3A_1385 [0] : vector<4x512xf32> to vector<512xf32>
    %broadcast_in_dim3A_1387 = vector.shape_cast %reduce_sum3A_1386 : vector<512xf32> to vector<1x512xf32>
    %lt3A_1388 = arith.constant 0.000000e+00 : f32
    %lt3A_1389 = vector.broadcast %lt3A_1388 : f32 to vector<1x512xf32>
    %lt3A_1390 = arith.cmpf olt, %broadcast_in_dim3A_1387, %lt3A_1389 : vector<1x512xf32>
    %neg3A_1391 = arith.constant 0.000000e+00 : f32
    %neg3A_1392 = vector.broadcast %neg3A_1391 : f32 to vector<4x512xf32>
    %neg3A_1393 = arith.subf %neg3A_1392, %slice3A_1383 : vector<4x512xf32>
    %broadcast_in_dim3A_1394 = vector.shape_cast %lt3A_1390 : vector<1x512xi1> to vector<1x512xi1>
    %broadcast_in_dim3A_1395 = vector.broadcast %broadcast_in_dim3A_1394 : vector<1x512xi1> to vector<4x512xi1>
    %select_n3A_1396 = arith.select %broadcast_in_dim3A_1395, %neg3A_1393, %slice3A_1383 : vector<4x512xi1>, vector<4x512xf32>
    %abs3A_1397 = math.absf %broadcast_in_dim3A_1387 : vector<1x512xf32>
    %jit3A_1398 = arith.constant -1.000000e+00 : f32
    %jit3A_1399 = arith.constant 0.99999988 : f32
    %max3A_1400 = vector.broadcast %jit3A_1398 : f32 to vector<1x512xf32>
    %max3A_1401 = arith.maximumf %max3A_1400, %abs3A_1397 : vector<1x512xf32>
    %min3A_1402 = vector.broadcast %jit3A_1399 : f32 to vector<1x512xf32>
    %min3A_1403 = arith.minimumf %min3A_1402, %max3A_1401 : vector<1x512xf32>
    %mul3A_1404 = arith.mulf %min3A_1403, %min3A_1403 : vector<1x512xf32>
    %sub3A_1405 = arith.constant 1.000000e+00 : f32
    %sub3A_1406 = vector.broadcast %sub3A_1405 : f32 to vector<1x512xf32>
    %sub3A_1407 = arith.subf %sub3A_1406, %mul3A_1404 : vector<1x512xf32>
    %max3A_1408 = arith.constant 0.000000e+00 : f32
    %max3A_1409 = vector.broadcast %max3A_1408 : f32 to vector<1x512xf32>
    %max3A_1410 = arith.maximumf %sub3A_1407, %max3A_1409 : vector<1x512xf32>
    %sqrt3A_1411 = math.sqrt %max3A_1410 : vector<1x512xf32>
    %atan23A_1412 = math.atan2 %sqrt3A_1411, %min3A_1403 : vector<1x512xf32>
    %mul3A_1413 = arith.mulf %min3A_1403, %min3A_1403 : vector<1x512xf32>
    %sub3A_1414 = arith.constant 1.000000e+00 : f32
    %sub3A_1415 = vector.broadcast %sub3A_1414 : f32 to vector<1x512xf32>
    %sub3A_1416 = arith.subf %sub3A_1415, %mul3A_1413 : vector<1x512xf32>
    %max3A_1417 = arith.constant 0.000000e+00 : f32
    %max3A_1418 = vector.broadcast %max3A_1417 : f32 to vector<1x512xf32>
    %max3A_1419 = arith.maximumf %sub3A_1416, %max3A_1418 : vector<1x512xf32>
    %sqrt3A_1420 = math.sqrt %max3A_1419 : vector<1x512xf32>
    %abs3A_1421 = math.absf %sqrt3A_1420 : vector<1x512xf32>
    %ge3A_1422 = arith.constant 1.000000e-03 : f32
    %ge3A_1423 = vector.broadcast %ge3A_1422 : f32 to vector<1x512xf32>
    %ge3A_1424 = arith.cmpf oge, %abs3A_1421, %ge3A_1423 : vector<1x512xf32>
    %jit3A_1425 = arith.constant 1.000000e+00 : f32
    %broadcast_in_dim3A_1426 = vector.broadcast %jit3A_1425 : f32 to vector<1x512xf32>
    %select_n3A_1427 = arith.select %ge3A_1424, %sqrt3A_1420, %broadcast_in_dim3A_1426 : vector<1x512xi1>, vector<1x512xf32>
    %sub3A_1428 = arith.constant 1.000000e+00 : f32
    %sub3A_1429 = vector.broadcast %sub3A_1428 : f32 to vector<1x512xf32>
    %sub3A_1430 = arith.subf %sub3A_1429, %transpose3A : vector<1x512xf32>
    %mul3A_1431 = arith.mulf %sub3A_1430, %atan23A_1412 : vector<1x512xf32>
    %sin3A_1432 = math.sin %mul3A_1431 : vector<1x512xf32>
    %div3A_1433 = arith.divf %sin3A_1432, %select_n3A_1427 : vector<1x512xf32>
    %mul3A_1434 = arith.mulf %transpose3A, %atan23A_1412 : vector<1x512xf32>
    %sin3A_1435 = math.sin %mul3A_1434 : vector<1x512xf32>
    %div3A_1436 = arith.divf %sin3A_1435, %select_n3A_1427 : vector<1x512xf32>
    %mul3A_1437 = vector.broadcast %div3A_1433 : vector<1x512xf32> to vector<4x512xf32>
    %mul3A_1438 = arith.mulf %mul3A_1437, %slice3A_1382 : vector<4x512xf32>
    %mul3A_1439 = vector.broadcast %div3A_1436 : vector<1x512xf32> to vector<4x512xf32>
    %mul3A_1440 = arith.mulf %mul3A_1439, %select_n3A_1396 : vector<4x512xf32>
    %add3A_1441 = arith.addf %mul3A_1438, %mul3A_1440 : vector<4x512xf32>
    %mul3A_1442 = arith.constant 5.000000e-01 : f32
    %mul3A_1443 = vector.broadcast %mul3A_1442 : f32 to vector<4x512xf32>
    %mul3A_1444 = arith.mulf %mul3A_1443, %slice3A_1382 : vector<4x512xf32>
    %mul3A_1445 = arith.constant 5.000000e-01 : f32
    %mul3A_1446 = vector.broadcast %mul3A_1445 : f32 to vector<4x512xf32>
    %mul3A_1447 = arith.mulf %mul3A_1446, %select_n3A_1396 : vector<4x512xf32>
    %add3A_1448 = arith.addf %mul3A_1444, %mul3A_1447 : vector<4x512xf32>
    %broadcast_in_dim3A_1449 = vector.shape_cast %ge3A_1424 : vector<1x512xi1> to vector<1x512xi1>
    %broadcast_in_dim3A_1450 = vector.broadcast %broadcast_in_dim3A_1449 : vector<1x512xi1> to vector<4x512xi1>
    %select_n3A_1451 = arith.select %broadcast_in_dim3A_1450, %add3A_1441, %add3A_1448 : vector<4x512xi1>, vector<4x512xf32>
    %ge3A_1452 = arith.constant 1.000000e+00 : f32
    %ge3A_1453 = vector.broadcast %ge3A_1452 : f32 to vector<1x512xf32>
    %ge3A_1454 = arith.cmpf oge, %abs3A_1397, %ge3A_1453 : vector<1x512xf32>
    %broadcast_in_dim3A_1455 = vector.shape_cast %ge3A_1454 : vector<1x512xi1> to vector<1x512xi1>
    %broadcast_in_dim3A_1456 = vector.broadcast %broadcast_in_dim3A_1455 : vector<1x512xi1> to vector<4x512xi1>
    %select_n3A_1457 = arith.select %broadcast_in_dim3A_1456, %slice3A_1382, %select_n3A_1451 : vector<4x512xi1>, vector<4x512xf32>
    %slice3A_1458 = vector.extract_strided_slice %select_n3A_1457 {offsets = [0, 0], sizes = [1, 512], strides = [1, 1]} : vector<4x512xf32> to vector<1x512xf32>
    %mul3A_1459 = arith.mulf %slice3A_1458, %slice3A_1458 : vector<1x512xf32>
    %sub3A_1460 = arith.constant 1.000000e+00 : f32
    %sub3A_1461 = vector.broadcast %sub3A_1460 : f32 to vector<1x512xf32>
    %sub3A_1462 = arith.subf %sub3A_1461, %mul3A_1459 : vector<1x512xf32>
    %max3A_1463 = arith.constant 0.000000e+00 : f32
    %max3A_1464 = vector.broadcast %max3A_1463 : f32 to vector<1x512xf32>
    %max3A_1465 = arith.maximumf %sub3A_1462, %max3A_1464 : vector<1x512xf32>
    %sqrt3A_1466 = math.sqrt %max3A_1465 : vector<1x512xf32>
    %jit3A_1467 = arith.constant -1.000000e+00 : f32
    %jit3A_1468 = arith.constant 1.000000e+00 : f32
    %max3A_1469 = vector.broadcast %jit3A_1467 : f32 to vector<1x512xf32>
    %max3A_1470 = arith.maximumf %max3A_1469, %slice3A_1458 : vector<1x512xf32>
    %min3A_1471 = vector.broadcast %jit3A_1468 : f32 to vector<1x512xf32>
    %min3A_1472 = arith.minimumf %min3A_1471, %max3A_1470 : vector<1x512xf32>
    %mul3A_1473 = arith.mulf %min3A_1472, %min3A_1472 : vector<1x512xf32>
    %sub3A_1474 = arith.constant 1.000000e+00 : f32
    %sub3A_1475 = vector.broadcast %sub3A_1474 : f32 to vector<1x512xf32>
    %sub3A_1476 = arith.subf %sub3A_1475, %mul3A_1473 : vector<1x512xf32>
    %max3A_1477 = arith.constant 0.000000e+00 : f32
    %max3A_1478 = vector.broadcast %max3A_1477 : f32 to vector<1x512xf32>
    %max3A_1479 = arith.maximumf %sub3A_1476, %max3A_1478 : vector<1x512xf32>
    %sqrt3A_1480 = math.sqrt %max3A_1479 : vector<1x512xf32>
    %atan23A_1481 = math.atan2 %sqrt3A_1480, %min3A_1472 : vector<1x512xf32>
    %mul3A_1482 = arith.constant 2.000000e+00 : f32
    %mul3A_1483 = vector.broadcast %mul3A_1482 : f32 to vector<1x512xf32>
    %mul3A_1484 = arith.mulf %mul3A_1483, %atan23A_1481 : vector<1x512xf32>
    %sin3A_1485 = math.sin %mul3A_1484 : vector<1x512xf32>
    %cos3A_1486 = math.cos %mul3A_1484 : vector<1x512xf32>
    %atan23A_1487 = math.atan2 %sin3A_1485, %cos3A_1486 : vector<1x512xf32>
    %slice3A_1488 = vector.extract_strided_slice %select_n3A_1457 {offsets = [1, 0], sizes = [3, 512], strides = [1, 1]} : vector<4x512xf32> to vector<3x512xf32>
    %max3A_1489 = arith.constant 9.99999974E-6 : f32
    %max3A_1490 = vector.broadcast %max3A_1489 : f32 to vector<1x512xf32>
    %max3A_1491 = arith.maximumf %sqrt3A_1466, %max3A_1490 : vector<1x512xf32>
    %div3A_1492 = vector.broadcast %max3A_1491 : vector<1x512xf32> to vector<3x512xf32>
    %div3A_1493 = arith.divf %slice3A_1488, %div3A_1492 : vector<3x512xf32>
    %gt3A_1494 = arith.constant 9.99999974E-6 : f32
    %gt3A_1495 = vector.broadcast %gt3A_1494 : f32 to vector<1x512xf32>
    %gt3A_1496 = arith.cmpf ogt, %sqrt3A_1466, %gt3A_1495 : vector<1x512xf32>
    %broadcast_in_dim3A_1497 = arith.constant 0.000000e+00 : f32
    %broadcast_in_dim3A_1498 = vector.broadcast %broadcast_in_dim3A_1497 : f32 to vector<2x512xf32>
    %broadcast_in_dim3A_1499 = arith.constant 1.000000e+00 : f32
    %broadcast_in_dim3A_1500 = vector.broadcast %broadcast_in_dim3A_1499 : f32 to vector<1x512xf32>
    %concatenate3A_1501 = tpu.concatenate %broadcast_in_dim3A_1498, %broadcast_in_dim3A_1500 in 0 : vector<2x512xf32>, vector<1x512xf32> -> vector<3x512xf32>
    %broadcast_in_dim3A_1502 = arith.constant 0.000000e+00 : f32
    %broadcast_in_dim3A_1503 = vector.broadcast %broadcast_in_dim3A_1502 : f32 to vector<1x512xf32>
    %select_n3A_1504 = arith.select %gt3A_1496, %atan23A_1487, %broadcast_in_dim3A_1503 : vector<1x512xi1>, vector<1x512xf32>
    %broadcast_in_dim3A_1505 = vector.shape_cast %gt3A_1496 : vector<1x512xi1> to vector<1x512xi1>
    %broadcast_in_dim3A_1506 = vector.broadcast %broadcast_in_dim3A_1505 : vector<1x512xi1> to vector<3x512xi1>
    %select_n3A_1507 = arith.select %broadcast_in_dim3A_1506, %div3A_1493, %concatenate3A_1501 : vector<3x512xi1>, vector<3x512xf32>
    %slice3A_1508 = vector.extract_strided_slice %select_n3A_1507 {offsets = [1, 0], sizes = [1, 512], strides = [1, 1]} : vector<3x512xf32> to vector<1x512xf32>
    %mul3A_1509 = arith.mulf %select_n3A_1504, %slice3A_1508 : vector<1x512xf32>
    %sin3A_1510 = math.sin %mul3A_1509 : vector<1x512xf32>
    %cos3A_1511 = math.cos %mul3A_1509 : vector<1x512xf32>
    %atan23A_1512 = math.atan2 %sin3A_1510, %cos3A_1511 : vector<1x512xf32>
    %slice3A_1513 = vector.extract_strided_slice %transpose3A_5 {offsets = [59, 0], sizes = [4, 512], strides = [1, 1]} : vector<72x512xf32> to vector<4x512xf32>
    %slice3A_1514 = vector.extract_strided_slice %transpose3A_9 {offsets = [59, 0], sizes = [4, 512], strides = [1, 1]} : vector<72x512xf32> to vector<4x512xf32>
    %mul3A_1515 = arith.mulf %slice3A_1513, %slice3A_1514 : vector<4x512xf32>
    %reduce_sum3A_1516 = arith.constant dense<0.000000e+00> : vector<512xf32>
    %reduce_sum3A_1517 = vector.multi_reduction <add>, %mul3A_1515, %reduce_sum3A_1516 [0] : vector<4x512xf32> to vector<512xf32>
    %broadcast_in_dim3A_1518 = vector.shape_cast %reduce_sum3A_1517 : vector<512xf32> to vector<1x512xf32>
    %lt3A_1519 = arith.constant 0.000000e+00 : f32
    %lt3A_1520 = vector.broadcast %lt3A_1519 : f32 to vector<1x512xf32>
    %lt3A_1521 = arith.cmpf olt, %broadcast_in_dim3A_1518, %lt3A_1520 : vector<1x512xf32>
    %neg3A_1522 = arith.constant 0.000000e+00 : f32
    %neg3A_1523 = vector.broadcast %neg3A_1522 : f32 to vector<4x512xf32>
    %neg3A_1524 = arith.subf %neg3A_1523, %slice3A_1514 : vector<4x512xf32>
    %broadcast_in_dim3A_1525 = vector.shape_cast %lt3A_1521 : vector<1x512xi1> to vector<1x512xi1>
    %broadcast_in_dim3A_1526 = vector.broadcast %broadcast_in_dim3A_1525 : vector<1x512xi1> to vector<4x512xi1>
    %select_n3A_1527 = arith.select %broadcast_in_dim3A_1526, %neg3A_1524, %slice3A_1514 : vector<4x512xi1>, vector<4x512xf32>
    %abs3A_1528 = math.absf %broadcast_in_dim3A_1518 : vector<1x512xf32>
    %jit3A_1529 = arith.constant -1.000000e+00 : f32
    %jit3A_1530 = arith.constant 0.99999988 : f32
    %max3A_1531 = vector.broadcast %jit3A_1529 : f32 to vector<1x512xf32>
    %max3A_1532 = arith.maximumf %max3A_1531, %abs3A_1528 : vector<1x512xf32>
    %min3A_1533 = vector.broadcast %jit3A_1530 : f32 to vector<1x512xf32>
    %min3A_1534 = arith.minimumf %min3A_1533, %max3A_1532 : vector<1x512xf32>
    %mul3A_1535 = arith.mulf %min3A_1534, %min3A_1534 : vector<1x512xf32>
    %sub3A_1536 = arith.constant 1.000000e+00 : f32
    %sub3A_1537 = vector.broadcast %sub3A_1536 : f32 to vector<1x512xf32>
    %sub3A_1538 = arith.subf %sub3A_1537, %mul3A_1535 : vector<1x512xf32>
    %max3A_1539 = arith.constant 0.000000e+00 : f32
    %max3A_1540 = vector.broadcast %max3A_1539 : f32 to vector<1x512xf32>
    %max3A_1541 = arith.maximumf %sub3A_1538, %max3A_1540 : vector<1x512xf32>
    %sqrt3A_1542 = math.sqrt %max3A_1541 : vector<1x512xf32>
    %atan23A_1543 = math.atan2 %sqrt3A_1542, %min3A_1534 : vector<1x512xf32>
    %mul3A_1544 = arith.mulf %min3A_1534, %min3A_1534 : vector<1x512xf32>
    %sub3A_1545 = arith.constant 1.000000e+00 : f32
    %sub3A_1546 = vector.broadcast %sub3A_1545 : f32 to vector<1x512xf32>
    %sub3A_1547 = arith.subf %sub3A_1546, %mul3A_1544 : vector<1x512xf32>
    %max3A_1548 = arith.constant 0.000000e+00 : f32
    %max3A_1549 = vector.broadcast %max3A_1548 : f32 to vector<1x512xf32>
    %max3A_1550 = arith.maximumf %sub3A_1547, %max3A_1549 : vector<1x512xf32>
    %sqrt3A_1551 = math.sqrt %max3A_1550 : vector<1x512xf32>
    %abs3A_1552 = math.absf %sqrt3A_1551 : vector<1x512xf32>
    %ge3A_1553 = arith.constant 1.000000e-03 : f32
    %ge3A_1554 = vector.broadcast %ge3A_1553 : f32 to vector<1x512xf32>
    %ge3A_1555 = arith.cmpf oge, %abs3A_1552, %ge3A_1554 : vector<1x512xf32>
    %jit3A_1556 = arith.constant 1.000000e+00 : f32
    %broadcast_in_dim3A_1557 = vector.broadcast %jit3A_1556 : f32 to vector<1x512xf32>
    %select_n3A_1558 = arith.select %ge3A_1555, %sqrt3A_1551, %broadcast_in_dim3A_1557 : vector<1x512xi1>, vector<1x512xf32>
    %sub3A_1559 = arith.constant 1.000000e+00 : f32
    %sub3A_1560 = vector.broadcast %sub3A_1559 : f32 to vector<1x512xf32>
    %sub3A_1561 = arith.subf %sub3A_1560, %transpose3A : vector<1x512xf32>
    %mul3A_1562 = arith.mulf %sub3A_1561, %atan23A_1543 : vector<1x512xf32>
    %sin3A_1563 = math.sin %mul3A_1562 : vector<1x512xf32>
    %div3A_1564 = arith.divf %sin3A_1563, %select_n3A_1558 : vector<1x512xf32>
    %mul3A_1565 = arith.mulf %transpose3A, %atan23A_1543 : vector<1x512xf32>
    %sin3A_1566 = math.sin %mul3A_1565 : vector<1x512xf32>
    %div3A_1567 = arith.divf %sin3A_1566, %select_n3A_1558 : vector<1x512xf32>
    %mul3A_1568 = vector.broadcast %div3A_1564 : vector<1x512xf32> to vector<4x512xf32>
    %mul3A_1569 = arith.mulf %mul3A_1568, %slice3A_1513 : vector<4x512xf32>
    %mul3A_1570 = vector.broadcast %div3A_1567 : vector<1x512xf32> to vector<4x512xf32>
    %mul3A_1571 = arith.mulf %mul3A_1570, %select_n3A_1527 : vector<4x512xf32>
    %add3A_1572 = arith.addf %mul3A_1569, %mul3A_1571 : vector<4x512xf32>
    %mul3A_1573 = arith.constant 5.000000e-01 : f32
    %mul3A_1574 = vector.broadcast %mul3A_1573 : f32 to vector<4x512xf32>
    %mul3A_1575 = arith.mulf %mul3A_1574, %slice3A_1513 : vector<4x512xf32>
    %mul3A_1576 = arith.constant 5.000000e-01 : f32
    %mul3A_1577 = vector.broadcast %mul3A_1576 : f32 to vector<4x512xf32>
    %mul3A_1578 = arith.mulf %mul3A_1577, %select_n3A_1527 : vector<4x512xf32>
    %add3A_1579 = arith.addf %mul3A_1575, %mul3A_1578 : vector<4x512xf32>
    %broadcast_in_dim3A_1580 = vector.shape_cast %ge3A_1555 : vector<1x512xi1> to vector<1x512xi1>
    %broadcast_in_dim3A_1581 = vector.broadcast %broadcast_in_dim3A_1580 : vector<1x512xi1> to vector<4x512xi1>
    %select_n3A_1582 = arith.select %broadcast_in_dim3A_1581, %add3A_1572, %add3A_1579 : vector<4x512xi1>, vector<4x512xf32>
    %ge3A_1583 = arith.constant 1.000000e+00 : f32
    %ge3A_1584 = vector.broadcast %ge3A_1583 : f32 to vector<1x512xf32>
    %ge3A_1585 = arith.cmpf oge, %abs3A_1528, %ge3A_1584 : vector<1x512xf32>
    %broadcast_in_dim3A_1586 = vector.shape_cast %ge3A_1585 : vector<1x512xi1> to vector<1x512xi1>
    %broadcast_in_dim3A_1587 = vector.broadcast %broadcast_in_dim3A_1586 : vector<1x512xi1> to vector<4x512xi1>
    %select_n3A_1588 = arith.select %broadcast_in_dim3A_1587, %slice3A_1513, %select_n3A_1582 : vector<4x512xi1>, vector<4x512xf32>
    %slice3A_1589 = vector.extract_strided_slice %select_n3A_1588 {offsets = [0, 0], sizes = [1, 512], strides = [1, 1]} : vector<4x512xf32> to vector<1x512xf32>
    %mul3A_1590 = arith.mulf %slice3A_1589, %slice3A_1589 : vector<1x512xf32>
    %sub3A_1591 = arith.constant 1.000000e+00 : f32
    %sub3A_1592 = vector.broadcast %sub3A_1591 : f32 to vector<1x512xf32>
    %sub3A_1593 = arith.subf %sub3A_1592, %mul3A_1590 : vector<1x512xf32>
    %max3A_1594 = arith.constant 0.000000e+00 : f32
    %max3A_1595 = vector.broadcast %max3A_1594 : f32 to vector<1x512xf32>
    %max3A_1596 = arith.maximumf %sub3A_1593, %max3A_1595 : vector<1x512xf32>
    %sqrt3A_1597 = math.sqrt %max3A_1596 : vector<1x512xf32>
    %jit3A_1598 = arith.constant -1.000000e+00 : f32
    %jit3A_1599 = arith.constant 1.000000e+00 : f32
    %max3A_1600 = vector.broadcast %jit3A_1598 : f32 to vector<1x512xf32>
    %max3A_1601 = arith.maximumf %max3A_1600, %slice3A_1589 : vector<1x512xf32>
    %min3A_1602 = vector.broadcast %jit3A_1599 : f32 to vector<1x512xf32>
    %min3A_1603 = arith.minimumf %min3A_1602, %max3A_1601 : vector<1x512xf32>
    %mul3A_1604 = arith.mulf %min3A_1603, %min3A_1603 : vector<1x512xf32>
    %sub3A_1605 = arith.constant 1.000000e+00 : f32
    %sub3A_1606 = vector.broadcast %sub3A_1605 : f32 to vector<1x512xf32>
    %sub3A_1607 = arith.subf %sub3A_1606, %mul3A_1604 : vector<1x512xf32>
    %max3A_1608 = arith.constant 0.000000e+00 : f32
    %max3A_1609 = vector.broadcast %max3A_1608 : f32 to vector<1x512xf32>
    %max3A_1610 = arith.maximumf %sub3A_1607, %max3A_1609 : vector<1x512xf32>
    %sqrt3A_1611 = math.sqrt %max3A_1610 : vector<1x512xf32>
    %atan23A_1612 = math.atan2 %sqrt3A_1611, %min3A_1603 : vector<1x512xf32>
    %mul3A_1613 = arith.constant 2.000000e+00 : f32
    %mul3A_1614 = vector.broadcast %mul3A_1613 : f32 to vector<1x512xf32>
    %mul3A_1615 = arith.mulf %mul3A_1614, %atan23A_1612 : vector<1x512xf32>
    %sin3A_1616 = math.sin %mul3A_1615 : vector<1x512xf32>
    %cos3A_1617 = math.cos %mul3A_1615 : vector<1x512xf32>
    %atan23A_1618 = math.atan2 %sin3A_1616, %cos3A_1617 : vector<1x512xf32>
    %slice3A_1619 = vector.extract_strided_slice %select_n3A_1588 {offsets = [1, 0], sizes = [3, 512], strides = [1, 1]} : vector<4x512xf32> to vector<3x512xf32>
    %max3A_1620 = arith.constant 9.99999974E-6 : f32
    %max3A_1621 = vector.broadcast %max3A_1620 : f32 to vector<1x512xf32>
    %max3A_1622 = arith.maximumf %sqrt3A_1597, %max3A_1621 : vector<1x512xf32>
    %div3A_1623 = vector.broadcast %max3A_1622 : vector<1x512xf32> to vector<3x512xf32>
    %div3A_1624 = arith.divf %slice3A_1619, %div3A_1623 : vector<3x512xf32>
    %gt3A_1625 = arith.constant 9.99999974E-6 : f32
    %gt3A_1626 = vector.broadcast %gt3A_1625 : f32 to vector<1x512xf32>
    %gt3A_1627 = arith.cmpf ogt, %sqrt3A_1597, %gt3A_1626 : vector<1x512xf32>
    %broadcast_in_dim3A_1628 = arith.constant 0.000000e+00 : f32
    %broadcast_in_dim3A_1629 = vector.broadcast %broadcast_in_dim3A_1628 : f32 to vector<2x512xf32>
    %broadcast_in_dim3A_1630 = arith.constant 1.000000e+00 : f32
    %broadcast_in_dim3A_1631 = vector.broadcast %broadcast_in_dim3A_1630 : f32 to vector<1x512xf32>
    %concatenate3A_1632 = tpu.concatenate %broadcast_in_dim3A_1629, %broadcast_in_dim3A_1631 in 0 : vector<2x512xf32>, vector<1x512xf32> -> vector<3x512xf32>
    %broadcast_in_dim3A_1633 = arith.constant 0.000000e+00 : f32
    %broadcast_in_dim3A_1634 = vector.broadcast %broadcast_in_dim3A_1633 : f32 to vector<1x512xf32>
    %select_n3A_1635 = arith.select %gt3A_1627, %atan23A_1618, %broadcast_in_dim3A_1634 : vector<1x512xi1>, vector<1x512xf32>
    %broadcast_in_dim3A_1636 = vector.shape_cast %gt3A_1627 : vector<1x512xi1> to vector<1x512xi1>
    %broadcast_in_dim3A_1637 = vector.broadcast %broadcast_in_dim3A_1636 : vector<1x512xi1> to vector<3x512xi1>
    %select_n3A_1638 = arith.select %broadcast_in_dim3A_1637, %div3A_1624, %concatenate3A_1632 : vector<3x512xi1>, vector<3x512xf32>
    %mul3A_1639 = vector.broadcast %select_n3A_1635 : vector<1x512xf32> to vector<3x512xf32>
    %mul3A_1640 = arith.mulf %mul3A_1639, %select_n3A_1638 : vector<3x512xf32>
    %concatenate3A_1641 = tpu.concatenate %mul3A_220, %mul3A_348, %mul3A_476, %atan23A_607, %mul3A_735, %atan23A_866, %mul3A_994, %atan23A_1125, %mul3A_1253, %mul3A_1381, %atan23A_1512, %mul3A_1640 in 0 : vector<3x512xf32>, vector<3x512xf32>, vector<3x512xf32>, vector<1x512xf32>, vector<3x512xf32>, vector<1x512xf32>, vector<3x512xf32>, vector<1x512xf32>, vector<3x512xf32>, vector<3x512xf32>, vector<1x512xf32>, vector<3x512xf32> -> vector<28x512xf32>
    %transpose3A_1642 = tpu.transpose %concatenate3A_1641, [1, 0] : vector<28x512xf32> -> vector<512x28xf32>
    %swap3A_1643 = arith.constant 0 : index
    %swap3A_1644 = arith.constant 0 : index
    %swap3A_1645 = vector.load %arg6[%swap3A_1643, %swap3A_1644] : memref<512x28xf32, #tpu.memory_space<vmem>>, vector<512x28xf32>
    tpu.vector_store %arg6[%swap3A_1643, %swap3A_1644], %transpose3A_1642 {strides = array<i32>} : memref<512x28xf32, #tpu.memory_space<vmem>>, vector<512x28xf32>,
    return
  }
  func.func @transform_0(%arg0: i32) -> (i32, i32) {
    %c0_i32 = arith.constant 0 : i32
    %c0_i32_0 = arith.constant 0 : i32
    return %arg0, %c0_i32 : i32, i32
  }
  func.func @transform_1(%arg0: i32) -> (i32, i32) {
    %c0_i32 = arith.constant 0 : i32
    %c0_i32_0 = arith.constant 0 : i32
    return %arg0, %c0_i32 : i32, i32
  }
  func.func @transform_2(%arg0: i32) -> (i32, i32) {
    %c0_i32 = arith.constant 0 : i32
    %c0_i32_0 = arith.constant 0 : i32
    return %arg0, %c0_i32 : i32, i32
  }
  func.func @transform_3(%arg0: i32) -> (i32, i32) {
    %c0_i32 = arith.constant 0 : i32
    %c0_i32_0 = arith.constant 0 : i32
    return %arg0, %c0_i32 : i32, i32
  }
  func.func @transform_4(%arg0: i32) -> (i32, i32) {
    %c0_i32 = arith.constant 0 : i32
    %c0_i32_0 = arith.constant 0 : i32
    return %arg0, %c0_i32 : i32, i32
  }
  func.func @transform_5(%arg0: i32) -> (i32, i32) {
    %c0_i32 = arith.constant 0 : i32
    %c0_i32_0 = arith.constant 0 : i32
    return %arg0, %c0_i32 : i32, i32
  }
  func.func @transform_6(%arg0: i32) -> (i32, i32) {
    %c0_i32 = arith.constant 0 : i32
    %c0_i32_0 = arith.constant 0 : i32
    return %arg0, %c0_i32 : i32, i32
  }
}

</mosaic_0001>

<sc_bundles>
// kernel: gather_offload_async_start.1
scs
__scs_entry_jumppad:
0x0: {  	(pc) =	sbr.rel $0x88, $3  }
0x1: {  	(tag) =	ssettag $0x0;
	lr =	simm.s32 $0x1  }
0x2: {  	[smem:$0x3F95] =	sst lr;
	_ =	strace $0xD0000000  }
0x3: {  	_ = 	snop  }
0x4: {  	_ = 	snop  }
0x5: {  	_ = 	snop  }
0x6: {  	_ = 	snop  }
0x7: {  	_ = 	snop  }
__scs_overlays_trampoline_lowered:
0x8: {  	[smem:$0x3FA4] =	sst s0  }
0x9: {  	[smem:$0x3FA5] =	sst s1  }
0xa: {  	[smem:$0x3FA6] =	sst s2  }
0xb: {  	[smem:$0x3FA7] =	sst s3  }
0xc: {  	[smem:$0x3FA8] =	sst s4  }
0xd: {  	[smem:$0x3FA9] =	sst s5  }
0xe: {  	[smem:$0x3FAA] =	sst s6  }
0xf: {  	[smem:$0x3FAB] =	sst s7  }
0x10: {  	[smem:$0x3FAC] =	sst s8  }
0x11: {  	[smem:$0x3FAD] =	sst s9;
	s0 =	simm.s32 @!p0 $0x0  }
0x12: {  	s1 =	sld [smem:$0x3F93];
	s0 =	simm.s32 @p0 $0x1  }
0x13: {  	[smem:$0x3FAE] =	sst s0;
	s0 =	simm.s32 @!p1 $0x0  }
0x14: {  	s2 =	sld [smem:$0x3F92];
	s0 =	simm.s32 @p1 $0x1  }
0x15: {  	[smem:$0x3FAF] =	sst s0;
	s0 =	simm.s32 @!p2 $0x0  }
0x16: {  	s3 =	sld [smem:$0x3FDB];
	s0 =	simm.s32 @p2 $0x1  }
0x17: {  	s4 =	simm.s32 $0x1BF5;
	[smem:$0x3FB1] =	sst s0  }
0x18: {  	s0 =	sld [smem:$0x3F94];
	_ =	swait.ge [sflag:s4], $0x0  }
0x19: {  	s7 =	sld [smem:$0x3F95]  }
0x1a: {  	s8 =	sadd.s32 $0xFFFFE003, lr  }
0x1b: {  	s9 =	sadd.s32 $0xFFFFFEF7, lr;
	s5 =	simm.s32 $0xFFFFFFFF;
	p2 =	slt.u32 s8, $0xFFFFF086  }
0x1c: {  	p1 =	slt.u32 s9, $0xF7A;
	s5 =	simm.s32 @!p2 $0x0  }
0x1d: {  	s5 =	simm.s32 @p1 $0x1;
	p0 =	seq.s32 s7, s2  }
0x1e: {  	s7 =	smul.u32 @!p0 $0xF7A, s2;
	p2 =	seq.s32 @!p0 s5, $0x0  }
0x1f: {  	s9 =	smul.u32 $0xF7A, s1;
	s8 =	simm.s32 @!p0 $0x1BF5;
	p2 =	por !p2, p0  }
0x20: {  	[sflag:s8] =	ssyncset.s32 @!p0 $0xFFFFF086;
	s6 =	sadd.s32 @!p0 s3, s7;
	s7 =	simm.s32 @!p0 $0x108  }
0x21: {  	s3 =	sadd.s32 s3, s9;
	s6 =	sadd.s32 @!p0 $0x88, s6;
	s7 =	simm.s32 @p2 $0x1082  }
0x22: {  	[simem:s7], [sflag:s8] =	dma.local @!p0 [hbm:s6], $0xF7A  }
0x23: {  	s9 =	sor.u32 $0xD0000000, s2;
	s6 =	simm.s32 $0x108;
	_ =	swait.ge @!p0 [sflag:s8], $0x0  }
0x24: {  	s3 =	sadd.s32 $0x88, s3;
	s6 =	simm.s32 @!p1 $0x1082;
	[sflag:s4] =	ssyncset.s32 $0xFFFFF086  }
0x25: {  	[simem:s6], [sflag:s4] =	dma.local [hbm:s3], $0xF7A  }
0x26: {  	[smem:$0x3F95] =	sst s1;
	(tag) =	ssettag s2;
	_ =	strace s9  }
0x27: {  	s1 =	sld [smem:$0x3FA5]  }
0x28: {  	s2 =	sld [smem:$0x3FA6]  }
0x29: {  	s4 =	sld [smem:$0x3FA8]  }
0x2a: {  	p0 =	seq.s32 s5, $0x0;
	s5 =	sld [smem:$0x3FA9]  }
0x2b: {  	s6 =	sld [smem:$0x3FAA]  }
0x2c: {  	s7 =	sld [smem:$0x3FAB]  }
0x2d: {  	s3 =	simm.s32 $0x108;
	s8 =	sld [smem:$0x3FAC]  }
0x2e: {  	s3 =	simm.s32 @!p0 $0x1082;
	s9 =	sld [smem:$0x3FAD]  }
0x2f: {  	lr =	sadd.s32 s0, s3;
	s0 =	sld [smem:$0x3FA4]  }
0x30: {  	s3 =	sld [smem:$0x3FA7]  }
0x31: {  	[smem:$0x3FB0] =	sst s10  }
0x32: {  	s10 =	sld [smem:$0x3FAE];
	_ =	sdelay $0x3  }
0x33: {  	p0 =	seq.s32 s10, $0x1;
	s10 =	sld [smem:$0x3FB0];
	_ =	sdelay $0x3  }
0x34: {  	[smem:$0x3FB0] =	sst s10  }
0x35: {  	s10 =	sld [smem:$0x3FAF];
	_ =	sdelay $0x3  }
0x36: {  	p1 =	seq.s32 s10, $0x1;
	s10 =	sld [smem:$0x3FB0];
	_ =	sdelay $0x3  }
0x37: {  	[smem:$0x3FB0] =	sst s10  }
0x38: {  	s10 =	sld [smem:$0x3FB1]  }
0x39: {  	_ = 	snop;
	(pc) =	sbr.ind lr, $3  }
0x3a: {  	_ = 	snop  }
0x3b: {  	_ = 	snop  }
0x3c: {  	p2 =	seq.s32 s10, $0x1;
	s10 =	sld [smem:$0x3FB0]  }
0x3d: {  	_ =	shalt  }
0x3e: {  	_ =	shalt  }
0x3f: {  	_ =	shalt  }
0x40: {  	_ =	shalt  }
0x41: {  	_ =	shalt  }
0x42: {  	_ =	shalt  }
0x43: {  	_ =	shalt  }
0x44: {  	_ =	shalt  }
0x45: {  	_ =	shalt  }
0x46: {  	_ =	shalt  }
0x47: {  	_ =	shalt  }
0x48: {  	_ =	shalt  }
0x49: {  	_ =	shalt  }
0x4a: {  	_ =	shalt  }
0x4b: {  	_ =	shalt  }
0x4c: {  	_ =	shalt  }
0x4d: {  	_ =	shalt  }
0x4e: {  	_ =	shalt  }
0x4f: {  	_ =	shalt  }
0x50: {  	_ =	shalt  }
0x51: {  	_ =	shalt  }
0x52: {  	_ =	shalt  }
0x53: {  	_ =	shalt  }
0x54: {  	_ =	shalt  }
0x55: {  	_ =	shalt  }
0x56: {  	_ =	shalt  }
0x57: {  	_ =	shalt  }
0x58: {  	_ =	shalt  }
0x59: {  	_ =	shalt  }
0x5a: {  	_ =	shalt  }
0x5b: {  	_ =	shalt  }
0x5c: {  	_ =	shalt  }
0x5d: {  	_ =	shalt  }
0x5e: {  	_ =	shalt  }
0x5f: {  	_ =	shalt  }
0x60: {  	_ =	shalt  }
0x61: {  	_ =	shalt  }
0x62: {  	_ =	shalt  }
0x63: {  	_ =	shalt  }
0x64: {  	_ =	shalt  }
0x65: {  	_ =	shalt  }
0x66: {  	_ =	shalt  }
0x67: {  	_ =	shalt  }
0x68: {  	_ =	shalt  }
0x69: {  	_ =	shalt  }
0x6a: {  	_ =	shalt  }
0x6b: {  	_ =	shalt  }
0x6c: {  	_ =	shalt  }
0x6d: {  	_ =	shalt  }
0x6e: {  	_ =	shalt  }
0x6f: {  	_ =	shalt  }
0x70: {  	_ =	shalt  }
0x71: {  	_ =	shalt  }
0x72: {  	_ =	shalt  }
0x73: {  	_ =	shalt  }
0x74: {  	_ =	shalt  }
0x75: {  	_ =	shalt  }
0x76: {  	_ =	shalt  }
0x77: {  	_ =	shalt  }
0x78: {  	_ =	shalt  }
0x79: {  	_ =	shalt  }
0x7a: {  	_ =	shalt  }
0x7b: {  	_ =	shalt  }
0x7c: {  	_ =	shalt  }
0x7d: {  	_ =	shalt  }
0x7e: {  	_ =	shalt  }
0x7f: {  	_ =	shalt  }
0x80: {  	_ =	shalt  }
0x81: {  	_ =	shalt  }
0x82: {  	_ =	shalt  }
0x83: {  	_ =	shalt  }
0x84: {  	_ =	shalt  }
0x85: {  	_ =	shalt  }
0x86: {  	_ =	shalt  }
0x87: {  	_ =	shalt  }
.Lfunc_end0:
.L_simem_size_0:
called_computation.1_lowered:
.L_overlay_start_0:
0x88: {  	s2 =	sld [smem:$0x3FD9]  }
0x89: {  	s3 =	sld [smem:$0x3FFE];
	_ =	sdelay $0x1  }
0x8a: {  	s1 =	srdreg.scid  }
0x8b: {  	s0 =	sand.u32 $0x1, s1  }
0x8c: {  	s15 =	sshll.u32 s0, $0xA;
	s2 =	sadd.s32 s3, s2  }
0x8d: {  	s2 =	sadd.s32 s2, s15  }
0x8e: {  	[smem:$0x3FBC] =	sst s2  }
0x8f: {  	_ = 	snop  }
0x90: {  	s2 =	sld [smem:$0x3FD0];
	_ =	sdelay $0x2  }
0x91: {  	s16 =	simm.s32 $0xD;
	s4 =	simm.s32 $0x10  }
0x92: {  	[smem:s4], [sflag:s16] =	dma.local [hbm:s2], $0x1  }
0x93: {  	_ =	swait.eq [sflag:s16], $0x1  }
0x94: {  	[sflag:s16] =	ssyncset.done $0x0  }
0x95: {  	[sflag:s16] =	ssyncadd.s32 $0xFFFFFFFF  }
0x96: {  	s17 =	sld [smem:$0x10];
	(tm) =	ssettm $0x1  }
0x97: {  	s18 =	sld [smem:$0x3FFB];
	_ =	sdelay $0x3  }
0x98: {  	_ =	strace s18  }
0x99: {  	s2 =	sld [smem:$0x3FFC];
	_ =	sdelay $0x3  }
0x9a: {  	_ =	strace s2  }
0x9b: {  	s2 =	sld [smem:$0x3FFD];
	_ =	sdelay $0x3  }
0x9c: {  	_ =	strace s2  }
0x9d: {  	_ =	strace $0x8FFFFFFF  }
0x9e: {  	s19 =	sld [smem:$0x3FDB];
	_ =	sdelay $0x1  }
0x9f: {  	s20 =	simm.s32 $_scs_section_size  }
0xa0: {  	s5 =	simm.s32 $_size__tile_overlayer_lowered;
	s6 =	simm.s32 $_tile_overlayer_lowered  }
0xa1: {  	s7 =	simm.s32 $0x1BFF;
	s21 =	sshll.u32 s6, $0x1;
	s4 =	sadd.s32 s20, s19  }
0xa2: {  	s22 =	simm.s32 $0x0;
	s5 =	sshll.u32 s5, $0x1;
	s6 =	sadd.s32 s21, s4  }
0xa3: {  	[timem:s22], [sflag:s7] =	dma.local [hbm:s6], s5  }
0xa4: {  	_ =	swait.ge [sflag:s7], s5  }
0xa5: {  	s5 =	ssub.s32 $0x0, s5;
	[sflag:s7] =	ssyncset.done $0x0  }
0xa6: {  	[sflag:s7] =	ssyncadd.s32 s5;
	_ =	sdelay $0x1  }
0xa7: {  	s23 =	simm.s32 $0x1B8B  }
0xa8: {  	_ =	swait.ge [sflag:s23], $0x1  }
0xa9: {  	[sflag:s23] =	ssyncset.done $0x0  }
0xaa: {  	[sflag:s23] =	ssyncadd.s32 $0xFFFFFFFF  }
0xab: {  	s5 =	sld [smem:$0x0]  }
0xac: {  	s6 =	sand.u32 $0xFFFFFFFE, s1  }
0xad: {  	p0 =	sne.s32 s1, s6  }
0xae: {  	s6 =	sshll.u32 @p0 s6, $0xE  }
0xaf: {  	s6 =	sadd.s32 @p0 $0x11B8D, s6;
	s7 =	sshll.u32 @p0 s5, $0x11  }
0xb0: {  	s6 =	sor.u32 @p0 s7, s6  }
0xb1: {  	[sflag:s6] =	ssyncadd.remote.s32 @p0 $0x1;
	_ =	sdelay $0x1  }
0xb2: {  	s6 =	simm.s32 @p0 $0x1B8D  }
0xb3: {  	_ =	swait.eq @p0 [sflag:s6], $0x1  }
0xb4: {  	[sflag:s6] =	ssyncadd.s32 @p0 $0xFFFFFFFF  }
0xb5: {  	s7 =	sshll.u32 @!p0 s1, $0xE  }
0xb6: {  	s7 =	sor.u32 @!p0 $0x4000, s7;
	s6 =	simm.s32 @!p0 $0x1B8D  }
0xb7: {  	s5 =	sshll.u32 @!p0 s5, $0x11;
	s7 =	sadd.s32 @!p0 $0x11B8D, s7;
	_ =	swait.eq @!p0 [sflag:s6], $0x1  }
0xb8: {  	s5 =	sor.u32 @!p0 s5, s7;
	[sflag:s6] =	ssyncadd.s32 @!p0 $0xFFFFFFFF  }
0xb9: {  	s25 =	simm.s32 $0x1B8E;
	s24 =	sld [smem:$0x3FFE];
	[sflag:s5] =	ssyncadd.remote.s32 @!p0 $0x1  }
0xba: {  	s26 =	simm.s32 $execute0_lowered;
	[smem:$0x3FD2] =	sst s25  }
0xbb: {  	s6 =	sshll.u32 s26, $0x1;
	_ =	strace $0x80000049;
	[dreg:$0x1] =	wrdreg $0xFFFFFFFF  }
0xbc: {  	s28 =	simm.s32 $_size_execute0_lowered;
	s4 =	sadd.s32 s4, s6;
	[dreg:$0x0] =	wrdreg $0x0  }
0xbd: {  	s6 =	sshll.u32 s28, $0x1;
	[dreg:$0x2] =	wrdreg s4  }
0xbe: {  	[dreg:$0x3] =	wrdreg s6  }
0xbf: {  	[dreg:$0x4] =	wrdreg $0xC0  }
0xc0: {  	_ =	task [dreg:s22], $0x5FFFF  }
0xc1: {  	[dreg:$0x1] =	wrdreg $0xFFFFFFFF  }
0xc2: {  	[dreg:$0x0] =	wrdreg $0x60  }
0xc3: {  	[dreg:$0x2] =	wrdreg s24  }
0xc4: {  	[dreg:$0x3] =	wrdreg s17  }
0xc5: {  	[dreg:$0x4] =	wrdreg $0xA  }
0xc6: {  	_ =	task.clear_ibuf [dreg:s22], $0x5FFFF;
	_ =	strace $0x90000049  }
0xc7: {  	s29 =	simm.s32 $0xA;
	_ =	strace $0x8000004B  }
0xc8: {  	_ =	swait.ge [sflag:s29], $0x1  }
0xc9: {  	[sflag:s29] =	ssyncadd.s32 $0xFFFFFFFF  }
0xca: {  	_ =	strace $0x9000004B  }
0xcb: {  	_ =	sfence  }
0xcc: {  	s30 =	sld [smem:$0x0];
	_ =	sdelay $0x2  }
0xcd: {  	s31 =	sshll.u32 s1, $0xD;
	s1 =	sshrl.u32 s1, $0x2  }
0xce: {  	s4 =	sand.u32 $0x4000, s31;
	s1 =	sadd.s32 s1, s30  }
0xcf: {  	s0 =	sor.u32 s4, s0;
	s1 =	sshll.u32 s1, $0x11  }
0xd0: {  	s0 =	sor.u32 s1, s0  }
0xd1: {  	s0 =	sadd.s32 $0x8F2B, s0  }
0xd2: {  	[sflag:s0] =	ssyncadd.remote.s32 $0x1  }
0xd3: {  	_ =	sfence.sel $0xFFFF  }
0xd4: {  	[dreg:$0x0] =	wrdreg $0xFFFFFFFF;
	(pc) =	sbr.abs _section_cstart, $3  }
0xd5: {  	[dreg:$0x1] =	wrdreg $0xFFFFFFFF  }
0xd6: {  	_ =	task.clear_ibuf [dreg:s22], $0x2FFFF;
	_ =	strace $0x9FFFFFFF  }
0xd7: {  	(tm) =	ssettm $0x7FFFFFFF  }
tec
execute0_lowered:
.L_overlay_start_1:
0x0: {  	(tag) =	ssettag $0x1  }
0x1: {  	s7 =	rddreg [dreg:$0x0]  }
0x2: {  	s2 =	rddreg [dreg:$0x1]  }
0x3: {  	s0 =	rddreg [dreg:$0x2]  }
0x4: {  	s1 =	srdreg.scid;
	_ =	strace $0x8000004A;
	s4 =	simm.s32 $0x1  }
0x5: {  	s9 =	simm.s32 $0x3;
	s11 =	simm.s32 $0x0;
	s5 =	sshll.u32 s1, $0x4  }
.Ltmp0:
0x6: {  	s1 =	stileid.u32;
	s5 =	sand.u32 $0x10, s5;
	(pc) =	sbr.rel .LBB2_1-.Ltmp0, $4  }
0x7: {  	p0 =	por $0x0, $0x0;
	s3 =	sadd.s32 $0x245400, s7;
	s6 =	sor.u32 s1, s5  }
0x8: {  	[sflag:s4] =	ssyncpa.u1 $0x0;
	s5 =	simm.s32 $0x2;
	s6 =	sshll.u32 s6, $0x9  }
0x9: {  	s7 =	sadd.s32 $0x445400, s7;
	[sflag:s5] =	ssyncpa.u1 $0x0;
	s8 =	sadd.s32 $0x200, s6  }
0xa: {  	vm0 =	vmmov $0xff;
	vm1 =	vcmask $0x3F20;
	[sflag:s9] =	ssyncpa.u1 $0x0;
	s10 =	smov.u32 s6;
	s9 =	simm.s32 $0x0  }
.LBB2_7:
0xb: {  	p1 =	slt.u32 s9, $0x2;
	s11 =	sadd.s32 $0x100, s10  }
0xc: {  	s13 =	smov.u32 s6;
	s9 =	sadd.s32 $0x1, s9;
	p2 =	slt.s32 s11, s8  }
0xd: {  	s13 =	smov.u32 @p2 s11;
	p2 =	sne.s32 s9, $0x4  }
.Ltmp1:
0xe: {  	_ = 	snop;
	(pc) =	sbr.rel @!p2 .LBB2_8-.Ltmp1, $4  }
0xf: {  	s12 =	simm.s32 @!p1 $0x3  }
0x10: {  	_ =	swait.ge @!p1 [sflag:s12], $0x8000  }
0x11: {  	p0 =	por !p0, !p0;
	[sflag:s12] =	ssyncset.done @!p1 $0x0  }
0x12: {  	s11 =	smov.u32 s10;
	s10 =	smov.u32 s13;
	[sflag:s12] =	ssyncadd.s32 @!p1 $0xFFFF8000  }
.LBB2_1:
0x13: {  	p1 =	sgt.u32 s9, $0x1  }
0x14: {  	s12 =	sshll.u32 @!p1 s9, $0x8;
	s13 =	sshrl.u32 @!p1 s10, $0x3  }
0x15: {  	s14 =	sand.u32 @!p1 $0x7, s10;
	s12 =	sxor.u32 @!p1 $0x100, s12;
	s13 =	sadd.s32 @!p1 s2, s13  }
0x16: {  	[tilespmem:s12], [sflag:$0x2] =	stream.linear.gather @!p1 [hbm4b:s13+s14], $0x100, $0x38;
	[tilespmem:$0x10200] =	vst v63  }
0x17: {  	p1 =	seq.s32 s9, $0x0  }
0x18: {  	p2 =	seq.s32 @!p1 s9, $0x3  }
0x19: {  	p1 =	por p1, p2  }
.Ltmp2:
0x1a: {  	_ = 	snop;
	(pc) =	sbr.rel @p1 .LBB2_7-.Ltmp2, $1  }
0x1b: {  	_ =	sdelay $0x3  }
0x1c: {  	s12 =	simm.s32 $0x1  }
0x1d: {  	_ =	swait.ge [sflag:s5], $0x100;
	s12 =	simm.s32 @!p0 $0x0  }
0x1e: {  	[sflag:s5] =	ssyncset.done $0x0;
	s14 =	sshll.u32 s12, $0x8  }
0x1f: {  	[sflag:s5] =	ssyncadd.s32 $0xFFFFFF00;
	s13 =	sadd.s32 $0x0, s14  }
0x20: {  	v0 =	vld.msk [tilespmem:s13+$0x0 ss:$0x1], $0xffff;
	_ =	sdelay $0x4  }
0x21: {  	vm2 =	vgt.s32 v0, $0x0  }
0x22: {  	v0 =	vnsel vm2, $0x0, v0  }
0x23: {  	v0 =	vmin.u32 v0, $0x1FFFF  }
0x24: {  	v0 =	vshll.u32 v0, $0x4;
	_ =	sdelay $0x2  }
0x25: {  	s12 =	sshll.u32 s12, $0xF  }
0x26: {  	s12 =	sor.u32 $0x200, s12  }
0x27: {  	[tilespmem:s12], [sflag:$0x1] =	stream.indirect_vreg.gather [hbm:s3], $0x80, v0, vm0, $0x38;
	[tilespmem:$0x10200] =	vst v63  }
0x28: {  	s15 =	sadd.s32 $0x10, s14;
	s13 =	sadd.s32 $0x400, s12  }
0x29: {  	[tilespmem:s13], [sflag:$0x1] =	stream.indirect_vreg.gather [hbm:s3], $0x80, v0, vm1, $0x38;
	[tilespmem:$0x10200] =	vst v63  }
0x2a: {  	s16 =	simm.s32 $0x80;
	v0 =	vld.msk [tilespmem:s15+$0x0 ss:$0x1], $0xffff;
	s15 =	smov.u32 s12  }
.LBB2_3:
0x2b: {  	p1 =	sne.s32 s16, $0x3C0;
	_ =	sdelay $0x4  }
0x2c: {  	vm2 =	vgt.s32 v0, $0x0  }
0x2d: {  	v0 =	vnsel vm2, $0x0, v0  }
0x2e: {  	v0 =	vmin.u32 v0, $0x1FFFF  }
0x2f: {  	v0 =	vshll.u32 v0, $0x4;
	_ =	sdelay $0x3  }
.Ltmp3:
0x30: {  	s17 =	sshra.s32 s16, $0x2;
	s15 =	sadd.s32 $0x800, s15;
	(pc) =	sbr.rel @p1 .LBB2_3-.Ltmp3, $4  }
0x31: {  	[tilespmem:s15], [sflag:$0x1] =	stream.indirect_vreg.gather [hbm:s3], $0x80, v0, vm0, $0x38;
	[tilespmem:$0x10200] =	vst v63  }
0x32: {  	s17 =	sadd.s32 s17, s14;
	s18 =	sadd.s32 $0x400, s15  }
0x33: {  	[tilespmem:s18], [sflag:$0x1] =	stream.indirect_vreg.gather [hbm:s3], $0x80, v0, vm1, $0x38;
	[tilespmem:$0x10200] =	vst v63  }
0x34: {  	s16 =	sadd.s32 $0x40, s16;
	v0 =	vld.msk [tilespmem:s17+$0x0 ss:$0x1], $0xffff  }
0x35: {  	_ =	sdelay $0x3  }
0x36: {  	vm2 =	vgt.s32 v0, $0x0  }
0x37: {  	v0 =	vnsel vm2, $0x0, v0  }
0x38: {  	v0 =	vmin.u32 v0, $0x1FFFF  }
0x39: {  	v0 =	vshll.u32 v0, $0x4;
	_ =	sdelay $0x3  }
0x3a: {  	s14 =	sadd.s32 $0x800, s15  }
0x3b: {  	[tilespmem:s14], [sflag:$0x1] =	stream.indirect_vreg.gather [hbm:s3], $0x80, v0, vm0, $0x38;
	[tilespmem:$0x10200] =	vst v63  }
0x3c: {  	s14 =	sadd.s32 $0x400, s14  }
0x3d: {  	[tilespmem:s14], [sflag:$0x1] =	stream.indirect_vreg.gather [hbm:s3], $0x80, v0, vm1, $0x38;
	[tilespmem:$0x10200] =	vst v63  }
0x3e: {  	s11 =	sshll.u32 s11, $0x4;
	_ =	swait.ge [sflag:s4], $0x8000  }
0x3f: {  	s11 =	sadd.s32 s11, s7;
	[sflag:s4] =	ssyncset.done $0x0  }
0x40: {  	s15 =	sadd.s32 $0x0, s11;
	s14 =	simm.s32 $0x80;
	[sflag:s4] =	ssyncadd.s32 $0xFFFF8000  }
.LBB2_5:
0x41: {  	[hbm:s15] =	stream.linear.scatter [tilespmem:s12], [sflag:$0x3], $0x400, $0x38;
	[tilespmem:$0x10200] =	vst v63  }
0x42: {  	s15 =	smov.u32 s14;
	s12 =	smov.u32 s13;
	p1 =	sne.s32 s14, $0xF80  }
.Ltmp4:
0x43: {  	s14 =	sadd.s32 $0x80, s14;
	(pc) =	sbr.rel @p1 .LBB2_5-.Ltmp4, $2  }
0x44: {  	_ =	sdelay $0x2  }
0x45: {  	s13 =	sadd.s32 $0x400, s13;
	s15 =	sadd.s32 s15, s11  }
.Ltmp5:
0x46: {  	(pc) =	sbr.rel .LBB2_7-.Ltmp5, $2  }
0x47: {  	_ =	sdelay $0x2  }
0x48: {  	[hbm:s15] =	stream.linear.scatter [tilespmem:s12], [sflag:$0x3], $0x400, $0x38;
	[tilespmem:$0x10200] =	vst v63  }
.LBB2_8:
0x49: {  	_ =	sfence.sel $0x180000  }
0x4a: {  	s2 =	simm.s32 $0x2;
	[bflag:$0x0] =	sbarrier.arrive $0xFFFF  }
0x4b: {  	s30 =	simm.s32 $0x3;
	[sflag:s2] =	ssyncpa.u1 $0x1  }
0x4c: {  	s31 =	simm.s32 $0x1;
	[sflag:s30] =	ssyncpa.u1 $0x1  }
0x4d: {  	[sflag:s31] =	ssyncpa.u1 $0x1  }
0x4e: {  	p0 =	sne.s32 s1, $0x0;
	_ =	strace $0x9000004A  }
0x4f: {  	s0 =	sadd.s32 @!p0 $0x100000, s0;
	[bflag:$0x2] =	sbarrier.arrive $0xFFFF  }
0x50: {  	[sflag:s0] =	ssyncadd.tile.s32 @!p0 $0x1;
	_ =	shalt  }
.Lfunc_end2:
_tile_overlayer_lowered:
.L_overlay_start_2:
0x51: {  	(tag) =	ssettag $0x2  }
0x52: {  	s0 =	rddreg [dreg:$0x0];
	s2 =	stileid.u32  }
0x53: {  	s1 =	rddreg [dreg:$0x1];
	p0 =	sne.s32 s2, $0x0  }
0x54: {  	s3 =	rddreg [dreg:$0x2];
	[bflag:$0x3] =	sbarrier.arrive $0xFFFF;
	s2 =	simm.s32 @!p0 $0x1C01  }
0x55: {  	[timem:s3], [sflag:s2] =	dma.local @!p0 [hbm:s0], s1  }
0x56: {  	s0 =	simm.s32 @!p0 $0x1  }
0x57: {  	_ =	swait.ge @!p0 [sflag:s0], s1  }
0x58: {  	s1 =	ssub.s32 @!p0 $0x0, s1;
	[sflag:s0] =	ssyncset.done @!p0 $0x0  }
0x59: {  	[sflag:s0] =	ssyncadd.s32 @!p0 s1  }
0x5a: {  	[bflag:$0x3] =	sbarrier.arrive $0xFFFF  }
0x5b: {  	_ =	shalt  }

// kernel: gather_offload_async_start.2
scs
__scs_entry_jumppad:
0x0: {  	(pc) =	sbr.rel $0x88, $3  }
0x1: {  	(tag) =	ssettag $0x0;
	lr =	simm.s32 $0x1  }
0x2: {  	[smem:$0x3F95] =	sst lr;
	_ =	strace $0xD0000000  }
0x3: {  	_ = 	snop  }
0x4: {  	_ = 	snop  }
0x5: {  	_ = 	snop  }
0x6: {  	_ = 	snop  }
0x7: {  	_ = 	snop  }
__scs_overlays_trampoline_lowered:
0x8: {  	[smem:$0x3FA4] =	sst s0  }
0x9: {  	[smem:$0x3FA5] =	sst s1  }
0xa: {  	[smem:$0x3FA6] =	sst s2  }
0xb: {  	[smem:$0x3FA7] =	sst s3  }
0xc: {  	[smem:$0x3FA8] =	sst s4  }
0xd: {  	[smem:$0x3FA9] =	sst s5  }
0xe: {  	[smem:$0x3FAA] =	sst s6  }
0xf: {  	[smem:$0x3FAB] =	sst s7  }
0x10: {  	[smem:$0x3FAC] =	sst s8  }
0x11: {  	[smem:$0x3FAD] =	sst s9;
	s0 =	simm.s32 @!p0 $0x0  }
0x12: {  	s1 =	sld [smem:$0x3F93];
	s0 =	simm.s32 @p0 $0x1  }
0x13: {  	[smem:$0x3FAE] =	sst s0;
	s0 =	simm.s32 @!p1 $0x0  }
0x14: {  	s2 =	sld [smem:$0x3F92];
	s0 =	simm.s32 @p1 $0x1  }
0x15: {  	[smem:$0x3FAF] =	sst s0;
	s0 =	simm.s32 @!p2 $0x0  }
0x16: {  	s3 =	sld [smem:$0x3FDB];
	s0 =	simm.s32 @p2 $0x1  }
0x17: {  	s4 =	simm.s32 $0x1BF5;
	[smem:$0x3FB1] =	sst s0  }
0x18: {  	s0 =	sld [smem:$0x3F94];
	_ =	swait.ge [sflag:s4], $0x0  }
0x19: {  	s7 =	sld [smem:$0x3F95]  }
0x1a: {  	s8 =	sadd.s32 $0xFFFFE003, lr  }
0x1b: {  	s9 =	sadd.s32 $0xFFFFFEF7, lr;
	s5 =	simm.s32 $0xFFFFFFFF;
	p2 =	slt.u32 s8, $0xFFFFF086  }
0x1c: {  	p1 =	slt.u32 s9, $0xF7A;
	s5 =	simm.s32 @!p2 $0x0  }
0x1d: {  	s5 =	simm.s32 @p1 $0x1;
	p0 =	seq.s32 s7, s2  }
0x1e: {  	s7 =	smul.u32 @!p0 $0xF7A, s2;
	p2 =	seq.s32 @!p0 s5, $0x0  }
0x1f: {  	s9 =	smul.u32 $0xF7A, s1;
	s8 =	simm.s32 @!p0 $0x1BF5;
	p2 =	por !p2, p0  }
0x20: {  	[sflag:s8] =	ssyncset.s32 @!p0 $0xFFFFF086;
	s6 =	sadd.s32 @!p0 s3, s7;
	s7 =	simm.s32 @!p0 $0x108  }
0x21: {  	s3 =	sadd.s32 s3, s9;
	s6 =	sadd.s32 @!p0 $0x88, s6;
	s7 =	simm.s32 @p2 $0x1082  }
0x22: {  	[simem:s7], [sflag:s8] =	dma.local @!p0 [hbm:s6], $0xF7A  }
0x23: {  	s9 =	sor.u32 $0xD0000000, s2;
	s6 =	simm.s32 $0x108;
	_ =	swait.ge @!p0 [sflag:s8], $0x0  }
0x24: {  	s3 =	sadd.s32 $0x88, s3;
	s6 =	simm.s32 @!p1 $0x1082;
	[sflag:s4] =	ssyncset.s32 $0xFFFFF086  }
0x25: {  	[simem:s6], [sflag:s4] =	dma.local [hbm:s3], $0xF7A  }
0x26: {  	[smem:$0x3F95] =	sst s1;
	(tag) =	ssettag s2;
	_ =	strace s9  }
0x27: {  	s1 =	sld [smem:$0x3FA5]  }
0x28: {  	s2 =	sld [smem:$0x3FA6]  }
0x29: {  	s4 =	sld [smem:$0x3FA8]  }
0x2a: {  	p0 =	seq.s32 s5, $0x0;
	s5 =	sld [smem:$0x3FA9]  }
0x2b: {  	s6 =	sld [smem:$0x3FAA]  }
0x2c: {  	s7 =	sld [smem:$0x3FAB]  }
0x2d: {  	s3 =	simm.s32 $0x108;
	s8 =	sld [smem:$0x3FAC]  }
0x2e: {  	s3 =	simm.s32 @!p0 $0x1082;
	s9 =	sld [smem:$0x3FAD]  }
0x2f: {  	lr =	sadd.s32 s0, s3;
	s0 =	sld [smem:$0x3FA4]  }
0x30: {  	s3 =	sld [smem:$0x3FA7]  }
0x31: {  	[smem:$0x3FB0] =	sst s10  }
0x32: {  	s10 =	sld [smem:$0x3FAE];
	_ =	sdelay $0x3  }
0x33: {  	p0 =	seq.s32 s10, $0x1;
	s10 =	sld [smem:$0x3FB0];
	_ =	sdelay $0x3  }
0x34: {  	[smem:$0x3FB0] =	sst s10  }
0x35: {  	s10 =	sld [smem:$0x3FAF];
	_ =	sdelay $0x3  }
0x36: {  	p1 =	seq.s32 s10, $0x1;
	s10 =	sld [smem:$0x3FB0];
	_ =	sdelay $0x3  }
0x37: {  	[smem:$0x3FB0] =	sst s10  }
0x38: {  	s10 =	sld [smem:$0x3FB1]  }
0x39: {  	_ = 	snop;
	(pc) =	sbr.ind lr, $3  }
0x3a: {  	_ = 	snop  }
0x3b: {  	_ = 	snop  }
0x3c: {  	p2 =	seq.s32 s10, $0x1;
	s10 =	sld [smem:$0x3FB0]  }
0x3d: {  	_ =	shalt  }
0x3e: {  	_ =	shalt  }
0x3f: {  	_ =	shalt  }
0x40: {  	_ =	shalt  }
0x41: {  	_ =	shalt  }
0x42: {  	_ =	shalt  }
0x43: {  	_ =	shalt  }
0x44: {  	_ =	shalt  }
0x45: {  	_ =	shalt  }
0x46: {  	_ =	shalt  }
0x47: {  	_ =	shalt  }
0x48: {  	_ =	shalt  }
0x49: {  	_ =	shalt  }
0x4a: {  	_ =	shalt  }
0x4b: {  	_ =	shalt  }
0x4c: {  	_ =	shalt  }
0x4d: {  	_ =	shalt  }
0x4e: {  	_ =	shalt  }
0x4f: {  	_ =	shalt  }
0x50: {  	_ =	shalt  }
0x51: {  	_ =	shalt  }
0x52: {  	_ =	shalt  }
0x53: {  	_ =	shalt  }
0x54: {  	_ =	shalt  }
0x55: {  	_ =	shalt  }
0x56: {  	_ =	shalt  }
0x57: {  	_ =	shalt  }
0x58: {  	_ =	shalt  }
0x59: {  	_ =	shalt  }
0x5a: {  	_ =	shalt  }
0x5b: {  	_ =	shalt  }
0x5c: {  	_ =	shalt  }
0x5d: {  	_ =	shalt  }
0x5e: {  	_ =	shalt  }
0x5f: {  	_ =	shalt  }
0x60: {  	_ =	shalt  }
0x61: {  	_ =	shalt  }
0x62: {  	_ =	shalt  }
0x63: {  	_ =	shalt  }
0x64: {  	_ =	shalt  }
0x65: {  	_ =	shalt  }
0x66: {  	_ =	shalt  }
0x67: {  	_ =	shalt  }
0x68: {  	_ =	shalt  }
0x69: {  	_ =	shalt  }
0x6a: {  	_ =	shalt  }
0x6b: {  	_ =	shalt  }
0x6c: {  	_ =	shalt  }
0x6d: {  	_ =	shalt  }
0x6e: {  	_ =	shalt  }
0x6f: {  	_ =	shalt  }
0x70: {  	_ =	shalt  }
0x71: {  	_ =	shalt  }
0x72: {  	_ =	shalt  }
0x73: {  	_ =	shalt  }
0x74: {  	_ =	shalt  }
0x75: {  	_ =	shalt  }
0x76: {  	_ =	shalt  }
0x77: {  	_ =	shalt  }
0x78: {  	_ =	shalt  }
0x79: {  	_ =	shalt  }
0x7a: {  	_ =	shalt  }
0x7b: {  	_ =	shalt  }
0x7c: {  	_ =	shalt  }
0x7d: {  	_ =	shalt  }
0x7e: {  	_ =	shalt  }
0x7f: {  	_ =	shalt  }
0x80: {  	_ =	shalt  }
0x81: {  	_ =	shalt  }
0x82: {  	_ =	shalt  }
0x83: {  	_ =	shalt  }
0x84: {  	_ =	shalt  }
0x85: {  	_ =	shalt  }
0x86: {  	_ =	shalt  }
0x87: {  	_ =	shalt  }
.Lfunc_end0:
.L_simem_size_0:
called_computation.2_lowered:
.L_overlay_start_0:
0x88: {  	s2 =	sld [smem:$0x3FD9]  }
0x89: {  	s3 =	sld [smem:$0x3FFE];
	_ =	sdelay $0x1  }
0x8a: {  	s1 =	srdreg.scid  }
0x8b: {  	s0 =	sand.u32 $0x1, s1  }
0x8c: {  	s15 =	sshll.u32 s0, $0xA;
	s2 =	sadd.s32 s3, s2  }
0x8d: {  	s2 =	sadd.s32 s2, s15  }
0x8e: {  	[smem:$0x3FBC] =	sst s2  }
0x8f: {  	_ = 	snop  }
0x90: {  	s2 =	sld [smem:$0x3FD0];
	_ =	sdelay $0x2  }
0x91: {  	s16 =	simm.s32 $0xD;
	s4 =	simm.s32 $0x10  }
0x92: {  	[smem:s4], [sflag:s16] =	dma.local [hbm:s2], $0x1  }
0x93: {  	_ =	swait.eq [sflag:s16], $0x1  }
0x94: {  	[sflag:s16] =	ssyncset.done $0x0  }
0x95: {  	[sflag:s16] =	ssyncadd.s32 $0xFFFFFFFF  }
0x96: {  	s17 =	sld [smem:$0x10];
	(tm) =	ssettm $0x1  }
0x97: {  	s18 =	sld [smem:$0x3FFB];
	_ =	sdelay $0x3  }
0x98: {  	_ =	strace s18  }
0x99: {  	s2 =	sld [smem:$0x3FFC];
	_ =	sdelay $0x3  }
0x9a: {  	_ =	strace s2  }
0x9b: {  	s2 =	sld [smem:$0x3FFD];
	_ =	sdelay $0x3  }
0x9c: {  	_ =	strace s2  }
0x9d: {  	_ =	strace $0x8FFFFFFF  }
0x9e: {  	s19 =	sld [smem:$0x3FDB];
	_ =	sdelay $0x1  }
0x9f: {  	s20 =	simm.s32 $_scs_section_size  }
0xa0: {  	s5 =	simm.s32 $_size__tile_overlayer_lowered;
	s6 =	simm.s32 $_tile_overlayer_lowered  }
0xa1: {  	s7 =	simm.s32 $0x1BFF;
	s21 =	sshll.u32 s6, $0x1;
	s4 =	sadd.s32 s20, s19  }
0xa2: {  	s22 =	simm.s32 $0x0;
	s5 =	sshll.u32 s5, $0x1;
	s6 =	sadd.s32 s21, s4  }
0xa3: {  	[timem:s22], [sflag:s7] =	dma.local [hbm:s6], s5  }
0xa4: {  	_ =	swait.ge [sflag:s7], s5  }
0xa5: {  	s5 =	ssub.s32 $0x0, s5;
	[sflag:s7] =	ssyncset.done $0x0  }
0xa6: {  	[sflag:s7] =	ssyncadd.s32 s5;
	_ =	sdelay $0x1  }
0xa7: {  	s23 =	simm.s32 $0x1B8B  }
0xa8: {  	_ =	swait.ge [sflag:s23], $0x1  }
0xa9: {  	[sflag:s23] =	ssyncset.done $0x0  }
0xaa: {  	[sflag:s23] =	ssyncadd.s32 $0xFFFFFFFF  }
0xab: {  	s5 =	sld [smem:$0x0]  }
0xac: {  	s6 =	sand.u32 $0xFFFFFFFE, s1  }
0xad: {  	p0 =	sne.s32 s1, s6  }
0xae: {  	s6 =	sshll.u32 @p0 s6, $0xE  }
0xaf: {  	s6 =	sadd.s32 @p0 $0x11B8D, s6;
	s7 =	sshll.u32 @p0 s5, $0x11  }
0xb0: {  	s6 =	sor.u32 @p0 s7, s6  }
0xb1: {  	[sflag:s6] =	ssyncadd.remote.s32 @p0 $0x1;
	_ =	sdelay $0x1  }
0xb2: {  	s6 =	simm.s32 @p0 $0x1B8D  }
0xb3: {  	_ =	swait.eq @p0 [sflag:s6], $0x1  }
0xb4: {  	[sflag:s6] =	ssyncadd.s32 @p0 $0xFFFFFFFF  }
0xb5: {  	s7 =	sshll.u32 @!p0 s1, $0xE  }
0xb6: {  	s7 =	sor.u32 @!p0 $0x4000, s7;
	s6 =	simm.s32 @!p0 $0x1B8D  }
0xb7: {  	s5 =	sshll.u32 @!p0 s5, $0x11;
	s7 =	sadd.s32 @!p0 $0x11B8D, s7;
	_ =	swait.eq @!p0 [sflag:s6], $0x1  }
0xb8: {  	s5 =	sor.u32 @!p0 s5, s7;
	[sflag:s6] =	ssyncadd.s32 @!p0 $0xFFFFFFFF  }
0xb9: {  	s25 =	simm.s32 $0x1B8E;
	s24 =	sld [smem:$0x3FFE];
	[sflag:s5] =	ssyncadd.remote.s32 @!p0 $0x1  }
0xba: {  	s26 =	simm.s32 $execute0_lowered;
	[smem:$0x3FD2] =	sst s25  }
0xbb: {  	s6 =	sshll.u32 s26, $0x1;
	_ =	strace $0x8000004C;
	[dreg:$0x1] =	wrdreg $0xFFFFFFFF  }
0xbc: {  	s28 =	simm.s32 $_size_execute0_lowered;
	s4 =	sadd.s32 s4, s6;
	[dreg:$0x0] =	wrdreg $0x0  }
0xbd: {  	s6 =	sshll.u32 s28, $0x1;
	[dreg:$0x2] =	wrdreg s4  }
0xbe: {  	[dreg:$0x3] =	wrdreg s6  }
0xbf: {  	[dreg:$0x4] =	wrdreg $0xC0  }
0xc0: {  	_ =	task [dreg:s22], $0x5FFFF  }
0xc1: {  	[dreg:$0x1] =	wrdreg $0xFFFFFFFF  }
0xc2: {  	[dreg:$0x0] =	wrdreg $0x60  }
0xc3: {  	[dreg:$0x2] =	wrdreg s24  }
0xc4: {  	[dreg:$0x3] =	wrdreg s17  }
0xc5: {  	[dreg:$0x4] =	wrdreg $0xB  }
0xc6: {  	_ =	task.clear_ibuf [dreg:s22], $0x5FFFF;
	_ =	strace $0x9000004C  }
0xc7: {  	s29 =	simm.s32 $0xB;
	_ =	strace $0x8000004E  }
0xc8: {  	_ =	swait.ge [sflag:s29], $0x1  }
0xc9: {  	[sflag:s29] =	ssyncadd.s32 $0xFFFFFFFF  }
0xca: {  	_ =	strace $0x9000004E  }
0xcb: {  	_ =	sfence  }
0xcc: {  	s30 =	sld [smem:$0x0];
	_ =	sdelay $0x2  }
0xcd: {  	s31 =	sshll.u32 s1, $0xD;
	s1 =	sshrl.u32 s1, $0x2  }
0xce: {  	s4 =	sand.u32 $0x4000, s31;
	s1 =	sadd.s32 s1, s30  }
0xcf: {  	s0 =	sor.u32 s4, s0;
	s1 =	sshll.u32 s1, $0x11  }
0xd0: {  	s0 =	sor.u32 s1, s0  }
0xd1: {  	s0 =	sadd.s32 $0x8F2B, s0  }
0xd2: {  	[sflag:s0] =	ssyncadd.remote.s32 $0x1  }
0xd3: {  	_ =	sfence.sel $0xFFFF  }
0xd4: {  	[dreg:$0x0] =	wrdreg $0xFFFFFFFF;
	(pc) =	sbr.abs _section_cstart, $3  }
0xd5: {  	[dreg:$0x1] =	wrdreg $0xFFFFFFFF  }
0xd6: {  	_ =	task.clear_ibuf [dreg:s22], $0x2FFFF;
	_ =	strace $0x9FFFFFFF  }
0xd7: {  	(tm) =	ssettm $0x7FFFFFFF  }
tec
execute0_lowered:
.L_overlay_start_1:
0x0: {  	(tag) =	ssettag $0x1  }
0x1: {  	s7 =	rddreg [dreg:$0x0]  }
0x2: {  	s2 =	rddreg [dreg:$0x1]  }
0x3: {  	s0 =	rddreg [dreg:$0x2]  }
0x4: {  	s1 =	srdreg.scid;
	_ =	strace $0x8000004D;
	s4 =	simm.s32 $0x1  }
0x5: {  	s9 =	simm.s32 $0x3;
	s11 =	simm.s32 $0x0;
	s5 =	sshll.u32 s1, $0x4  }
.Ltmp0:
0x6: {  	s1 =	stileid.u32;
	s5 =	sand.u32 $0x10, s5;
	(pc) =	sbr.rel .LBB2_1-.Ltmp0, $4  }
0x7: {  	p0 =	por $0x0, $0x0;
	s3 =	sadd.s32 $0x485400, s7;
	s6 =	sor.u32 s1, s5  }
0x8: {  	[sflag:s4] =	ssyncpa.u1 $0x0;
	s5 =	simm.s32 $0x2;
	s6 =	sshll.u32 s6, $0x9  }
0x9: {  	s7 =	sadd.s32 $0x685400, s7;
	[sflag:s5] =	ssyncpa.u1 $0x0;
	s8 =	sadd.s32 $0x200, s6  }
0xa: {  	vm0 =	vmmov $0xff;
	vm1 =	vcmask $0x3F20;
	[sflag:s9] =	ssyncpa.u1 $0x0;
	s10 =	smov.u32 s6;
	s9 =	simm.s32 $0x0  }
.LBB2_7:
0xb: {  	p1 =	slt.u32 s9, $0x2;
	s11 =	sadd.s32 $0x100, s10  }
0xc: {  	s13 =	smov.u32 s6;
	s9 =	sadd.s32 $0x1, s9;
	p2 =	slt.s32 s11, s8  }
0xd: {  	s13 =	smov.u32 @p2 s11;
	p2 =	sne.s32 s9, $0x4  }
.Ltmp1:
0xe: {  	_ = 	snop;
	(pc) =	sbr.rel @!p2 .LBB2_8-.Ltmp1, $4  }
0xf: {  	s12 =	simm.s32 @!p1 $0x3  }
0x10: {  	_ =	swait.ge @!p1 [sflag:s12], $0x8000  }
0x11: {  	p0 =	por !p0, !p0;
	[sflag:s12] =	ssyncset.done @!p1 $0x0  }
0x12: {  	s11 =	smov.u32 s10;
	s10 =	smov.u32 s13;
	[sflag:s12] =	ssyncadd.s32 @!p1 $0xFFFF8000  }
.LBB2_1:
0x13: {  	p1 =	sgt.u32 s9, $0x1  }
0x14: {  	s12 =	sshll.u32 @!p1 s9, $0x8;
	s13 =	sshrl.u32 @!p1 s10, $0x3  }
0x15: {  	s14 =	sand.u32 @!p1 $0x7, s10;
	s12 =	sxor.u32 @!p1 $0x100, s12;
	s13 =	sadd.s32 @!p1 s2, s13  }
0x16: {  	[tilespmem:s12], [sflag:$0x2] =	stream.linear.gather @!p1 [hbm4b:s13+s14], $0x100, $0x38;
	[tilespmem:$0x10200] =	vst v63  }
0x17: {  	p1 =	seq.s32 s9, $0x0  }
0x18: {  	p2 =	seq.s32 @!p1 s9, $0x3  }
0x19: {  	p1 =	por p1, p2  }
.Ltmp2:
0x1a: {  	_ = 	snop;
	(pc) =	sbr.rel @p1 .LBB2_7-.Ltmp2, $1  }
0x1b: {  	_ =	sdelay $0x3  }
0x1c: {  	s12 =	simm.s32 $0x1  }
0x1d: {  	_ =	swait.ge [sflag:s5], $0x100;
	s12 =	simm.s32 @!p0 $0x0  }
0x1e: {  	[sflag:s5] =	ssyncset.done $0x0;
	s14 =	sshll.u32 s12, $0x8  }
0x1f: {  	[sflag:s5] =	ssyncadd.s32 $0xFFFFFF00;
	s13 =	sadd.s32 $0x0, s14  }
0x20: {  	v0 =	vld.msk [tilespmem:s13+$0x0 ss:$0x1], $0xffff;
	_ =	sdelay $0x4  }
0x21: {  	vm2 =	vgt.s32 v0, $0x0  }
0x22: {  	v0 =	vnsel vm2, $0x0, v0  }
0x23: {  	v0 =	vmin.u32 v0, $0x1FFFF  }
0x24: {  	v0 =	vshll.u32 v0, $0x4;
	_ =	sdelay $0x2  }
0x25: {  	s12 =	sshll.u32 s12, $0xF  }
0x26: {  	s12 =	sor.u32 $0x200, s12  }
0x27: {  	[tilespmem:s12], [sflag:$0x1] =	stream.indirect_vreg.gather [hbm:s3], $0x80, v0, vm0, $0x38;
	[tilespmem:$0x10200] =	vst v63  }
0x28: {  	s15 =	sadd.s32 $0x10, s14;
	s13 =	sadd.s32 $0x400, s12  }
0x29: {  	[tilespmem:s13], [sflag:$0x1] =	stream.indirect_vreg.gather [hbm:s3], $0x80, v0, vm1, $0x38;
	[tilespmem:$0x10200] =	vst v63  }
0x2a: {  	s16 =	simm.s32 $0x80;
	v0 =	vld.msk [tilespmem:s15+$0x0 ss:$0x1], $0xffff;
	s15 =	smov.u32 s12  }
.LBB2_3:
0x2b: {  	p1 =	sne.s32 s16, $0x3C0;
	_ =	sdelay $0x4  }
0x2c: {  	vm2 =	vgt.s32 v0, $0x0  }
0x2d: {  	v0 =	vnsel vm2, $0x0, v0  }
0x2e: {  	v0 =	vmin.u32 v0, $0x1FFFF  }
0x2f: {  	v0 =	vshll.u32 v0, $0x4;
	_ =	sdelay $0x3  }
.Ltmp3:
0x30: {  	s17 =	sshra.s32 s16, $0x2;
	s15 =	sadd.s32 $0x800, s15;
	(pc) =	sbr.rel @p1 .LBB2_3-.Ltmp3, $4  }
0x31: {  	[tilespmem:s15], [sflag:$0x1] =	stream.indirect_vreg.gather [hbm:s3], $0x80, v0, vm0, $0x38;
	[tilespmem:$0x10200] =	vst v63  }
0x32: {  	s17 =	sadd.s32 s17, s14;
	s18 =	sadd.s32 $0x400, s15  }
0x33: {  	[tilespmem:s18], [sflag:$0x1] =	stream.indirect_vreg.gather [hbm:s3], $0x80, v0, vm1, $0x38;
	[tilespmem:$0x10200] =	vst v63  }
0x34: {  	s16 =	sadd.s32 $0x40, s16;
	v0 =	vld.msk [tilespmem:s17+$0x0 ss:$0x1], $0xffff  }
0x35: {  	_ =	sdelay $0x3  }
0x36: {  	vm2 =	vgt.s32 v0, $0x0  }
0x37: {  	v0 =	vnsel vm2, $0x0, v0  }
0x38: {  	v0 =	vmin.u32 v0, $0x1FFFF  }
0x39: {  	v0 =	vshll.u32 v0, $0x4;
	_ =	sdelay $0x3  }
0x3a: {  	s14 =	sadd.s32 $0x800, s15  }
0x3b: {  	[tilespmem:s14], [sflag:$0x1] =	stream.indirect_vreg.gather [hbm:s3], $0x80, v0, vm0, $0x38;
	[tilespmem:$0x10200] =	vst v63  }
0x3c: {  	s14 =	sadd.s32 $0x400, s14  }
0x3d: {  	[tilespmem:s14], [sflag:$0x1] =	stream.indirect_vreg.gather [hbm:s3], $0x80, v0, vm1, $0x38;
	[tilespmem:$0x10200] =	vst v63  }
0x3e: {  	s11 =	sshll.u32 s11, $0x4;
	_ =	swait.ge [sflag:s4], $0x8000  }
0x3f: {  	s11 =	sadd.s32 s11, s7;
	[sflag:s4] =	ssyncset.done $0x0  }
0x40: {  	s15 =	sadd.s32 $0x0, s11;
	s14 =	simm.s32 $0x80;
	[sflag:s4] =	ssyncadd.s32 $0xFFFF8000  }
.LBB2_5:
0x41: {  	[hbm:s15] =	stream.linear.scatter [tilespmem:s12], [sflag:$0x3], $0x400, $0x38;
	[tilespmem:$0x10200] =	vst v63  }
0x42: {  	s15 =	smov.u32 s14;
	s12 =	smov.u32 s13;
	p1 =	sne.s32 s14, $0xF80  }
.Ltmp4:
0x43: {  	s14 =	sadd.s32 $0x80, s14;
	(pc) =	sbr.rel @p1 .LBB2_5-.Ltmp4, $2  }
0x44: {  	_ =	sdelay $0x2  }
0x45: {  	s13 =	sadd.s32 $0x400, s13;
	s15 =	sadd.s32 s15, s11  }
.Ltmp5:
0x46: {  	(pc) =	sbr.rel .LBB2_7-.Ltmp5, $2  }
0x47: {  	_ =	sdelay $0x2  }
0x48: {  	[hbm:s15] =	stream.linear.scatter [tilespmem:s12], [sflag:$0x3], $0x400, $0x38;
	[tilespmem:$0x10200] =	vst v63  }
.LBB2_8:
0x49: {  	_ =	sfence.sel $0x180000  }
0x4a: {  	s2 =	simm.s32 $0x2;
	[bflag:$0x0] =	sbarrier.arrive $0xFFFF  }
0x4b: {  	s30 =	simm.s32 $0x3;
	[sflag:s2] =	ssyncpa.u1 $0x1  }
0x4c: {  	s31 =	simm.s32 $0x1;
	[sflag:s30] =	ssyncpa.u1 $0x1  }
0x4d: {  	[sflag:s31] =	ssyncpa.u1 $0x1  }
0x4e: {  	p0 =	sne.s32 s1, $0x0;
	_ =	strace $0x9000004D  }
0x4f: {  	s0 =	sadd.s32 @!p0 $0x100000, s0;
	[bflag:$0x2] =	sbarrier.arrive $0xFFFF  }
0x50: {  	[sflag:s0] =	ssyncadd.tile.s32 @!p0 $0x1;
	_ =	shalt  }
.Lfunc_end2:
_tile_overlayer_lowered:
.L_overlay_start_2:
0x51: {  	(tag) =	ssettag $0x2  }
0x52: {  	s0 =	rddreg [dreg:$0x0];
	s2 =	stileid.u32  }
0x53: {  	s1 =	rddreg [dreg:$0x1];
	p0 =	sne.s32 s2, $0x0  }
0x54: {  	s3 =	rddreg [dreg:$0x2];
	[bflag:$0x3] =	sbarrier.arrive $0xFFFF;
	s2 =	simm.s32 @!p0 $0x1C01  }
0x55: {  	[timem:s3], [sflag:s2] =	dma.local @!p0 [hbm:s0], s1  }
0x56: {  	s0 =	simm.s32 @!p0 $0x1  }
0x57: {  	_ =	swait.ge @!p0 [sflag:s0], s1  }
0x58: {  	s1 =	ssub.s32 @!p0 $0x0, s1;
	[sflag:s0] =	ssyncset.done @!p0 $0x0  }
0x59: {  	[sflag:s0] =	ssyncadd.s32 @!p0 s1  }
0x5a: {  	[bflag:$0x3] =	sbarrier.arrive $0xFFFF  }
0x5b: {  	_ =	shalt  }

// kernel: gather_offload_async_start
scs
__scs_entry_jumppad:
0x0: {  	(pc) =	sbr.rel $0x88, $3  }
0x1: {  	(tag) =	ssettag $0x0;
	lr =	simm.s32 $0x1  }
0x2: {  	[smem:$0x3F95] =	sst lr;
	_ =	strace $0xD0000000  }
0x3: {  	_ = 	snop  }
0x4: {  	_ = 	snop  }
0x5: {  	_ = 	snop  }
0x6: {  	_ = 	snop  }
0x7: {  	_ = 	snop  }
__scs_overlays_trampoline_lowered:
0x8: {  	[smem:$0x3FA4] =	sst s0  }
0x9: {  	[smem:$0x3FA5] =	sst s1  }
0xa: {  	[smem:$0x3FA6] =	sst s2  }
0xb: {  	[smem:$0x3FA7] =	sst s3  }
0xc: {  	[smem:$0x3FA8] =	sst s4  }
0xd: {  	[smem:$0x3FA9] =	sst s5  }
0xe: {  	[smem:$0x3FAA] =	sst s6  }
0xf: {  	[smem:$0x3FAB] =	sst s7  }
0x10: {  	[smem:$0x3FAC] =	sst s8  }
0x11: {  	[smem:$0x3FAD] =	sst s9;
	s0 =	simm.s32 @!p0 $0x0  }
0x12: {  	s1 =	sld [smem:$0x3F93];
	s0 =	simm.s32 @p0 $0x1  }
0x13: {  	[smem:$0x3FAE] =	sst s0;
	s0 =	simm.s32 @!p1 $0x0  }
0x14: {  	s2 =	sld [smem:$0x3F92];
	s0 =	simm.s32 @p1 $0x1  }
0x15: {  	[smem:$0x3FAF] =	sst s0;
	s0 =	simm.s32 @!p2 $0x0  }
0x16: {  	s3 =	sld [smem:$0x3FDB];
	s0 =	simm.s32 @p2 $0x1  }
0x17: {  	s4 =	simm.s32 $0x1BF5;
	[smem:$0x3FB1] =	sst s0  }
0x18: {  	s0 =	sld [smem:$0x3F94];
	_ =	swait.ge [sflag:s4], $0x0  }
0x19: {  	s7 =	sld [smem:$0x3F95]  }
0x1a: {  	s8 =	sadd.s32 $0xFFFFE003, lr  }
0x1b: {  	s9 =	sadd.s32 $0xFFFFFEF7, lr;
	s5 =	simm.s32 $0xFFFFFFFF;
	p2 =	slt.u32 s8, $0xFFFFF086  }
0x1c: {  	p1 =	slt.u32 s9, $0xF7A;
	s5 =	simm.s32 @!p2 $0x0  }
0x1d: {  	s5 =	simm.s32 @p1 $0x1;
	p0 =	seq.s32 s7, s2  }
0x1e: {  	s7 =	smul.u32 @!p0 $0xF7A, s2;
	p2 =	seq.s32 @!p0 s5, $0x0  }
0x1f: {  	s9 =	smul.u32 $0xF7A, s1;
	s8 =	simm.s32 @!p0 $0x1BF5;
	p2 =	por !p2, p0  }
0x20: {  	[sflag:s8] =	ssyncset.s32 @!p0 $0xFFFFF086;
	s6 =	sadd.s32 @!p0 s3, s7;
	s7 =	simm.s32 @!p0 $0x108  }
0x21: {  	s3 =	sadd.s32 s3, s9;
	s6 =	sadd.s32 @!p0 $0x88, s6;
	s7 =	simm.s32 @p2 $0x1082  }
0x22: {  	[simem:s7], [sflag:s8] =	dma.local @!p0 [hbm:s6], $0xF7A  }
0x23: {  	s9 =	sor.u32 $0xD0000000, s2;
	s6 =	simm.s32 $0x108;
	_ =	swait.ge @!p0 [sflag:s8], $0x0  }
0x24: {  	s3 =	sadd.s32 $0x88, s3;
	s6 =	simm.s32 @!p1 $0x1082;
	[sflag:s4] =	ssyncset.s32 $0xFFFFF086  }
0x25: {  	[simem:s6], [sflag:s4] =	dma.local [hbm:s3], $0xF7A  }
0x26: {  	[smem:$0x3F95] =	sst s1;
	(tag) =	ssettag s2;
	_ =	strace s9  }
0x27: {  	s1 =	sld [smem:$0x3FA5]  }
0x28: {  	s2 =	sld [smem:$0x3FA6]  }
0x29: {  	s4 =	sld [smem:$0x3FA8]  }
0x2a: {  	p0 =	seq.s32 s5, $0x0;
	s5 =	sld [smem:$0x3FA9]  }
0x2b: {  	s6 =	sld [smem:$0x3FAA]  }
0x2c: {  	s7 =	sld [smem:$0x3FAB]  }
0x2d: {  	s3 =	simm.s32 $0x108;
	s8 =	sld [smem:$0x3FAC]  }
0x2e: {  	s3 =	simm.s32 @!p0 $0x1082;
	s9 =	sld [smem:$0x3FAD]  }
0x2f: {  	lr =	sadd.s32 s0, s3;
	s0 =	sld [smem:$0x3FA4]  }
0x30: {  	s3 =	sld [smem:$0x3FA7]  }
0x31: {  	[smem:$0x3FB0] =	sst s10  }
0x32: {  	s10 =	sld [smem:$0x3FAE];
	_ =	sdelay $0x3  }
0x33: {  	p0 =	seq.s32 s10, $0x1;
	s10 =	sld [smem:$0x3FB0];
	_ =	sdelay $0x3  }
0x34: {  	[smem:$0x3FB0] =	sst s10  }
0x35: {  	s10 =	sld [smem:$0x3FAF];
	_ =	sdelay $0x3  }
0x36: {  	p1 =	seq.s32 s10, $0x1;
	s10 =	sld [smem:$0x3FB0];
	_ =	sdelay $0x3  }
0x37: {  	[smem:$0x3FB0] =	sst s10  }
0x38: {  	s10 =	sld [smem:$0x3FB1]  }
0x39: {  	_ = 	snop;
	(pc) =	sbr.ind lr, $3  }
0x3a: {  	_ = 	snop  }
0x3b: {  	_ = 	snop  }
0x3c: {  	p2 =	seq.s32 s10, $0x1;
	s10 =	sld [smem:$0x3FB0]  }
0x3d: {  	_ =	shalt  }
0x3e: {  	_ =	shalt  }
0x3f: {  	_ =	shalt  }
0x40: {  	_ =	shalt  }
0x41: {  	_ =	shalt  }
0x42: {  	_ =	shalt  }
0x43: {  	_ =	shalt  }
0x44: {  	_ =	shalt  }
0x45: {  	_ =	shalt  }
0x46: {  	_ =	shalt  }
0x47: {  	_ =	shalt  }
0x48: {  	_ =	shalt  }
0x49: {  	_ =	shalt  }
0x4a: {  	_ =	shalt  }
0x4b: {  	_ =	shalt  }
0x4c: {  	_ =	shalt  }
0x4d: {  	_ =	shalt  }
0x4e: {  	_ =	shalt  }
0x4f: {  	_ =	shalt  }
0x50: {  	_ =	shalt  }
0x51: {  	_ =	shalt  }
0x52: {  	_ =	shalt  }
0x53: {  	_ =	shalt  }
0x54: {  	_ =	shalt  }
0x55: {  	_ =	shalt  }
0x56: {  	_ =	shalt  }
0x57: {  	_ =	shalt  }
0x58: {  	_ =	shalt  }
0x59: {  	_ =	shalt  }
0x5a: {  	_ =	shalt  }
0x5b: {  	_ =	shalt  }
0x5c: {  	_ =	shalt  }
0x5d: {  	_ =	shalt  }
0x5e: {  	_ =	shalt  }
0x5f: {  	_ =	shalt  }
0x60: {  	_ =	shalt  }
0x61: {  	_ =	shalt  }
0x62: {  	_ =	shalt  }
0x63: {  	_ =	shalt  }
0x64: {  	_ =	shalt  }
0x65: {  	_ =	shalt  }
0x66: {  	_ =	shalt  }
0x67: {  	_ =	shalt  }
0x68: {  	_ =	shalt  }
0x69: {  	_ =	shalt  }
0x6a: {  	_ =	shalt  }
0x6b: {  	_ =	shalt  }
0x6c: {  	_ =	shalt  }
0x6d: {  	_ =	shalt  }
0x6e: {  	_ =	shalt  }
0x6f: {  	_ =	shalt  }
0x70: {  	_ =	shalt  }
0x71: {  	_ =	shalt  }
0x72: {  	_ =	shalt  }
0x73: {  	_ =	shalt  }
0x74: {  	_ =	shalt  }
0x75: {  	_ =	shalt  }
0x76: {  	_ =	shalt  }
0x77: {  	_ =	shalt  }
0x78: {  	_ =	shalt  }
0x79: {  	_ =	shalt  }
0x7a: {  	_ =	shalt  }
0x7b: {  	_ =	shalt  }
0x7c: {  	_ =	shalt  }
0x7d: {  	_ =	shalt  }
0x7e: {  	_ =	shalt  }
0x7f: {  	_ =	shalt  }
0x80: {  	_ =	shalt  }
0x81: {  	_ =	shalt  }
0x82: {  	_ =	shalt  }
0x83: {  	_ =	shalt  }
0x84: {  	_ =	shalt  }
0x85: {  	_ =	shalt  }
0x86: {  	_ =	shalt  }
0x87: {  	_ =	shalt  }
.Lfunc_end0:
.L_simem_size_0:
called_computation_lowered:
.L_overlay_start_0:
0x88: {  	s2 =	sld [smem:$0x3FD9]  }
0x89: {  	s3 =	sld [smem:$0x3FFE];
	_ =	sdelay $0x1  }
0x8a: {  	s1 =	srdreg.scid  }
0x8b: {  	s0 =	sand.u32 $0x1, s1  }
0x8c: {  	s14 =	sshll.u32 s0, $0xA;
	s2 =	sadd.s32 s3, s2  }
0x8d: {  	s2 =	sadd.s32 s2, s14  }
0x8e: {  	[smem:$0x3FBC] =	sst s2  }
0x8f: {  	_ = 	snop  }
0x90: {  	s2 =	sld [smem:$0x3FD0];
	_ =	sdelay $0x2  }
0x91: {  	s15 =	simm.s32 $0xD;
	s4 =	simm.s32 $0x10  }
0x92: {  	[smem:s4], [sflag:s15] =	dma.local [hbm:s2], $0x1  }
0x93: {  	_ =	swait.eq [sflag:s15], $0x1  }
0x94: {  	[sflag:s15] =	ssyncset.done $0x0  }
0x95: {  	[sflag:s15] =	ssyncadd.s32 $0xFFFFFFFF  }
0x96: {  	s16 =	sld [smem:$0x10];
	(tm) =	ssettm $0x1  }
0x97: {  	s17 =	sld [smem:$0x3FFB];
	_ =	sdelay $0x3  }
0x98: {  	_ =	strace s17  }
0x99: {  	s3 =	sld [smem:$0x3FFC];
	_ =	sdelay $0x3  }
0x9a: {  	_ =	strace s3  }
0x9b: {  	s3 =	sld [smem:$0x3FFD];
	_ =	sdelay $0x3  }
0x9c: {  	_ =	strace s3  }
0x9d: {  	_ =	strace $0x8FFFFFFF  }
0x9e: {  	s18 =	sld [smem:$0x3FDB];
	_ =	sdelay $0x1  }
0x9f: {  	s19 =	simm.s32 $_scs_section_size  }
0xa0: {  	s5 =	simm.s32 $_size__tile_overlayer_lowered;
	s6 =	simm.s32 $_tile_overlayer_lowered  }
0xa1: {  	s22 =	simm.s32 $0x1BFF;
	s21 =	sshll.u32 s6, $0x1;
	s3 =	sadd.s32 s19, s18  }
0xa2: {  	s7 =	simm.s32 $0x0;
	s20 =	sshll.u32 s5, $0x1;
	s5 =	sadd.s32 s21, s3  }
0xa3: {  	[timem:s7], [sflag:s22] =	dma.local [hbm:s5], s20  }
0xa4: {  	_ =	swait.ge [sflag:s22], s20  }
0xa5: {  	s4 =	ssub.s32 $0x0, s20;
	[sflag:s22] =	ssyncset.done $0x0  }
0xa6: {  	[sflag:s22] =	ssyncadd.s32 s4;
	_ =	sdelay $0x1  }
0xa7: {  	s23 =	simm.s32 $0x1B8B  }
0xa8: {  	_ =	swait.ge [sflag:s23], $0x1  }
0xa9: {  	[sflag:s23] =	ssyncset.done $0x0  }
0xaa: {  	s25 =	simm.s32 $0x1B8E;
	s24 =	sld [smem:$0x3FFE];
	[sflag:s23] =	ssyncadd.s32 $0xFFFFFFFF  }
0xab: {  	s26 =	simm.s32 $execute0_lowered;
	[smem:$0x3FD2] =	sst s25  }
0xac: {  	s5 =	sshll.u32 s26, $0x1;
	_ =	strace $0x80000046;
	[dreg:$0x1] =	wrdreg $0xFFFFFFFF  }
0xad: {  	s28 =	simm.s32 $_size_execute0_lowered;
	s3 =	sadd.s32 s3, s5;
	[dreg:$0x0] =	wrdreg $0x0  }
0xae: {  	s5 =	sshll.u32 s28, $0x1;
	[dreg:$0x2] =	wrdreg s3  }
0xaf: {  	[dreg:$0x3] =	wrdreg s5  }
0xb0: {  	[dreg:$0x4] =	wrdreg $0xC0  }
0xb1: {  	_ =	task [dreg:s7], $0x5FFFF  }
0xb2: {  	[dreg:$0x1] =	wrdreg $0xFFFFFFFF  }
0xb3: {  	[dreg:$0x0] =	wrdreg $0x60  }
0xb4: {  	[dreg:$0x2] =	wrdreg s24  }
0xb5: {  	[dreg:$0x3] =	wrdreg s16  }
0xb6: {  	[dreg:$0x4] =	wrdreg $0x9  }
0xb7: {  	_ =	task.clear_ibuf [dreg:s7], $0x5FFFF;
	_ =	strace $0x90000046  }
0xb8: {  	s29 =	simm.s32 $0x9;
	_ =	strace $0x80000048  }
0xb9: {  	_ =	swait.ge [sflag:s29], $0x1  }
0xba: {  	[sflag:s29] =	ssyncadd.s32 $0xFFFFFFFF  }
0xbb: {  	_ =	strace $0x90000048  }
0xbc: {  	_ =	sfence  }
0xbd: {  	s30 =	sld [smem:$0x0];
	_ =	sdelay $0x2  }
0xbe: {  	s31 =	sshll.u32 s1, $0xD;
	s1 =	sshrl.u32 s1, $0x2  }
0xbf: {  	s3 =	sand.u32 $0x4000, s31;
	s1 =	sadd.s32 s1, s30  }
0xc0: {  	s0 =	sor.u32 s3, s0;
	s1 =	sshll.u32 s1, $0x11  }
0xc1: {  	s0 =	sor.u32 s1, s0  }
0xc2: {  	s0 =	sadd.s32 $0x8F2B, s0  }
0xc3: {  	[sflag:s0] =	ssyncadd.remote.s32 $0x1  }
0xc4: {  	_ =	sfence.sel $0xFFFF  }
0xc5: {  	[dreg:$0x0] =	wrdreg $0xFFFFFFFF;
	(pc) =	sbr.abs _section_cstart, $3  }
0xc6: {  	[dreg:$0x1] =	wrdreg $0xFFFFFFFF  }
0xc7: {  	_ =	task.clear_ibuf [dreg:s7], $0x2FFFF;
	_ =	strace $0x9FFFFFFF  }
0xc8: {  	(tm) =	ssettm $0x7FFFFFFF  }
0xc9: {  	_ =	shalt  }
tec
execute0_lowered:
.L_overlay_start_1:
0x0: {  	(tag) =	ssettag $0x1  }
0x1: {  	s7 =	rddreg [dreg:$0x0]  }
0x2: {  	s2 =	rddreg [dreg:$0x1]  }
0x3: {  	s0 =	rddreg [dreg:$0x2]  }
0x4: {  	s1 =	srdreg.scid;
	_ =	strace $0x80000047;
	s4 =	simm.s32 $0x1  }
0x5: {  	s9 =	simm.s32 $0x3;
	s11 =	simm.s32 $0x0;
	s5 =	sshll.u32 s1, $0x4  }
.Ltmp0:
0x6: {  	s1 =	stileid.u32;
	s5 =	sand.u32 $0x10, s5;
	(pc) =	sbr.rel .LBB2_1-.Ltmp0, $4  }
0x7: {  	p0 =	por $0x0, $0x0;
	s3 =	sadd.s32 $0x5400, s7;
	s6 =	sor.u32 s1, s5  }
0x8: {  	[sflag:s4] =	ssyncpa.u1 $0x0;
	s5 =	simm.s32 $0x2;
	s6 =	sshll.u32 s6, $0x9  }
0x9: {  	s7 =	sadd.s32 $0x205400, s7;
	[sflag:s5] =	ssyncpa.u1 $0x0;
	s8 =	sadd.s32 $0x200, s6  }
0xa: {  	vm0 =	vmmov $0xff;
	vm1 =	vcmask $0x3F20;
	[sflag:s9] =	ssyncpa.u1 $0x0;
	s10 =	smov.u32 s6;
	s9 =	simm.s32 $0x0  }
.LBB2_7:
0xb: {  	p1 =	slt.u32 s9, $0x2;
	s11 =	sadd.s32 $0x100, s10  }
0xc: {  	s13 =	smov.u32 s6;
	s9 =	sadd.s32 $0x1, s9;
	p2 =	slt.s32 s11, s8  }
0xd: {  	s13 =	smov.u32 @p2 s11;
	p2 =	sne.s32 s9, $0x4  }
.Ltmp1:
0xe: {  	_ = 	snop;
	(pc) =	sbr.rel @!p2 .LBB2_8-.Ltmp1, $4  }
0xf: {  	s12 =	simm.s32 @!p1 $0x3  }
0x10: {  	_ =	swait.ge @!p1 [sflag:s12], $0x8000  }
0x11: {  	p0 =	por !p0, !p0;
	[sflag:s12] =	ssyncset.done @!p1 $0x0  }
0x12: {  	s11 =	smov.u32 s10;
	s10 =	smov.u32 s13;
	[sflag:s12] =	ssyncadd.s32 @!p1 $0xFFFF8000  }
.LBB2_1:
0x13: {  	p1 =	sgt.u32 s9, $0x1  }
0x14: {  	s12 =	sshll.u32 @!p1 s9, $0x8;
	s13 =	sshrl.u32 @!p1 s10, $0x3  }
0x15: {  	s14 =	sand.u32 @!p1 $0x7, s10;
	s12 =	sxor.u32 @!p1 $0x100, s12;
	s13 =	sadd.s32 @!p1 s2, s13  }
0x16: {  	[tilespmem:s12], [sflag:$0x2] =	stream.linear.gather @!p1 [hbm4b:s13+s14], $0x100, $0x38;
	[tilespmem:$0x10200] =	vst v63  }
0x17: {  	p1 =	seq.s32 s9, $0x0  }
0x18: {  	p2 =	seq.s32 @!p1 s9, $0x3  }
0x19: {  	p1 =	por p1, p2  }
.Ltmp2:
0x1a: {  	_ = 	snop;
	(pc) =	sbr.rel @p1 .LBB2_7-.Ltmp2, $1  }
0x1b: {  	_ =	sdelay $0x3  }
0x1c: {  	s12 =	simm.s32 $0x1  }
0x1d: {  	_ =	swait.ge [sflag:s5], $0x100;
	s12 =	simm.s32 @!p0 $0x0  }
0x1e: {  	[sflag:s5] =	ssyncset.done $0x0;
	s14 =	sshll.u32 s12, $0x8  }
0x1f: {  	[sflag:s5] =	ssyncadd.s32 $0xFFFFFF00;
	s13 =	sadd.s32 $0x0, s14  }
0x20: {  	v0 =	vld.msk [tilespmem:s13+$0x0 ss:$0x1], $0xffff;
	_ =	sdelay $0x4  }
0x21: {  	vm2 =	vgt.s32 v0, $0x0  }
0x22: {  	v0 =	vnsel vm2, $0x0, v0  }
0x23: {  	v0 =	vmin.u32 v0, $0x1FFFF  }
0x24: {  	v0 =	vshll.u32 v0, $0x4;
	_ =	sdelay $0x2  }
0x25: {  	s12 =	sshll.u32 s12, $0xF  }
0x26: {  	s12 =	sor.u32 $0x200, s12  }
0x27: {  	[tilespmem:s12], [sflag:$0x1] =	stream.indirect_vreg.gather [hbm:s3], $0x80, v0, vm0, $0x38;
	[tilespmem:$0x10200] =	vst v63  }
0x28: {  	s15 =	sadd.s32 $0x10, s14;
	s13 =	sadd.s32 $0x400, s12  }
0x29: {  	[tilespmem:s13], [sflag:$0x1] =	stream.indirect_vreg.gather [hbm:s3], $0x80, v0, vm1, $0x38;
	[tilespmem:$0x10200] =	vst v63  }
0x2a: {  	s16 =	simm.s32 $0x80;
	v0 =	vld.msk [tilespmem:s15+$0x0 ss:$0x1], $0xffff;
	s15 =	smov.u32 s12  }
.LBB2_3:
0x2b: {  	p1 =	sne.s32 s16, $0x3C0;
	_ =	sdelay $0x4  }
0x2c: {  	vm2 =	vgt.s32 v0, $0x0  }
0x2d: {  	v0 =	vnsel vm2, $0x0, v0  }
0x2e: {  	v0 =	vmin.u32 v0, $0x1FFFF  }
0x2f: {  	v0 =	vshll.u32 v0, $0x4;
	_ =	sdelay $0x3  }
.Ltmp3:
0x30: {  	s17 =	sshra.s32 s16, $0x2;
	s15 =	sadd.s32 $0x800, s15;
	(pc) =	sbr.rel @p1 .LBB2_3-.Ltmp3, $4  }
0x31: {  	[tilespmem:s15], [sflag:$0x1] =	stream.indirect_vreg.gather [hbm:s3], $0x80, v0, vm0, $0x38;
	[tilespmem:$0x10200] =	vst v63  }
0x32: {  	s17 =	sadd.s32 s17, s14;
	s18 =	sadd.s32 $0x400, s15  }
0x33: {  	[tilespmem:s18], [sflag:$0x1] =	stream.indirect_vreg.gather [hbm:s3], $0x80, v0, vm1, $0x38;
	[tilespmem:$0x10200] =	vst v63  }
0x34: {  	s16 =	sadd.s32 $0x40, s16;
	v0 =	vld.msk [tilespmem:s17+$0x0 ss:$0x1], $0xffff  }
0x35: {  	_ =	sdelay $0x3  }
0x36: {  	vm2 =	vgt.s32 v0, $0x0  }
0x37: {  	v0 =	vnsel vm2, $0x0, v0  }
0x38: {  	v0 =	vmin.u32 v0, $0x1FFFF  }
0x39: {  	v0 =	vshll.u32 v0, $0x4;
	_ =	sdelay $0x3  }
0x3a: {  	s14 =	sadd.s32 $0x800, s15  }
0x3b: {  	[tilespmem:s14], [sflag:$0x1] =	stream.indirect_vreg.gather [hbm:s3], $0x80, v0, vm0, $0x38;
	[tilespmem:$0x10200] =	vst v63  }
0x3c: {  	s14 =	sadd.s32 $0x400, s14  }
0x3d: {  	[tilespmem:s14], [sflag:$0x1] =	stream.indirect_vreg.gather [hbm:s3], $0x80, v0, vm1, $0x38;
	[tilespmem:$0x10200] =	vst v63  }
0x3e: {  	s11 =	sshll.u32 s11, $0x4;
	_ =	swait.ge [sflag:s4], $0x8000  }
0x3f: {  	s11 =	sadd.s32 s11, s7;
	[sflag:s4] =	ssyncset.done $0x0  }
0x40: {  	s15 =	sadd.s32 $0x0, s11;
	s14 =	simm.s32 $0x80;
	[sflag:s4] =	ssyncadd.s32 $0xFFFF8000  }
.LBB2_5:
0x41: {  	[hbm:s15] =	stream.linear.scatter [tilespmem:s12], [sflag:$0x3], $0x400, $0x38;
	[tilespmem:$0x10200] =	vst v63  }
0x42: {  	s15 =	smov.u32 s14;
	s12 =	smov.u32 s13;
	p1 =	sne.s32 s14, $0xF80  }
.Ltmp4:
0x43: {  	s14 =	sadd.s32 $0x80, s14;
	(pc) =	sbr.rel @p1 .LBB2_5-.Ltmp4, $2  }
0x44: {  	_ =	sdelay $0x2  }
0x45: {  	s13 =	sadd.s32 $0x400, s13;
	s15 =	sadd.s32 s15, s11  }
.Ltmp5:
0x46: {  	(pc) =	sbr.rel .LBB2_7-.Ltmp5, $2  }
0x47: {  	_ =	sdelay $0x2  }
0x48: {  	[hbm:s15] =	stream.linear.scatter [tilespmem:s12], [sflag:$0x3], $0x400, $0x38;
	[tilespmem:$0x10200] =	vst v63  }
.LBB2_8:
0x49: {  	_ =	sfence.sel $0x180000  }
0x4a: {  	s2 =	simm.s32 $0x2;
	[bflag:$0x0] =	sbarrier.arrive $0xFFFF  }
0x4b: {  	s30 =	simm.s32 $0x3;
	[sflag:s2] =	ssyncpa.u1 $0x1  }
0x4c: {  	s31 =	simm.s32 $0x1;
	[sflag:s30] =	ssyncpa.u1 $0x1  }
0x4d: {  	[sflag:s31] =	ssyncpa.u1 $0x1  }
0x4e: {  	p0 =	sne.s32 s1, $0x0;
	_ =	strace $0x90000047  }
0x4f: {  	s0 =	sadd.s32 @!p0 $0x100000, s0;
	[bflag:$0x2] =	sbarrier.arrive $0xFFFF  }
0x50: {  	[sflag:s0] =	ssyncadd.tile.s32 @!p0 $0x1;
	_ =	shalt  }
.Lfunc_end2:
_tile_overlayer_lowered:
.L_overlay_start_2:
0x51: {  	(tag) =	ssettag $0x2  }
0x52: {  	s0 =	rddreg [dreg:$0x0];
	s2 =	stileid.u32  }
0x53: {  	s1 =	rddreg [dreg:$0x1];
	p0 =	sne.s32 s2, $0x0  }
0x54: {  	s3 =	rddreg [dreg:$0x2];
	[bflag:$0x3] =	sbarrier.arrive $0xFFFF;
	s2 =	simm.s32 @!p0 $0x1C01  }
0x55: {  	[timem:s3], [sflag:s2] =	dma.local @!p0 [hbm:s0], s1  }
0x56: {  	s0 =	simm.s32 @!p0 $0x1  }
0x57: {  	_ =	swait.ge @!p0 [sflag:s0], s1  }
0x58: {  	s1 =	ssub.s32 @!p0 $0x0, s1;
	[sflag:s0] =	ssyncset.done @!p0 $0x0  }
0x59: {  	[sflag:s0] =	ssyncadd.s32 @!p0 s1  }
0x5a: {  	[bflag:$0x3] =	sbarrier.arrive $0xFFFF  }
0x5b: {  	_ =	shalt  }

// kernel: kernel.4.cloned.1.call-start
scs
__scs_entry_jumppad:
0x0: {  	(pc) =	sbr.rel $0x88, $3  }
0x1: {  	(tag) =	ssettag $0x0;
	lr =	simm.s32 $0x1  }
0x2: {  	[smem:$0x3F95] =	sst lr;
	_ =	strace $0xD0000000  }
0x3: {  	_ = 	snop  }
0x4: {  	_ = 	snop  }
0x5: {  	_ = 	snop  }
0x6: {  	_ = 	snop  }
0x7: {  	_ = 	snop  }
__scs_overlays_trampoline_lowered:
0x8: {  	[smem:$0x3FA4] =	sst s0  }
0x9: {  	[smem:$0x3FA5] =	sst s1  }
0xa: {  	[smem:$0x3FA6] =	sst s2  }
0xb: {  	[smem:$0x3FA7] =	sst s3  }
0xc: {  	[smem:$0x3FA8] =	sst s4  }
0xd: {  	[smem:$0x3FA9] =	sst s5  }
0xe: {  	[smem:$0x3FAA] =	sst s6  }
0xf: {  	[smem:$0x3FAB] =	sst s7  }
0x10: {  	[smem:$0x3FAC] =	sst s8  }
0x11: {  	[smem:$0x3FAD] =	sst s9;
	s0 =	simm.s32 @!p0 $0x0  }
0x12: {  	s1 =	sld [smem:$0x3F93];
	s0 =	simm.s32 @p0 $0x1  }
0x13: {  	[smem:$0x3FAE] =	sst s0;
	s0 =	simm.s32 @!p1 $0x0  }
0x14: {  	s2 =	sld [smem:$0x3F92];
	s0 =	simm.s32 @p1 $0x1  }
0x15: {  	[smem:$0x3FAF] =	sst s0;
	s0 =	simm.s32 @!p2 $0x0  }
0x16: {  	s3 =	sld [smem:$0x3FDB];
	s0 =	simm.s32 @p2 $0x1  }
0x17: {  	s4 =	simm.s32 $0x1BF5;
	[smem:$0x3FB1] =	sst s0  }
0x18: {  	s0 =	sld [smem:$0x3F94];
	_ =	swait.ge [sflag:s4], $0x0  }
0x19: {  	s7 =	sld [smem:$0x3F95]  }
0x1a: {  	s8 =	sadd.s32 $0xFFFFE003, lr  }
0x1b: {  	s9 =	sadd.s32 $0xFFFFFEF7, lr;
	s5 =	simm.s32 $0xFFFFFFFF;
	p2 =	slt.u32 s8, $0xFFFFF086  }
0x1c: {  	p1 =	slt.u32 s9, $0xF7A;
	s5 =	simm.s32 @!p2 $0x0  }
0x1d: {  	s5 =	simm.s32 @p1 $0x1;
	p0 =	seq.s32 s7, s2  }
0x1e: {  	s7 =	smul.u32 @!p0 $0xF7A, s2;
	p2 =	seq.s32 @!p0 s5, $0x0  }
0x1f: {  	s9 =	smul.u32 $0xF7A, s1;
	s8 =	simm.s32 @!p0 $0x1BF5;
	p2 =	por !p2, p0  }
0x20: {  	[sflag:s8] =	ssyncset.s32 @!p0 $0xFFFFF086;
	s6 =	sadd.s32 @!p0 s3, s7;
	s7 =	simm.s32 @!p0 $0x108  }
0x21: {  	s3 =	sadd.s32 s3, s9;
	s6 =	sadd.s32 @!p0 $0x88, s6;
	s7 =	simm.s32 @p2 $0x1082  }
0x22: {  	[simem:s7], [sflag:s8] =	dma.local @!p0 [hbm:s6], $0xF7A  }
0x23: {  	s9 =	sor.u32 $0xD0000000, s2;
	s6 =	simm.s32 $0x108;
	_ =	swait.ge @!p0 [sflag:s8], $0x0  }
0x24: {  	s3 =	sadd.s32 $0x88, s3;
	s6 =	simm.s32 @!p1 $0x1082;
	[sflag:s4] =	ssyncset.s32 $0xFFFFF086  }
0x25: {  	[simem:s6], [sflag:s4] =	dma.local [hbm:s3], $0xF7A  }
0x26: {  	[smem:$0x3F95] =	sst s1;
	(tag) =	ssettag s2;
	_ =	strace s9  }
0x27: {  	s1 =	sld [smem:$0x3FA5]  }
0x28: {  	s2 =	sld [smem:$0x3FA6]  }
0x29: {  	s4 =	sld [smem:$0x3FA8]  }
0x2a: {  	p0 =	seq.s32 s5, $0x0;
	s5 =	sld [smem:$0x3FA9]  }
0x2b: {  	s6 =	sld [smem:$0x3FAA]  }
0x2c: {  	s7 =	sld [smem:$0x3FAB]  }
0x2d: {  	s3 =	simm.s32 $0x108;
	s8 =	sld [smem:$0x3FAC]  }
0x2e: {  	s3 =	simm.s32 @!p0 $0x1082;
	s9 =	sld [smem:$0x3FAD]  }
0x2f: {  	lr =	sadd.s32 s0, s3;
	s0 =	sld [smem:$0x3FA4]  }
0x30: {  	s3 =	sld [smem:$0x3FA7]  }
0x31: {  	[smem:$0x3FB0] =	sst s10  }
0x32: {  	s10 =	sld [smem:$0x3FAE];
	_ =	sdelay $0x3  }
0x33: {  	p0 =	seq.s32 s10, $0x1;
	s10 =	sld [smem:$0x3FB0];
	_ =	sdelay $0x3  }
0x34: {  	[smem:$0x3FB0] =	sst s10  }
0x35: {  	s10 =	sld [smem:$0x3FAF];
	_ =	sdelay $0x3  }
0x36: {  	p1 =	seq.s32 s10, $0x1;
	s10 =	sld [smem:$0x3FB0];
	_ =	sdelay $0x3  }
0x37: {  	[smem:$0x3FB0] =	sst s10  }
0x38: {  	s10 =	sld [smem:$0x3FB1]  }
0x39: {  	_ = 	snop;
	(pc) =	sbr.ind lr, $3  }
0x3a: {  	_ = 	snop  }
0x3b: {  	_ = 	snop  }
0x3c: {  	p2 =	seq.s32 s10, $0x1;
	s10 =	sld [smem:$0x3FB0]  }
0x3d: {  	_ =	shalt  }
0x3e: {  	_ =	shalt  }
0x3f: {  	_ =	shalt  }
0x40: {  	_ =	shalt  }
0x41: {  	_ =	shalt  }
0x42: {  	_ =	shalt  }
0x43: {  	_ =	shalt  }
0x44: {  	_ =	shalt  }
0x45: {  	_ =	shalt  }
0x46: {  	_ =	shalt  }
0x47: {  	_ =	shalt  }
0x48: {  	_ =	shalt  }
0x49: {  	_ =	shalt  }
0x4a: {  	_ =	shalt  }
0x4b: {  	_ =	shalt  }
0x4c: {  	_ =	shalt  }
0x4d: {  	_ =	shalt  }
0x4e: {  	_ =	shalt  }
0x4f: {  	_ =	shalt  }
0x50: {  	_ =	shalt  }
0x51: {  	_ =	shalt  }
0x52: {  	_ =	shalt  }
0x53: {  	_ =	shalt  }
0x54: {  	_ =	shalt  }
0x55: {  	_ =	shalt  }
0x56: {  	_ =	shalt  }
0x57: {  	_ =	shalt  }
0x58: {  	_ =	shalt  }
0x59: {  	_ =	shalt  }
0x5a: {  	_ =	shalt  }
0x5b: {  	_ =	shalt  }
0x5c: {  	_ =	shalt  }
0x5d: {  	_ =	shalt  }
0x5e: {  	_ =	shalt  }
0x5f: {  	_ =	shalt  }
0x60: {  	_ =	shalt  }
0x61: {  	_ =	shalt  }
0x62: {  	_ =	shalt  }
0x63: {  	_ =	shalt  }
0x64: {  	_ =	shalt  }
0x65: {  	_ =	shalt  }
0x66: {  	_ =	shalt  }
0x67: {  	_ =	shalt  }
0x68: {  	_ =	shalt  }
0x69: {  	_ =	shalt  }
0x6a: {  	_ =	shalt  }
0x6b: {  	_ =	shalt  }
0x6c: {  	_ =	shalt  }
0x6d: {  	_ =	shalt  }
0x6e: {  	_ =	shalt  }
0x6f: {  	_ =	shalt  }
0x70: {  	_ =	shalt  }
0x71: {  	_ =	shalt  }
0x72: {  	_ =	shalt  }
0x73: {  	_ =	shalt  }
0x74: {  	_ =	shalt  }
0x75: {  	_ =	shalt  }
0x76: {  	_ =	shalt  }
0x77: {  	_ =	shalt  }
0x78: {  	_ =	shalt  }
0x79: {  	_ =	shalt  }
0x7a: {  	_ =	shalt  }
0x7b: {  	_ =	shalt  }
0x7c: {  	_ =	shalt  }
0x7d: {  	_ =	shalt  }
0x7e: {  	_ =	shalt  }
0x7f: {  	_ =	shalt  }
0x80: {  	_ =	shalt  }
0x81: {  	_ =	shalt  }
0x82: {  	_ =	shalt  }
0x83: {  	_ =	shalt  }
0x84: {  	_ =	shalt  }
0x85: {  	_ =	shalt  }
0x86: {  	_ =	shalt  }
0x87: {  	_ =	shalt  }
.Lfunc_end0:
.L_simem_size_0:
called_computation.3_lowered:
.L_overlay_start_0:
0x88: {  	s2 =	sld [smem:$0x3FD9]  }
0x89: {  	s3 =	sld [smem:$0x3FFE];
	_ =	sdelay $0x1  }
0x8a: {  	s1 =	srdreg.scid  }
0x8b: {  	s0 =	sand.u32 $0x1, s1  }
0x8c: {  	s15 =	sshll.u32 s0, $0xA;
	s2 =	sadd.s32 s3, s2  }
0x8d: {  	s2 =	sadd.s32 s2, s15  }
0x8e: {  	[smem:$0x3FBC] =	sst s2  }
0x8f: {  	_ = 	snop  }
0x90: {  	s2 =	sld [smem:$0x3FD0];
	_ =	sdelay $0x2  }
0x91: {  	s4 =	simm.s32 $0xD;
	s16 =	simm.s32 $0x10  }
0x92: {  	[smem:s16], [sflag:s4] =	dma.local [hbm:s2], $0x1  }
0x93: {  	_ =	swait.eq [sflag:s4], $0x1  }
0x94: {  	[sflag:s4] =	ssyncset.done $0x0  }
0x95: {  	s17 =	sld [smem:$0x12];
	[sflag:s4] =	ssyncadd.s32 $0xFFFFFFFF  }
0x96: {  	s18 =	sld [smem:$0x16];
	(tm) =	ssettm $0x1  }
0x97: {  	s19 =	sld [smem:$0x3FFB];
	_ =	sdelay $0x3  }
0x98: {  	_ =	strace s19  }
0x99: {  	s2 =	sld [smem:$0x3FFC];
	_ =	sdelay $0x3  }
0x9a: {  	_ =	strace s2  }
0x9b: {  	s2 =	sld [smem:$0x3FFD];
	_ =	sdelay $0x3  }
0x9c: {  	_ =	strace s2  }
0x9d: {  	_ =	strace $0x8FFFFFFF  }
0x9e: {  	s20 =	sld [smem:$0x3FDB];
	_ =	sdelay $0x1  }
0x9f: {  	s5 =	simm.s32 $_scs_section_size  }
0xa0: {  	s6 =	simm.s32 $_size__tile_overlayer_lowered;
	s7 =	simm.s32 $_tile_overlayer_lowered  }
0xa1: {  	s8 =	simm.s32 $0x1BFF;
	s21 =	sshll.u32 s7, $0x1;
	s5 =	sadd.s32 s5, s20  }
0xa2: {  	s22 =	simm.s32 $0x0;
	s6 =	sshll.u32 s6, $0x1;
	s7 =	sadd.s32 s21, s5  }
0xa3: {  	[timem:s22], [sflag:s8] =	dma.local [hbm:s7], s6  }
0xa4: {  	_ =	swait.ge [sflag:s8], s6  }
0xa5: {  	s6 =	ssub.s32 $0x0, s6;
	[sflag:s8] =	ssyncset.done $0x0  }
0xa6: {  	[sflag:s8] =	ssyncadd.s32 s6;
	_ =	sdelay $0x1  }
0xa7: {  	s23 =	simm.s32 $0x1B8B  }
0xa8: {  	_ =	swait.ge [sflag:s23], $0x1  }
0xa9: {  	[sflag:s23] =	ssyncset.done $0x0  }
0xaa: {  	[sflag:s23] =	ssyncadd.s32 $0xFFFFFFFF  }
0xab: {  	s6 =	sld [smem:$0x0]  }
0xac: {  	s7 =	sand.u32 $0xFFFFFFFE, s1  }
0xad: {  	p0 =	sne.s32 s1, s7  }
0xae: {  	s7 =	sshll.u32 @p0 s7, $0xE  }
0xaf: {  	s7 =	sadd.s32 @p0 $0x11B8D, s7;
	s8 =	sshll.u32 @p0 s6, $0x11  }
0xb0: {  	s7 =	sor.u32 @p0 s8, s7  }
0xb1: {  	[sflag:s7] =	ssyncadd.remote.s32 @p0 $0x1;
	_ =	sdelay $0x1  }
0xb2: {  	s7 =	simm.s32 @p0 $0x1B8D  }
0xb3: {  	_ =	swait.eq @p0 [sflag:s7], $0x1  }
0xb4: {  	[sflag:s7] =	ssyncadd.s32 @p0 $0xFFFFFFFF  }
0xb5: {  	s8 =	sshll.u32 @!p0 s1, $0xE  }
0xb6: {  	s8 =	sor.u32 @!p0 $0x4000, s8;
	s7 =	simm.s32 @!p0 $0x1B8D  }
0xb7: {  	s6 =	sshll.u32 @!p0 s6, $0x11;
	s8 =	sadd.s32 @!p0 $0x11B8D, s8;
	_ =	swait.eq @!p0 [sflag:s7], $0x1  }
0xb8: {  	s6 =	sor.u32 @!p0 s6, s8;
	[sflag:s7] =	ssyncadd.s32 @!p0 $0xFFFFFFFF  }
0xb9: {  	s25 =	simm.s32 $0x1B8E;
	s24 =	sld [smem:$0x3FFE];
	[sflag:s6] =	ssyncadd.remote.s32 @!p0 $0x1  }
0xba: {  	s26 =	simm.s32 $execute0_lowered;
	[smem:$0x3FD2] =	sst s25  }
0xbb: {  	s7 =	sshll.u32 s26, $0x1;
	_ =	strace $0x8000004F;
	[dreg:$0x1] =	wrdreg $0xFFFFFFFF  }
0xbc: {  	s28 =	simm.s32 $_size_execute0_lowered;
	s5 =	sadd.s32 s5, s7;
	[dreg:$0x0] =	wrdreg $0x0  }
0xbd: {  	s7 =	sshll.u32 s28, $0x1;
	[dreg:$0x2] =	wrdreg s5  }
0xbe: {  	[dreg:$0x3] =	wrdreg s7  }
0xbf: {  	[dreg:$0x4] =	wrdreg $0xC0  }
0xc0: {  	_ =	task [dreg:s22], $0x5FFFF  }
0xc1: {  	[dreg:$0x1] =	wrdreg $0xFFFFFFFF  }
0xc2: {  	[dreg:$0x0] =	wrdreg $0x60  }
0xc3: {  	[dreg:$0x2] =	wrdreg s24  }
0xc4: {  	[dreg:$0x3] =	wrdreg s18  }
0xc5: {  	[dreg:$0x4] =	wrdreg s17  }
0xc6: {  	[dreg:$0x5] =	wrdreg $0xC  }
0xc7: {  	_ =	task.clear_ibuf [dreg:s22], $0x6FFFF;
	_ =	strace $0x9000004F  }
0xc8: {  	s29 =	simm.s32 $0xC;
	_ =	strace $0x80000051  }
0xc9: {  	_ =	swait.ge [sflag:s29], $0x1  }
0xca: {  	[sflag:s29] =	ssyncadd.s32 $0xFFFFFFFF  }
0xcb: {  	_ =	strace $0x90000051  }
0xcc: {  	_ =	sfence  }
0xcd: {  	s30 =	sld [smem:$0x0];
	_ =	sdelay $0x2  }
0xce: {  	s31 =	sshll.u32 s1, $0xD;
	s1 =	sshrl.u32 s1, $0x2  }
0xcf: {  	s4 =	sand.u32 $0x4000, s31;
	s1 =	sadd.s32 s1, s30  }
0xd0: {  	s0 =	sor.u32 s4, s0;
	s1 =	sshll.u32 s1, $0x11  }
0xd1: {  	s0 =	sor.u32 s1, s0  }
0xd2: {  	s0 =	sadd.s32 $0x8F2B, s0  }
0xd3: {  	[sflag:s0] =	ssyncadd.remote.s32 $0x1  }
0xd4: {  	_ =	sfence.sel $0xFFFF  }
0xd5: {  	[dreg:$0x0] =	wrdreg $0xFFFFFFFF;
	(pc) =	sbr.abs _section_cstart, $3  }
0xd6: {  	[dreg:$0x1] =	wrdreg $0xFFFFFFFF  }
0xd7: {  	_ =	task.clear_ibuf [dreg:s22], $0x2FFFF;
	_ =	strace $0x9FFFFFFF  }
0xd8: {  	(tm) =	ssettm $0x7FFFFFFF  }
0xd9: {  	_ =	shalt  }
tec
execute0_lowered:
.L_overlay_start_1:
0x0: {  	(tag) =	ssettag $0x1  }
0x1: {  	s12 =	rddreg [dreg:$0x0];
	s1 =	srdreg.scid  }
0x2: {  	s21 =	rddreg [dreg:$0x1];
	s0 =	stileid.u32;
	s23 =	sand.u32 $0x1, s1  }
0x3: {  	s22 =	rddreg [dreg:$0x2];
	s4 =	sshll.u32 s0, $0x9;
	s3 =	sshll.u32 s23, $0xD  }
0x4: {  	s2 =	simm.s32 $0x0;
	s1 =	rddreg [dreg:$0x3];
	s24 =	sor.u32 s4, s3  }
0x5: {  	[smem:$0x7FF] =	sst s2;
	s5 =	sshrl.u32 s24, $0x3  }
0x6: {  	_ =	strace $0x80000050;
	s3 =	simm.s32 $0x2;
	s4 =	sadd.s32 s21, s5  }
0x7: {  	[tilespmem:s2], [sflag:$0x2] =	stream.linear.gather [hbm4b:s4+s2], $0x80, $0x38;
	[tilespmem:$0x4900] =	vst v63  }
0x8: {  	_ =	swait.ge [sflag:s3], $0x80  }
0x9: {  	[sflag:s3] =	ssyncset.done $0x0  }
0xa: {  	s6 =	simm.s32 $0x80;
	s5 =	sadd.s32 s22, s5;
	[sflag:s3] =	ssyncadd.s32 $0xFFFFFF80  }
0xb: {  	[tilespmem:s6], [sflag:$0x2] =	stream.linear.gather [hbm4b:s5+s2], $0x80, $0x38;
	[tilespmem:$0x4900] =	vst v63  }
0xc: {  	_ =	swait.ge [sflag:s3], $0x80  }
0xd: {  	[sflag:s3] =	ssyncset.done $0x0  }
0xe: {  	s8 =	simm.s32 $0x100;
	s7 =	sadd.s32 $0x6C5400, s12;
	[sflag:s3] =	ssyncadd.s32 $0xFFFFFF80  }
0xf: {  	[tilespmem:s8], [sflag:$0x1] =	stream.indirect.gather [hbm4b:s7+s6], $0x48, s2, s6, $0xb8;
	[tilespmem:$0x4900] =	vst v63  }
0x10: {  	s9 =	simm.s32 $0x2500;
	s10 =	simm.s32 $0x1  }
0x11: {  	[tilespmem:s9], [sflag:$0x1] =	stream.indirect.gather [hbm4b:s7+s6], $0x48, s6, s6, $0xb8;
	[tilespmem:$0x4900] =	vst v63  }
0x12: {  	_ =	swait.ge [sflag:s10], $0x2400  }
0x13: {  	[sflag:s10] =	ssyncset.done $0x0  }
0x14: {  	[sflag:s10] =	ssyncadd.s32 $0xFFFFDC00  }
0x15: {  	s13 =	smul.u32 $0x9, s24;
	_ =	swait.ge [sflag:s10], $0x2400  }
0x16: {  	s26 =	sadd.s32 $0x809400, s12;
	[sflag:s10] =	ssyncset.done $0x0  }
0x17: {  	s11 =	sadd.s32 s26, s13;
	[sflag:s10] =	ssyncadd.s32 $0xFFFFDC00  }
0x18: {  	[hbm4b:s11+s2] =	stream.linear.scatter [tilespmem:s8], [sflag:$0x2], $0x2400, $0x38;
	[tilespmem:$0x4900] =	vst v63  }
0x19: {  	_ =	swait.ge [sflag:s3], $0x2400  }
0x1a: {  	s25 =	sadd.s32 $0x7E5400, s12;
	[sflag:s3] =	ssyncset.done $0x0  }
0x1b: {  	s12 =	sadd.s32 s25, s13;
	[sflag:s3] =	ssyncadd.s32 $0xFFFFDC00  }
0x1c: {  	[hbm4b:s12+s2] =	stream.linear.scatter [tilespmem:s9], [sflag:$0x2], $0x2400, $0x38;
	[tilespmem:$0x4900] =	vst v63  }
0x1d: {  	s15 =	sor.u32 $0x80, s24;
	_ =	swait.ge [sflag:s3], $0x2400  }
0x1e: {  	s14 =	sshrl.u32 s15, $0x3;
	[sflag:s3] =	ssyncset.done $0x0  }
0x1f: {  	s13 =	sadd.s32 s21, s14;
	[sflag:s3] =	ssyncadd.s32 $0xFFFFDC00  }
0x20: {  	[tilespmem:s2], [sflag:$0x2] =	stream.linear.gather [hbm4b:s13+s2], $0x80, $0x38;
	[tilespmem:$0x4900] =	vst v63  }
0x21: {  	_ =	swait.ge [sflag:s3], $0x80  }
0x22: {  	[sflag:s3] =	ssyncset.done $0x0  }
0x23: {  	s14 =	sadd.s32 s22, s14;
	[sflag:s3] =	ssyncadd.s32 $0xFFFFFF80  }
0x24: {  	[tilespmem:s6], [sflag:$0x2] =	stream.linear.gather [hbm4b:s14+s2], $0x80, $0x38;
	[tilespmem:$0x4900] =	vst v63  }
0x25: {  	_ =	swait.ge [sflag:s3], $0x80  }
0x26: {  	[sflag:s3] =	ssyncset.done $0x0  }
0x27: {  	[sflag:s3] =	ssyncadd.s32 $0xFFFFFF80  }
0x28: {  	[tilespmem:s8], [sflag:$0x1] =	stream.indirect.gather [hbm4b:s7+s6], $0x48, s2, s6, $0xb8;
	[tilespmem:$0x4900] =	vst v63  }
0x29: {  	_ = 	snop  }
0x2a: {  	[tilespmem:s9], [sflag:$0x1] =	stream.indirect.gather [hbm4b:s7+s6], $0x48, s6, s6, $0xb8;
	[tilespmem:$0x4900] =	vst v63  }
0x2b: {  	_ =	swait.ge [sflag:s10], $0x2400  }
0x2c: {  	[sflag:s10] =	ssyncset.done $0x0  }
0x2d: {  	[sflag:s10] =	ssyncadd.s32 $0xFFFFDC00  }
0x2e: {  	s16 =	smul.u32 $0x9, s15;
	_ =	swait.ge [sflag:s10], $0x2400  }
0x2f: {  	[sflag:s10] =	ssyncset.done $0x0  }
0x30: {  	s15 =	sadd.s32 s26, s16;
	[sflag:s10] =	ssyncadd.s32 $0xFFFFDC00  }
0x31: {  	[hbm4b:s15+s2] =	stream.linear.scatter [tilespmem:s8], [sflag:$0x2], $0x2400, $0x38;
	[tilespmem:$0x4900] =	vst v63  }
0x32: {  	_ =	swait.ge [sflag:s3], $0x2400  }
0x33: {  	[sflag:s3] =	ssyncset.done $0x0  }
0x34: {  	s16 =	sadd.s32 s25, s16;
	[sflag:s3] =	ssyncadd.s32 $0xFFFFDC00  }
0x35: {  	[hbm4b:s16+s2] =	stream.linear.scatter [tilespmem:s9], [sflag:$0x2], $0x2400, $0x38;
	[tilespmem:$0x4900] =	vst v63  }
0x36: {  	s19 =	sor.u32 $0x100, s24;
	_ =	swait.ge [sflag:s3], $0x2400  }
0x37: {  	s18 =	sshrl.u32 s19, $0x3;
	[sflag:s3] =	ssyncset.done $0x0  }
0x38: {  	s17 =	sadd.s32 s21, s18;
	[sflag:s3] =	ssyncadd.s32 $0xFFFFDC00  }
0x39: {  	[tilespmem:s2], [sflag:$0x2] =	stream.linear.gather [hbm4b:s17+s2], $0x80, $0x38;
	[tilespmem:$0x4900] =	vst v63  }
0x3a: {  	_ =	swait.ge [sflag:s3], $0x80  }
0x3b: {  	[sflag:s3] =	ssyncset.done $0x0  }
0x3c: {  	s18 =	sadd.s32 s22, s18;
	[sflag:s3] =	ssyncadd.s32 $0xFFFFFF80  }
0x3d: {  	[tilespmem:s6], [sflag:$0x2] =	stream.linear.gather [hbm4b:s18+s2], $0x80, $0x38;
	[tilespmem:$0x4900] =	vst v63  }
0x3e: {  	_ =	swait.ge [sflag:s3], $0x80  }
0x3f: {  	[sflag:s3] =	ssyncset.done $0x0  }
0x40: {  	[sflag:s3] =	ssyncadd.s32 $0xFFFFFF80  }
0x41: {  	[tilespmem:s8], [sflag:$0x1] =	stream.indirect.gather [hbm4b:s7+s6], $0x48, s2, s6, $0xb8;
	[tilespmem:$0x4900] =	vst v63  }
0x42: {  	_ = 	snop  }
0x43: {  	[tilespmem:s9], [sflag:$0x1] =	stream.indirect.gather [hbm4b:s7+s6], $0x48, s6, s6, $0xb8;
	[tilespmem:$0x4900] =	vst v63  }
0x44: {  	_ =	swait.ge [sflag:s10], $0x2400  }
0x45: {  	[sflag:s10] =	ssyncset.done $0x0  }
0x46: {  	[sflag:s10] =	ssyncadd.s32 $0xFFFFDC00  }
0x47: {  	s20 =	smul.u32 $0x9, s19;
	_ =	swait.ge [sflag:s10], $0x2400  }
0x48: {  	[sflag:s10] =	ssyncset.done $0x0  }
0x49: {  	s19 =	sadd.s32 s26, s20;
	[sflag:s10] =	ssyncadd.s32 $0xFFFFDC00  }
0x4a: {  	[hbm4b:s19+s2] =	stream.linear.scatter [tilespmem:s8], [sflag:$0x2], $0x2400, $0x38;
	[tilespmem:$0x4900] =	vst v63  }
0x4b: {  	_ =	swait.ge [sflag:s3], $0x2400  }
0x4c: {  	[sflag:s3] =	ssyncset.done $0x0  }
0x4d: {  	s20 =	sadd.s32 s25, s20;
	[sflag:s3] =	ssyncadd.s32 $0xFFFFDC00  }
0x4e: {  	[hbm4b:s20+s2] =	stream.linear.scatter [tilespmem:s9], [sflag:$0x2], $0x2400, $0x38;
	[tilespmem:$0x4900] =	vst v63  }
0x4f: {  	s24 =	sor.u32 $0x180, s24;
	_ =	swait.ge [sflag:s3], $0x2400  }
0x50: {  	s28 =	sshrl.u32 s24, $0x3;
	[sflag:s3] =	ssyncset.done $0x0  }
0x51: {  	s21 =	sadd.s32 s21, s28;
	[sflag:s3] =	ssyncadd.s32 $0xFFFFDC00  }
0x52: {  	[tilespmem:s2], [sflag:$0x2] =	stream.linear.gather [hbm4b:s21+s2], $0x80, $0x38;
	[tilespmem:$0x4900] =	vst v63  }
0x53: {  	_ =	swait.ge [sflag:s3], $0x80  }
0x54: {  	[sflag:s3] =	ssyncset.done $0x0  }
0x55: {  	s22 =	sadd.s32 s22, s28;
	[sflag:s3] =	ssyncadd.s32 $0xFFFFFF80  }
0x56: {  	[tilespmem:s6], [sflag:$0x2] =	stream.linear.gather [hbm4b:s22+s2], $0x80, $0x38;
	[tilespmem:$0x4900] =	vst v63  }
0x57: {  	_ =	swait.ge [sflag:s3], $0x80  }
0x58: {  	[sflag:s3] =	ssyncset.done $0x0  }
0x59: {  	[sflag:s3] =	ssyncadd.s32 $0xFFFFFF80  }
0x5a: {  	[tilespmem:s8], [sflag:$0x1] =	stream.indirect.gather [hbm4b:s7+s6], $0x48, s2, s6, $0xb8;
	[tilespmem:$0x4900] =	vst v63  }
0x5b: {  	_ = 	snop  }
0x5c: {  	[tilespmem:s9], [sflag:$0x1] =	stream.indirect.gather [hbm4b:s7+s6], $0x48, s6, s6, $0xb8;
	[tilespmem:$0x4900] =	vst v63  }
0x5d: {  	_ =	swait.ge [sflag:s10], $0x2400  }
0x5e: {  	[sflag:s10] =	ssyncset.done $0x0  }
0x5f: {  	s29 =	ssub.s32 $0x2, s23;
	s24 =	smul.u32 $0x9, s24;
	[sflag:s10] =	ssyncadd.s32 $0xFFFFDC00  }
0x60: {  	s30 =	sshrl.u32 s29, $0x1;
	_ =	swait.ge [sflag:s10], $0x2400  }
0x61: {  	s23 =	sadd.s32 s26, s24;
	s26 =	ssub.s32 s29, s30;
	[sflag:s10] =	ssyncset.done $0x0  }
0x62: {  	s31 =	smax.u32 s26, $0x1;
	[sflag:s10] =	ssyncadd.s32 $0xFFFFDC00  }
0x63: {  	[hbm4b:s23+s2] =	stream.linear.scatter [tilespmem:s8], [sflag:$0x2], $0x2400, $0x38;
	[tilespmem:$0x4900] =	vst v63  }
0x64: {  	p0 =	sne.s32 s31, $0x1;
	_ =	swait.ge [sflag:s3], $0x2400  }
.Ltmp0:
0x65: {  	[sflag:s3] =	ssyncset.done $0x0;
	(pc) =	sbr.rel @!p0 .LBB2_2-.Ltmp0, $4  }
0x66: {  	s24 =	sadd.s32 s25, s24;
	[sflag:s3] =	ssyncadd.s32 $0xFFFFDC00  }
0x67: {  	[hbm4b:s24+s2] =	stream.linear.scatter [tilespmem:s9], [sflag:$0x2], $0x2400, $0x38;
	[tilespmem:$0x4900] =	vst v63  }
0x68: {  	_ =	swait.ge [sflag:s3], $0x2400  }
0x69: {  	s25 =	sadd.s32 $0xFFFFFFFF, s31;
	[sflag:s3] =	ssyncset.done $0x0  }
.LBB2_1:
0x6a: {  	p0 =	sne.s32 s25, $0x1;
	s25 =	sadd.s32 $0xFFFFFFFF, s25;
	[sflag:s3] =	ssyncadd.s32 $0xFFFFDC00  }
0x6b: {  	[tilespmem:s2], [sflag:$0x2] =	stream.linear.gather [hbm4b:s4+s2], $0x80, $0x38;
	[tilespmem:$0x4900] =	vst v63  }
0x6c: {  	_ =	swait.ge [sflag:s3], $0x80  }
0x6d: {  	[sflag:s3] =	ssyncset.done $0x0  }
0x6e: {  	[sflag:s3] =	ssyncadd.s32 $0xFFFFFF80  }
0x6f: {  	[tilespmem:s6], [sflag:$0x2] =	stream.linear.gather [hbm4b:s5+s2], $0x80, $0x38;
	[tilespmem:$0x4900] =	vst v63  }
0x70: {  	_ =	swait.ge [sflag:s3], $0x80  }
0x71: {  	[sflag:s3] =	ssyncset.done $0x0  }
0x72: {  	[sflag:s3] =	ssyncadd.s32 $0xFFFFFF80  }
0x73: {  	[tilespmem:s8], [sflag:$0x1] =	stream.indirect.gather [hbm4b:s7+s6], $0x48, s2, s6, $0xb8;
	[tilespmem:$0x4900] =	vst v63  }
0x74: {  	_ = 	snop  }
0x75: {  	[tilespmem:s9], [sflag:$0x1] =	stream.indirect.gather [hbm4b:s7+s6], $0x48, s6, s6, $0xb8;
	[tilespmem:$0x4900] =	vst v63  }
0x76: {  	_ =	swait.ge [sflag:s10], $0x2400  }
0x77: {  	[sflag:s10] =	ssyncset.done $0x0  }
0x78: {  	[sflag:s10] =	ssyncadd.s32 $0xFFFFDC00  }
0x79: {  	_ =	swait.ge [sflag:s10], $0x2400  }
0x7a: {  	[sflag:s10] =	ssyncset.done $0x0  }
0x7b: {  	[sflag:s10] =	ssyncadd.s32 $0xFFFFDC00  }
0x7c: {  	[hbm4b:s11+s2] =	stream.linear.scatter [tilespmem:s8], [sflag:$0x2], $0x2400, $0x38;
	[tilespmem:$0x4900] =	vst v63  }
0x7d: {  	_ =	swait.ge [sflag:s3], $0x2400  }
0x7e: {  	[sflag:s3] =	ssyncset.done $0x0  }
0x7f: {  	[sflag:s3] =	ssyncadd.s32 $0xFFFFDC00  }
0x80: {  	[hbm4b:s12+s2] =	stream.linear.scatter [tilespmem:s9], [sflag:$0x2], $0x2400, $0x38;
	[tilespmem:$0x4900] =	vst v63  }
0x81: {  	_ =	swait.ge [sflag:s3], $0x2400  }
0x82: {  	[sflag:s3] =	ssyncset.done $0x0  }
0x83: {  	[sflag:s3] =	ssyncadd.s32 $0xFFFFDC00  }
0x84: {  	[tilespmem:s2], [sflag:$0x2] =	stream.linear.gather [hbm4b:s13+s2], $0x80, $0x38;
	[tilespmem:$0x4900] =	vst v63  }
0x85: {  	_ =	swait.ge [sflag:s3], $0x80  }
0x86: {  	[sflag:s3] =	ssyncset.done $0x0  }
0x87: {  	[sflag:s3] =	ssyncadd.s32 $0xFFFFFF80  }
0x88: {  	[tilespmem:s6], [sflag:$0x2] =	stream.linear.gather [hbm4b:s14+s2], $0x80, $0x38;
	[tilespmem:$0x4900] =	vst v63  }
0x89: {  	_ =	swait.ge [sflag:s3], $0x80  }
0x8a: {  	[sflag:s3] =	ssyncset.done $0x0  }
0x8b: {  	[sflag:s3] =	ssyncadd.s32 $0xFFFFFF80  }
0x8c: {  	[tilespmem:s8], [sflag:$0x1] =	stream.indirect.gather [hbm4b:s7+s6], $0x48, s2, s6, $0xb8;
	[tilespmem:$0x4900] =	vst v63  }
0x8d: {  	_ = 	snop  }
0x8e: {  	[tilespmem:s9], [sflag:$0x1] =	stream.indirect.gather [hbm4b:s7+s6], $0x48, s6, s6, $0xb8;
	[tilespmem:$0x4900] =	vst v63  }
0x8f: {  	_ =	swait.ge [sflag:s10], $0x2400  }
0x90: {  	[sflag:s10] =	ssyncset.done $0x0  }
0x91: {  	[sflag:s10] =	ssyncadd.s32 $0xFFFFDC00  }
0x92: {  	_ =	swait.ge [sflag:s10], $0x2400  }
0x93: {  	[sflag:s10] =	ssyncset.done $0x0  }
0x94: {  	[sflag:s10] =	ssyncadd.s32 $0xFFFFDC00  }
0x95: {  	[hbm4b:s15+s2] =	stream.linear.scatter [tilespmem:s8], [sflag:$0x2], $0x2400, $0x38;
	[tilespmem:$0x4900] =	vst v63  }
0x96: {  	_ =	swait.ge [sflag:s3], $0x2400  }
0x97: {  	[sflag:s3] =	ssyncset.done $0x0  }
0x98: {  	[sflag:s3] =	ssyncadd.s32 $0xFFFFDC00  }
0x99: {  	[hbm4b:s16+s2] =	stream.linear.scatter [tilespmem:s9], [sflag:$0x2], $0x2400, $0x38;
	[tilespmem:$0x4900] =	vst v63  }
0x9a: {  	_ =	swait.ge [sflag:s3], $0x2400  }
0x9b: {  	[sflag:s3] =	ssyncset.done $0x0  }
0x9c: {  	[sflag:s3] =	ssyncadd.s32 $0xFFFFDC00  }
0x9d: {  	[tilespmem:s2], [sflag:$0x2] =	stream.linear.gather [hbm4b:s17+s2], $0x80, $0x38;
	[tilespmem:$0x4900] =	vst v63  }
0x9e: {  	_ =	swait.ge [sflag:s3], $0x80  }
0x9f: {  	[sflag:s3] =	ssyncset.done $0x0  }
0xa0: {  	[sflag:s3] =	ssyncadd.s32 $0xFFFFFF80  }
0xa1: {  	[tilespmem:s6], [sflag:$0x2] =	stream.linear.gather [hbm4b:s18+s2], $0x80, $0x38;
	[tilespmem:$0x4900] =	vst v63  }
0xa2: {  	_ =	swait.ge [sflag:s3], $0x80  }
0xa3: {  	[sflag:s3] =	ssyncset.done $0x0  }
0xa4: {  	[sflag:s3] =	ssyncadd.s32 $0xFFFFFF80  }
0xa5: {  	[tilespmem:s8], [sflag:$0x1] =	stream.indirect.gather [hbm4b:s7+s6], $0x48, s2, s6, $0xb8;
	[tilespmem:$0x4900] =	vst v63  }
0xa6: {  	_ = 	snop  }
0xa7: {  	[tilespmem:s9], [sflag:$0x1] =	stream.indirect.gather [hbm4b:s7+s6], $0x48, s6, s6, $0xb8;
	[tilespmem:$0x4900] =	vst v63  }
0xa8: {  	_ =	swait.ge [sflag:s10], $0x2400  }
0xa9: {  	[sflag:s10] =	ssyncset.done $0x0  }
0xaa: {  	[sflag:s10] =	ssyncadd.s32 $0xFFFFDC00  }
0xab: {  	_ =	swait.ge [sflag:s10], $0x2400  }
0xac: {  	[sflag:s10] =	ssyncset.done $0x0  }
0xad: {  	[sflag:s10] =	ssyncadd.s32 $0xFFFFDC00  }
0xae: {  	[hbm4b:s19+s2] =	stream.linear.scatter [tilespmem:s8], [sflag:$0x2], $0x2400, $0x38;
	[tilespmem:$0x4900] =	vst v63  }
0xaf: {  	_ =	swait.ge [sflag:s3], $0x2400  }
0xb0: {  	[sflag:s3] =	ssyncset.done $0x0  }
0xb1: {  	[sflag:s3] =	ssyncadd.s32 $0xFFFFDC00  }
0xb2: {  	[hbm4b:s20+s2] =	stream.linear.scatter [tilespmem:s9], [sflag:$0x2], $0x2400, $0x38;
	[tilespmem:$0x4900] =	vst v63  }
0xb3: {  	_ =	swait.ge [sflag:s3], $0x2400  }
0xb4: {  	[sflag:s3] =	ssyncset.done $0x0  }
0xb5: {  	[sflag:s3] =	ssyncadd.s32 $0xFFFFDC00  }
0xb6: {  	[tilespmem:s2], [sflag:$0x2] =	stream.linear.gather [hbm4b:s21+s2], $0x80, $0x38;
	[tilespmem:$0x4900] =	vst v63  }
0xb7: {  	_ =	swait.ge [sflag:s3], $0x80  }
0xb8: {  	[sflag:s3] =	ssyncset.done $0x0  }
0xb9: {  	[sflag:s3] =	ssyncadd.s32 $0xFFFFFF80  }
0xba: {  	[tilespmem:s6], [sflag:$0x2] =	stream.linear.gather [hbm4b:s22+s2], $0x80, $0x38;
	[tilespmem:$0x4900] =	vst v63  }
0xbb: {  	_ =	swait.ge [sflag:s3], $0x80  }
0xbc: {  	[sflag:s3] =	ssyncset.done $0x0  }
0xbd: {  	[sflag:s3] =	ssyncadd.s32 $0xFFFFFF80  }
0xbe: {  	[tilespmem:s8], [sflag:$0x1] =	stream.indirect.gather [hbm4b:s7+s6], $0x48, s2, s6, $0xb8;
	[tilespmem:$0x4900] =	vst v63  }
0xbf: {  	_ = 	snop  }
0xc0: {  	[tilespmem:s9], [sflag:$0x1] =	stream.indirect.gather [hbm4b:s7+s6], $0x48, s6, s6, $0xb8;
	[tilespmem:$0x4900] =	vst v63  }
0xc1: {  	_ =	swait.ge [sflag:s10], $0x2400  }
0xc2: {  	[sflag:s10] =	ssyncset.done $0x0  }
0xc3: {  	[sflag:s10] =	ssyncadd.s32 $0xFFFFDC00  }
0xc4: {  	_ =	swait.ge [sflag:s10], $0x2400  }
0xc5: {  	[sflag:s10] =	ssyncset.done $0x0  }
0xc6: {  	[sflag:s10] =	ssyncadd.s32 $0xFFFFDC00  }
0xc7: {  	[hbm4b:s23+s2] =	stream.linear.scatter [tilespmem:s8], [sflag:$0x2], $0x2400, $0x38;
	[tilespmem:$0x4900] =	vst v63  }
0xc8: {  	_ =	swait.ge [sflag:s3], $0x2400  }
.Ltmp1:
0xc9: {  	[sflag:s3] =	ssyncset.done $0x0;
	(pc) =	sbr.rel @p0 .LBB2_1-.Ltmp1, $4  }
0xca: {  	[sflag:s3] =	ssyncadd.s32 $0xFFFFDC00  }
0xcb: {  	[hbm4b:s24+s2] =	stream.linear.scatter [tilespmem:s9], [sflag:$0x2], $0x2400, $0x38;
	[tilespmem:$0x4900] =	vst v63  }
0xcc: {  	_ =	swait.ge [sflag:s3], $0x2400  }
0xcd: {  	[sflag:s3] =	ssyncset.done $0x0  }
.LBB2_2:
0xce: {  	[sflag:s3] =	ssyncadd.s32 $0xFFFFDC00  }
0xcf: {  	_ =	sfence.sel $0x180000  }
0xd0: {  	[bflag:$0x0] =	sbarrier.arrive $0xFFFF  }
0xd1: {  	p0 =	sne.s32 s0, $0x0;
	_ =	strace $0x90000050  }
0xd2: {  	s0 =	sadd.s32 @!p0 $0x100000, s1;
	[bflag:$0x2] =	sbarrier.arrive $0xFFFF  }
0xd3: {  	[sflag:s0] =	ssyncadd.tile.s32 @!p0 $0x1;
	_ =	shalt  }
.Lfunc_end2:
_tile_overlayer_lowered:
.L_overlay_start_2:
0xd4: {  	(tag) =	ssettag $0x2  }
0xd5: {  	s0 =	rddreg [dreg:$0x0];
	s2 =	stileid.u32  }
0xd6: {  	s1 =	rddreg [dreg:$0x1];
	p0 =	sne.s32 s2, $0x0  }
0xd7: {  	s3 =	rddreg [dreg:$0x2];
	[bflag:$0x3] =	sbarrier.arrive $0xFFFF;
	s2 =	simm.s32 @!p0 $0x1C02  }
0xd8: {  	[timem:s3], [sflag:s2] =	dma.local @!p0 [hbm:s0], s1  }
0xd9: {  	s0 =	simm.s32 @!p0 $0x2  }
0xda: {  	_ =	swait.ge @!p0 [sflag:s0], s1  }
0xdb: {  	s1 =	ssub.s32 @!p0 $0x0, s1;
	[sflag:s0] =	ssyncset.done @!p0 $0x0  }
0xdc: {  	[sflag:s0] =	ssyncadd.s32 @!p0 s1  }
0xdd: {  	[bflag:$0x3] =	sbarrier.arrive $0xFFFF  }
0xde: {  	_ =	shalt  }

</sc_bundles>
